<compile_context>
chip_gen: v7x
topology: tpu7x:2x2x1
jax: 0.10.2.dev20260603
libtpu: 0.0.44.dev20260713+nightly
codegen_flags: <defaults>
</compile_context>

<pallas_src>
import functools

import jax
import jax.numpy as jnp
from jax import lax
from jax.experimental import pallas as pl
from jax.experimental.pallas import tpu as pltpu
from jax.experimental.pallas import tpu_sc as plsc

D_MODEL = 1024
KW_TYPES = 6
N_TOK = 4 * 4096
L = 16
NC, NS = 2, 16
NW = NC * NS
TOK_PER_W = N_TOK // NW
CHUNK = 16
NCHUNK = TOK_PER_W // CHUNK
NBUF = 7
PREF = 2


def _body(x_hbm, idx_hbm, tab_hbm, out_hbm, idx_v, tab_v, xbuf,
          in_sems, out_sems):
    wid = lax.axis_index("s") * NC + lax.axis_index("c")
    tok_base = wid * TOK_PER_W

    lane = lax.iota(jnp.int32, L)

    def in_copy(g, s):
        return pltpu.make_async_copy(
            x_hbm.at[pl.ds(tok_base + g * CHUNK, CHUNK), :],
            xbuf.at[s], in_sems.at[s])

    def out_copy(g, s):
        return pltpu.make_async_copy(
            xbuf.at[s],
            out_hbm.at[pl.ds(tok_base + g * CHUNK, CHUNK), :],
            out_sems.at[s])

    def compute_chunk(g, s):
        buf = xbuf.at[s]

        @plsc.parallel_loop(0, CHUNK)
        def tok_body(t):
            it = plsc.load_gather(
                idx_v, [jnp.full((L,), g * CHUNK + t, jnp.int32)])
            row = it * D_MODEL + lane
            for j in range(D_MODEL // L):
                gv = plsc.load_gather(
                    tab_v.at[pl.ds(j * L, KW_TYPES * D_MODEL - j * L)], [row])
                plsc.addupdate(buf.at[t, pl.ds(j * L, L)], gv)

    for g0 in range(PREF):
        in_copy(g0, g0).start()
    pltpu.sync_copy(idx_hbm.at[pl.ds(tok_base, TOK_PER_W)], idx_v)
    pltpu.sync_copy(tab_hbm, tab_v)

    def chunk_body(g, s):
        s1 = jnp.where(s + 1 == NBUF, 0, s + 1)
        sp = s + PREF
        sp = jnp.where(sp >= NBUF, sp - NBUF, sp)

        @pl.when(g + PREF < NCHUNK)
        def _():
            @pl.when(g + PREF >= NBUF)
            def _():
                out_copy(jnp.maximum(g + PREF - NBUF, 0), sp).wait()
            in_copy(g + PREF, sp).start()

        in_copy(g, s).wait()
        compute_chunk(g, s)
        out_copy(g, s).start()
        return s1

    lax.fori_loop(0, NCHUNK, chunk_body, jnp.int32(0))
    for g in range(NCHUNK - NBUF, NCHUNK):
        out_copy(g, g % NBUF).wait()


@jax.jit
def _run(x_flat, idx, tab_flat):
    mesh = plsc.VectorSubcoreMesh(core_axis_name="c", subcore_axis_name="s")
    k = functools.partial(
        pl.kernel,
        mesh=mesh,
        compiler_params=pltpu.CompilerParams(
            needs_layout_passes=False,
            disable_bounds_checks=True,
            disable_semaphore_checks=True,
        ),
        out_type=jax.ShapeDtypeStruct((N_TOK, D_MODEL), jnp.float32),
        scratch_types=[
            pltpu.VMEM((TOK_PER_W,), jnp.int32),
            pltpu.VMEM((KW_TYPES * D_MODEL,), jnp.float32),
            pltpu.VMEM((NBUF, CHUNK, D_MODEL), jnp.float32),
            pltpu.SemaphoreType.DMA((NBUF,)),
            pltpu.SemaphoreType.DMA((NBUF,)),
        ],
    )(_body)
    return k(x_flat, idx, tab_flat)


def kernel(x, keywords_type, type_embedding):
    x2d = x.reshape(N_TOK, D_MODEL)
    idx = keywords_type.astype(jnp.int32).reshape(-1)
    tab_flat = type_embedding.astype(jnp.float32).reshape(-1)
    out = _run(x2d, idx, tab_flat)
    return out.reshape(x.shape)

# --- scband reference (transcript-rebuilt; emitter-appended) ---
"""Pipeline reference for scband-keywords-encoding-21449066676704 (READ-ONLY COPY).

The authoritative reference and input builder live on the scoring server;
editing this copy changes nothing except your own understanding.
"""

import jax, jax.numpy as jnp
import numpy as np

D_MODEL = 1024
KW_TYPES = 6
B, S = 4, 4096

def setup_inputs(seed: int = 0) -> dict:
    key = jax.random.key(seed)
    k1, k2, k3 = jax.random.split(key, 3)
    x = jax.random.normal(k1, (B, S, D_MODEL), dtype=jnp.float32)
    keywords_type = jax.random.randint(k2, (B, S), 0, KW_TYPES, dtype=jnp.int64)
    type_embedding = jax.random.normal(k3, (KW_TYPES, D_MODEL), dtype=jnp.float32) * 0.02
    return {"x": x, "keywords_type": keywords_type, "type_embedding": type_embedding}

def reference(x, keywords_type, type_embedding):
    # x = x + self.type_embedding(keywords_type)
    emb = jnp.take(type_embedding, keywords_type, axis=0)
    out = x + emb
    # dropout in eval/inference mode is identity
    return out

if __name__ == "__main__":
    import jax
    _d = setup_inputs()
    print(jax.jit(kernel)(*tuple(_d.values())))

</pallas_src>

<mosaic_0001>
#map = affine_map<(d0, d1) -> (0, 0)>
#map1 = affine_map<(d0, d1) -> (0)>
module attributes {stable_mosaic.version = 14 : i64} {
  func.func @_body(%arg0: i32, %arg1: i32, %arg2: memref<16384x1024xf32, #tpu.memory_space<hbm>>, %arg3: memref<16384xi32, #tpu.memory_space<hbm>>, %arg4: memref<6144xf32, #tpu.memory_space<hbm>>, %arg5: memref<16384x1024xf32, #tpu.memory_space<hbm>>, %arg6: memref<512xi32, #tpu.memory_space<vmem>>, %arg7: memref<6144xf32, #tpu.memory_space<vmem>>, %arg8: memref<7x16x1024xf32, #tpu.memory_space<vmem>>, %arg9: memref<7x!tpu.dma_semaphore, #tpu.memory_space<semaphore_mem>>, %arg10: memref<7x!tpu.dma_semaphore, #tpu.memory_space<semaphore_mem>>) attributes {dimension_semantics = [#tpu.dimension_semantics<core_parallel>, #tpu.dimension_semantics<subcore_parallel>], iteration_bounds = array<i64: 2, 16>, scalar_prefetch = 0 : i64, scratch_operands = 5 : i64, tpu.core_type = #tpu.core_type<sc_vector_subcore>, window_params = [{transform_indices = #map}, {transform_indices = #map1}, {transform_indices = #map1}, {transform_indices = #map}]} {
    %mul3A = arith.constant 2 : i32
    %mul3A_0 = arith.muli %arg1, %mul3A : i32
    %add3A = arith.addi %mul3A_0, %arg0 : i32
    %mul3A_1 = arith.constant 512 : i32
    %mul3A_2 = arith.muli %add3A, %mul3A_1 : i32
    %iota3A = tpu.iota {dimensions = array<i32: 0>} : vector<16xi32>
    %add3A_3 = arith.constant 0 : i32
    %add3A_4 = arith.addi %mul3A_2, %add3A_3 : i32
    %dma_start3A = arith.constant 0 : i32
    %dma_start3A_5 = arith.constant 0 : i32
    %dma_start3A_6 = arith.constant 0 : i32
    %dma_start3A_7 = arith.constant 0 : i32
    %dma_start3A_8 = tpu.memref_slice %arg8[%dma_start3A, %dma_start3A_6, %dma_start3A_7] : memref<7x16x1024xf32, #tpu.memory_space<vmem>> -> memref<1x16x1024xf32, #tpu.memory_space<vmem>>
    %dma_start3A_9 = tpu.memref_squeeze %dma_start3A_8 : memref<1x16x1024xf32, #tpu.memory_space<vmem>> -> memref<16x1024xf32, #tpu.memory_space<vmem>>
    %dma_start3A_10 = arith.constant 0 : i32
    %dma_start3A_11 = tpu.memref_slice %arg2[%add3A_4, %dma_start3A_10] : memref<16384x1024xf32, #tpu.memory_space<hbm>> -> memref<16x1024xf32, #tpu.memory_space<hbm>>
    %dma_start3A_12 = tpu.memref_slice %arg9[%dma_start3A_5] : memref<7x!tpu.dma_semaphore, #tpu.memory_space<semaphore_mem>> -> memref<1x!tpu.dma_semaphore, #tpu.memory_space<semaphore_mem>>
    %dma_start3A_13 = tpu.memref_squeeze %dma_start3A_12 : memref<1x!tpu.dma_semaphore, #tpu.memory_space<semaphore_mem>> -> memref<!tpu.dma_semaphore, #tpu.memory_space<semaphore_mem>>
    %dma_start3A_14 = arith.constant 0 : i32
    %dma_start3A_15 = arith.constant 0 : i32
    %dma_start3A_16 = tpu.memref_slice %arg8[%dma_start3A, %dma_start3A_14, %dma_start3A_15] : memref<7x16x1024xf32, #tpu.memory_space<vmem>> -> memref<1x16x1024xf32, #tpu.memory_space<vmem>>
    %dma_start3A_17 = tpu.memref_squeeze %dma_start3A_16 : memref<1x16x1024xf32, #tpu.memory_space<vmem>> -> memref<16x1024xf32, #tpu.memory_space<vmem>>
    %dma_start3A_18 = arith.constant 0 : i32
    %dma_start3A_19 = tpu.memref_slice %arg2[%add3A_4, %dma_start3A_18] : memref<16384x1024xf32, #tpu.memory_space<hbm>> -> memref<16x1024xf32, #tpu.memory_space<hbm>>
    tpu.enqueue_dma source(%dma_start3A_19 : memref<16x1024xf32, #tpu.memory_space<hbm>>) target(%dma_start3A_17 : memref<16x1024xf32, #tpu.memory_space<vmem>>) target_semaphore(%dma_start3A_13 : memref<!tpu.dma_semaphore, #tpu.memory_space<semaphore_mem>>)
    %add3A_20 = arith.constant 16 : i32
    %add3A_21 = arith.addi %mul3A_2, %add3A_20 : i32
    %dma_start3A_22 = arith.constant 1 : i32
    %dma_start3A_23 = arith.constant 1 : i32
    %dma_start3A_24 = arith.constant 0 : i32
    %dma_start3A_25 = arith.constant 0 : i32
    %dma_start3A_26 = tpu.memref_slice %arg8[%dma_start3A_22, %dma_start3A_24, %dma_start3A_25] : memref<7x16x1024xf32, #tpu.memory_space<vmem>> -> memref<1x16x1024xf32, #tpu.memory_space<vmem>>
    %dma_start3A_27 = tpu.memref_squeeze %dma_start3A_26 : memref<1x16x1024xf32, #tpu.memory_space<vmem>> -> memref<16x1024xf32, #tpu.memory_space<vmem>>
    %dma_start3A_28 = arith.constant 0 : i32
    %dma_start3A_29 = tpu.memref_slice %arg2[%add3A_21, %dma_start3A_28] : memref<16384x1024xf32, #tpu.memory_space<hbm>> -> memref<16x1024xf32, #tpu.memory_space<hbm>>
    %dma_start3A_30 = tpu.memref_slice %arg9[%dma_start3A_23] : memref<7x!tpu.dma_semaphore, #tpu.memory_space<semaphore_mem>> -> memref<1x!tpu.dma_semaphore, #tpu.memory_space<semaphore_mem>>
    %dma_start3A_31 = tpu.memref_squeeze %dma_start3A_30 : memref<1x!tpu.dma_semaphore, #tpu.memory_space<semaphore_mem>> -> memref<!tpu.dma_semaphore, #tpu.memory_space<semaphore_mem>>
    %dma_start3A_32 = arith.constant 0 : i32
    %dma_start3A_33 = arith.constant 0 : i32
    %dma_start3A_34 = tpu.memref_slice %arg8[%dma_start3A_22, %dma_start3A_32, %dma_start3A_33] : memref<7x16x1024xf32, #tpu.memory_space<vmem>> -> memref<1x16x1024xf32, #tpu.memory_space<vmem>>
    %dma_start3A_35 = tpu.memref_squeeze %dma_start3A_34 : memref<1x16x1024xf32, #tpu.memory_space<vmem>> -> memref<16x1024xf32, #tpu.memory_space<vmem>>
    %dma_start3A_36 = arith.constant 0 : i32
    %dma_start3A_37 = tpu.memref_slice %arg2[%add3A_21, %dma_start3A_36] : memref<16384x1024xf32, #tpu.memory_space<hbm>> -> memref<16x1024xf32, #tpu.memory_space<hbm>>
    tpu.enqueue_dma source(%dma_start3A_37 : memref<16x1024xf32, #tpu.memory_space<hbm>>) target(%dma_start3A_35 : memref<16x1024xf32, #tpu.memory_space<vmem>>) target_semaphore(%dma_start3A_31 : memref<!tpu.dma_semaphore, #tpu.memory_space<semaphore_mem>>)
    "tpu.region"() ({
      %run_scoped3A = tpu.sem_alloc : memref<!tpu.dma_semaphore, #tpu.memory_space<semaphore_mem>>
      %dma_start3A_169 = tpu.memref_slice %arg3[%mul3A_2] : memref<16384xi32, #tpu.memory_space<hbm>> -> memref<512xi32, #tpu.memory_space<hbm>>
      %dma_start3A_170 = tpu.memref_slice %arg3[%mul3A_2] : memref<16384xi32, #tpu.memory_space<hbm>> -> memref<512xi32, #tpu.memory_space<hbm>>
      tpu.enqueue_dma source(%dma_start3A_170 : memref<512xi32, #tpu.memory_space<hbm>>) target(%arg6 : memref<512xi32, #tpu.memory_space<vmem>>) target_semaphore(%run_scoped3A : memref<!tpu.dma_semaphore, #tpu.memory_space<semaphore_mem>>)
      %dma_wait3A_171 = tpu.memref_slice %arg3[%mul3A_2] : memref<16384xi32, #tpu.memory_space<hbm>> -> memref<512xi32, #tpu.memory_space<hbm>>
      %dma_wait3A_172 = tpu.memref_slice %arg3[%mul3A_2] : memref<16384xi32, #tpu.memory_space<hbm>> -> memref<512xi32, #tpu.memory_space<hbm>>
      tpu.wait_dma2 semaphore(%run_scoped3A : memref<!tpu.dma_semaphore, #tpu.memory_space<semaphore_mem>>) src(%dma_wait3A_172 : memref<512xi32, #tpu.memory_space<hbm>>) dst(%arg6 : memref<512xi32, #tpu.memory_space<vmem>>)
      tpu.yield
    }) : () -> ()
    "tpu.region"() ({
      %run_scoped3A = tpu.sem_alloc : memref<!tpu.dma_semaphore, #tpu.memory_space<semaphore_mem>>
      tpu.enqueue_dma source(%arg4 : memref<6144xf32, #tpu.memory_space<hbm>>) target(%arg7 : memref<6144xf32, #tpu.memory_space<vmem>>) target_semaphore(%run_scoped3A : memref<!tpu.dma_semaphore, #tpu.memory_space<semaphore_mem>>)
      tpu.wait_dma2 semaphore(%run_scoped3A : memref<!tpu.dma_semaphore, #tpu.memory_space<semaphore_mem>>) src(%arg4 : memref<6144xf32, #tpu.memory_space<hbm>>) dst(%arg7 : memref<6144xf32, #tpu.memory_space<vmem>>)
      tpu.yield
    }) : () -> ()
    %scan3A = arith.constant 0 : i32
    %scan3A_38 = arith.constant 0 : i32
    %scan3A_39 = arith.constant 32 : i32
    %scan3A_40 = arith.addi %scan3A_38, %scan3A_39 : i32
    %scan3A_41 = arith.constant 1 : i32
    %scan3A_42 = scf.for %scan3A_169 = %scan3A_38 to %scan3A_40 step %scan3A_41 iter_args(%scan3A_170 = %scan3A) -> (i32)  : i32 {
      %add3A_171 = arith.constant 1 : i32
      %add3A_172 = arith.addi %scan3A_170, %add3A_171 : i32
      %eq3A = arith.constant 7 : i32
      %eq3A_173 = arith.cmpi eq, %add3A_172, %eq3A : i32
      %add3A_174 = arith.constant 1 : i32
      %add3A_175 = arith.addi %scan3A_170, %add3A_174 : i32
      %jit3A = arith.constant 0 : i32
      %select_n3A = arith.select %eq3A_173, %jit3A, %add3A_175 : i32
      %add3A_176 = arith.constant 2 : i32
      %add3A_177 = arith.addi %scan3A_170, %add3A_176 : i32
      %ge3A = arith.constant 7 : i32
      %ge3A_178 = arith.cmpi sge, %add3A_177, %ge3A : i32
      %sub3A = arith.constant 7 : i32
      %sub3A_179 = arith.subi %add3A_177, %sub3A : i32
      %select_n3A_180 = arith.select %ge3A_178, %sub3A_179, %add3A_177 : i32
      %add3A_181 = arith.constant 2 : i32
      %add3A_182 = arith.addi %scan3A_169, %add3A_181 : i32
      %lt3A = arith.constant 32 : i32
      %lt3A_183 = arith.cmpi slt, %add3A_182, %lt3A : i32
      %convert_element_type3A = arith.extui %lt3A_183 : i1 to i32
      %cond3A = arith.constant 0 : i32
      %cond3A_184 = arith.cmpi ne, %convert_element_type3A, %cond3A : i32
      scf.if %cond3A_184 {
        %add3A_221 = arith.constant 2 : i32
        %add3A_222 = arith.addi %scan3A_169, %add3A_221 : i32
        %ge3A_223 = arith.constant 7 : i32
        %ge3A_224 = arith.cmpi sge, %add3A_222, %ge3A_223 : i32
        %convert_element_type3A_225 = arith.extui %ge3A_224 : i1 to i32
        %cond3A_226 = arith.constant 0 : i32
        %cond3A_227 = arith.cmpi ne, %convert_element_type3A_225, %cond3A_226 : i32
        scf.if %cond3A_227 {
          %add3A_247 = arith.constant 2 : i32
          %add3A_248 = arith.addi %scan3A_169, %add3A_247 : i32
          %sub3A_249 = arith.constant 7 : i32
          %sub3A_250 = arith.subi %add3A_248, %sub3A_249 : i32
          %max3A = arith.constant 0 : i32
          %max3A_251 = arith.maxsi %sub3A_250, %max3A : i32
          %mul3A_252 = arith.constant 16 : i32
          %mul3A_253 = arith.muli %max3A_251, %mul3A_252 : i32
          %add3A_254 = arith.addi %mul3A_2, %mul3A_253 : i32
          %dma_wait3A_255 = arith.constant 0 : i32
          %dma_wait3A_256 = arith.constant 0 : i32
          %dma_wait3A_257 = tpu.memref_slice %arg8[%select_n3A_180, %dma_wait3A_255, %dma_wait3A_256] : memref<7x16x1024xf32, #tpu.memory_space<vmem>> -> memref<1x16x1024xf32, #tpu.memory_space<vmem>>
          %dma_wait3A_258 = tpu.memref_squeeze %dma_wait3A_257 : memref<1x16x1024xf32, #tpu.memory_space<vmem>> -> memref<16x1024xf32, #tpu.memory_space<vmem>>
          %dma_wait3A_259 = arith.constant 0 : i32
          %dma_wait3A_260 = tpu.memref_slice %arg5[%add3A_254, %dma_wait3A_259] : memref<16384x1024xf32, #tpu.memory_space<hbm>> -> memref<16x1024xf32, #tpu.memory_space<hbm>>
          %dma_wait3A_261 = tpu.memref_slice %arg10[%select_n3A_180] : memref<7x!tpu.dma_semaphore, #tpu.memory_space<semaphore_mem>> -> memref<1x!tpu.dma_semaphore, #tpu.memory_space<semaphore_mem>>
          %dma_wait3A_262 = tpu.memref_squeeze %dma_wait3A_261 : memref<1x!tpu.dma_semaphore, #tpu.memory_space<semaphore_mem>> -> memref<!tpu.dma_semaphore, #tpu.memory_space<semaphore_mem>>
          %dma_wait3A_263 = arith.constant 0 : i32
          %dma_wait3A_264 = tpu.memref_slice %arg5[%add3A_254, %dma_wait3A_263] : memref<16384x1024xf32, #tpu.memory_space<hbm>> -> memref<16x1024xf32, #tpu.memory_space<hbm>>
          %dma_wait3A_265 = arith.constant 0 : i32
          %dma_wait3A_266 = arith.constant 0 : i32
          %dma_wait3A_267 = tpu.memref_slice %arg8[%select_n3A_180, %dma_wait3A_265, %dma_wait3A_266] : memref<7x16x1024xf32, #tpu.memory_space<vmem>> -> memref<1x16x1024xf32, #tpu.memory_space<vmem>>
          %dma_wait3A_268 = tpu.memref_squeeze %dma_wait3A_267 : memref<1x16x1024xf32, #tpu.memory_space<vmem>> -> memref<16x1024xf32, #tpu.memory_space<vmem>>
          tpu.wait_dma2 semaphore(%dma_wait3A_262 : memref<!tpu.dma_semaphore, #tpu.memory_space<semaphore_mem>>) src(%dma_wait3A_268 : memref<16x1024xf32, #tpu.memory_space<vmem>>) dst(%dma_wait3A_264 : memref<16x1024xf32, #tpu.memory_space<hbm>>)
        } else {
        }
        %add3A_228 = arith.constant 2 : i32
        %add3A_229 = arith.addi %scan3A_169, %add3A_228 : i32
        %mul3A_230 = arith.constant 16 : i32
        %mul3A_231 = arith.muli %add3A_229, %mul3A_230 : i32
        %add3A_232 = arith.addi %mul3A_2, %mul3A_231 : i32
        %dma_start3A_233 = arith.constant 0 : i32
        %dma_start3A_234 = arith.constant 0 : i32
        %dma_start3A_235 = tpu.memref_slice %arg8[%select_n3A_180, %dma_start3A_233, %dma_start3A_234] : memref<7x16x1024xf32, #tpu.memory_space<vmem>> -> memref<1x16x1024xf32, #tpu.memory_space<vmem>>
        %dma_start3A_236 = tpu.memref_squeeze %dma_start3A_235 : memref<1x16x1024xf32, #tpu.memory_space<vmem>> -> memref<16x1024xf32, #tpu.memory_space<vmem>>
        %dma_start3A_237 = arith.constant 0 : i32
        %dma_start3A_238 = tpu.memref_slice %arg2[%add3A_232, %dma_start3A_237] : memref<16384x1024xf32, #tpu.memory_space<hbm>> -> memref<16x1024xf32, #tpu.memory_space<hbm>>
        %dma_start3A_239 = tpu.memref_slice %arg9[%select_n3A_180] : memref<7x!tpu.dma_semaphore, #tpu.memory_space<semaphore_mem>> -> memref<1x!tpu.dma_semaphore, #tpu.memory_space<semaphore_mem>>
        %dma_start3A_240 = tpu.memref_squeeze %dma_start3A_239 : memref<1x!tpu.dma_semaphore, #tpu.memory_space<semaphore_mem>> -> memref<!tpu.dma_semaphore, #tpu.memory_space<semaphore_mem>>
        %dma_start3A_241 = arith.constant 0 : i32
        %dma_start3A_242 = arith.constant 0 : i32
        %dma_start3A_243 = tpu.memref_slice %arg8[%select_n3A_180, %dma_start3A_241, %dma_start3A_242] : memref<7x16x1024xf32, #tpu.memory_space<vmem>> -> memref<1x16x1024xf32, #tpu.memory_space<vmem>>
        %dma_start3A_244 = tpu.memref_squeeze %dma_start3A_243 : memref<1x16x1024xf32, #tpu.memory_space<vmem>> -> memref<16x1024xf32, #tpu.memory_space<vmem>>
        %dma_start3A_245 = arith.constant 0 : i32
        %dma_start3A_246 = tpu.memref_slice %arg2[%add3A_232, %dma_start3A_245] : memref<16384x1024xf32, #tpu.memory_space<hbm>> -> memref<16x1024xf32, #tpu.memory_space<hbm>>
        tpu.enqueue_dma source(%dma_start3A_246 : memref<16x1024xf32, #tpu.memory_space<hbm>>) target(%dma_start3A_244 : memref<16x1024xf32, #tpu.memory_space<vmem>>) target_semaphore(%dma_start3A_240 : memref<!tpu.dma_semaphore, #tpu.memory_space<semaphore_mem>>)
      } else {
      }
      %mul3A_185 = arith.constant 16 : i32
      %mul3A_186 = arith.muli %scan3A_169, %mul3A_185 : i32
      %add3A_187 = arith.addi %mul3A_2, %mul3A_186 : i32
      %dma_wait3A_188 = arith.constant 0 : i32
      %dma_wait3A_189 = arith.constant 0 : i32
      %dma_wait3A_190 = tpu.memref_slice %arg8[%scan3A_170, %dma_wait3A_188, %dma_wait3A_189] : memref<7x16x1024xf32, #tpu.memory_space<vmem>> -> memref<1x16x1024xf32, #tpu.memory_space<vmem>>
      %dma_wait3A_191 = tpu.memref_squeeze %dma_wait3A_190 : memref<1x16x1024xf32, #tpu.memory_space<vmem>> -> memref<16x1024xf32, #tpu.memory_space<vmem>>
      %dma_wait3A_192 = arith.constant 0 : i32
      %dma_wait3A_193 = tpu.memref_slice %arg2[%add3A_187, %dma_wait3A_192] : memref<16384x1024xf32, #tpu.memory_space<hbm>> -> memref<16x1024xf32, #tpu.memory_space<hbm>>
      %dma_wait3A_194 = tpu.memref_slice %arg9[%scan3A_170] : memref<7x!tpu.dma_semaphore, #tpu.memory_space<semaphore_mem>> -> memref<1x!tpu.dma_semaphore, #tpu.memory_space<semaphore_mem>>
      %dma_wait3A_195 = tpu.memref_squeeze %dma_wait3A_194 : memref<1x!tpu.dma_semaphore, #tpu.memory_space<semaphore_mem>> -> memref<!tpu.dma_semaphore, #tpu.memory_space<semaphore_mem>>
      %dma_wait3A_196 = arith.constant 0 : i32
      %dma_wait3A_197 = arith.constant 0 : i32
      %dma_wait3A_198 = tpu.memref_slice %arg8[%scan3A_170, %dma_wait3A_196, %dma_wait3A_197] : memref<7x16x1024xf32, #tpu.memory_space<vmem>> -> memref<1x16x1024xf32, #tpu.memory_space<vmem>>
      %dma_wait3A_199 = tpu.memref_squeeze %dma_wait3A_198 : memref<1x16x1024xf32, #tpu.memory_space<vmem>> -> memref<16x1024xf32, #tpu.memory_space<vmem>>
      %dma_wait3A_200 = arith.constant 0 : i32
      %dma_wait3A_201 = tpu.memref_slice %arg2[%add3A_187, %dma_wait3A_200] : memref<16384x1024xf32, #tpu.memory_space<hbm>> -> memref<16x1024xf32, #tpu.memory_space<hbm>>
      tpu.wait_dma2 semaphore(%dma_wait3A_195 : memref<!tpu.dma_semaphore, #tpu.memory_space<semaphore_mem>>) src(%dma_wait3A_201 : memref<16x1024xf32, #tpu.memory_space<hbm>>) dst(%dma_wait3A_199 : memref<16x1024xf32, #tpu.memory_space<vmem>>)
      %parallel_loop3A = arith.constant 0 : i32
      %parallel_loop3A_202 = arith.constant 16 : i32
      %parallel_loop3A_203 = arith.constant 1 : i32
      scf.for %parallel_loop3A_221 = %parallel_loop3A to %parallel_loop3A_202 step %parallel_loop3A_203  : i32 {
        %parallel_loop3A_222 = arith.constant 16 : i32
        %parallel_loop3A_223 = arith.muli %scan3A_169, %parallel_loop3A_222 : i32
        %parallel_loop3A_224 = arith.addi %parallel_loop3A_223, %parallel_loop3A_221 : i32
        %parallel_loop3A_225 = vector.broadcast %parallel_loop3A_224 : i32 to vector<16xi32>
        %parallel_loop3A_226 = tpu.vector_load_idx %arg6[%parallel_loop3A_225] : memref<512xi32, #tpu.memory_space<vmem>>[vector<16xi32>], vector<16xi32>,
        %parallel_loop3A_227 = arith.constant 1024 : i32
        %parallel_loop3A_228 = vector.broadcast %parallel_loop3A_227 : i32 to vector<16xi32>
        %parallel_loop3A_229 = arith.muli %parallel_loop3A_226, %parallel_loop3A_228 : vector<16xi32>
        %parallel_loop3A_230 = arith.addi %parallel_loop3A_229, %iota3A : vector<16xi32>
        %parallel_loop3A_231 = arith.constant 0 : i32
        %parallel_loop3A_232 = tpu.memref_slice %arg7[%parallel_loop3A_231] : memref<6144xf32, #tpu.memory_space<vmem>> -> memref<6144xf32, #tpu.memory_space<vmem>>
        %parallel_loop3A_233 = tpu.vector_load_idx %parallel_loop3A_232[%parallel_loop3A_230] : memref<6144xf32, #tpu.memory_space<vmem>>[vector<16xi32>], vector<16xf32>,
        %parallel_loop3A_234 = arith.constant 0 : i32
        %parallel_loop3A_235 = arith.constant 0 : i32
        %parallel_loop3A_236 = tpu.memref_slice %arg8[%scan3A_170, %parallel_loop3A_234, %parallel_loop3A_235] : memref<7x16x1024xf32, #tpu.memory_space<vmem>> -> memref<1x16x1024xf32, #tpu.memory_space<vmem>>
        %parallel_loop3A_237 = tpu.memref_squeeze %parallel_loop3A_236 : memref<1x16x1024xf32, #tpu.memory_space<vmem>> -> memref<16x1024xf32, #tpu.memory_space<vmem>>
        %parallel_loop3A_238 = arith.index_cast %parallel_loop3A_221 : i32 to index
        %parallel_loop3A_239 = arith.constant 0 : index
        %parallel_loop3A_240 = tpu.vector_load %parallel_loop3A_237[%parallel_loop3A_238, %parallel_loop3A_239] {strides = array<i32>} : memref<16x1024xf32, #tpu.memory_space<vmem>>, vector<16xf32>,
        tpu.vector_store %parallel_loop3A_237[%parallel_loop3A_238, %parallel_loop3A_239], %parallel_loop3A_233 {add = true, strides = array<i32>} : memref<16x1024xf32, #tpu.memory_space<vmem>>, vector<16xf32>,
        %parallel_loop3A_241 = arith.constant 16 : i32
        %parallel_loop3A_242 = tpu.memref_slice %arg7[%parallel_loop3A_241] : memref<6144xf32, #tpu.memory_space<vmem>> -> memref<6128xf32, #tpu.memory_space<vmem>>
        %parallel_loop3A_243 = tpu.vector_load_idx %parallel_loop3A_242[%parallel_loop3A_230] : memref<6128xf32, #tpu.memory_space<vmem>>[vector<16xi32>], vector<16xf32>,
        %parallel_loop3A_244 = arith.constant 0 : i32
        %parallel_loop3A_245 = arith.constant 0 : i32
        %parallel_loop3A_246 = tpu.memref_slice %arg8[%scan3A_170, %parallel_loop3A_244, %parallel_loop3A_245] : memref<7x16x1024xf32, #tpu.memory_space<vmem>> -> memref<1x16x1024xf32, #tpu.memory_space<vmem>>
        %parallel_loop3A_247 = tpu.memref_squeeze %parallel_loop3A_246 : memref<1x16x1024xf32, #tpu.memory_space<vmem>> -> memref<16x1024xf32, #tpu.memory_space<vmem>>
        %parallel_loop3A_248 = arith.index_cast %parallel_loop3A_221 : i32 to index
        %parallel_loop3A_249 = arith.constant 16 : index
        %parallel_loop3A_250 = tpu.vector_load %parallel_loop3A_247[%parallel_loop3A_248, %parallel_loop3A_249] {strides = array<i32>} : memref<16x1024xf32, #tpu.memory_space<vmem>>, vector<16xf32>,
        tpu.vector_store %parallel_loop3A_247[%parallel_loop3A_248, %parallel_loop3A_249], %parallel_loop3A_243 {add = true, strides = array<i32>} : memref<16x1024xf32, #tpu.memory_space<vmem>>, vector<16xf32>,
        %parallel_loop3A_251 = arith.constant 32 : i32
        %parallel_loop3A_252 = tpu.memref_slice %arg7[%parallel_loop3A_251] : memref<6144xf32, #tpu.memory_space<vmem>> -> memref<6112xf32, #tpu.memory_space<vmem>>
        %parallel_loop3A_253 = tpu.vector_load_idx %parallel_loop3A_252[%parallel_loop3A_230] : memref<6112xf32, #tpu.memory_space<vmem>>[vector<16xi32>], vector<16xf32>,
        %parallel_loop3A_254 = arith.constant 0 : i32
        %parallel_loop3A_255 = arith.constant 0 : i32
        %parallel_loop3A_256 = tpu.memref_slice %arg8[%scan3A_170, %parallel_loop3A_254, %parallel_loop3A_255] : memref<7x16x1024xf32, #tpu.memory_space<vmem>> -> memref<1x16x1024xf32, #tpu.memory_space<vmem>>
        %parallel_loop3A_257 = tpu.memref_squeeze %parallel_loop3A_256 : memref<1x16x1024xf32, #tpu.memory_space<vmem>> -> memref<16x1024xf32, #tpu.memory_space<vmem>>
        %parallel_loop3A_258 = arith.index_cast %parallel_loop3A_221 : i32 to index
        %parallel_loop3A_259 = arith.constant 32 : index
        %parallel_loop3A_260 = tpu.vector_load %parallel_loop3A_257[%parallel_loop3A_258, %parallel_loop3A_259] {strides = array<i32>} : memref<16x1024xf32, #tpu.memory_space<vmem>>, vector<16xf32>,
        tpu.vector_store %parallel_loop3A_257[%parallel_loop3A_258, %parallel_loop3A_259], %parallel_loop3A_253 {add = true, strides = array<i32>} : memref<16x1024xf32, #tpu.memory_space<vmem>>, vector<16xf32>,
        %parallel_loop3A_261 = arith.constant 48 : i32
        %parallel_loop3A_262 = tpu.memref_slice %arg7[%parallel_loop3A_261] : memref<6144xf32, #tpu.memory_space<vmem>> -> memref<6096xf32, #tpu.memory_space<vmem>>
        %parallel_loop3A_263 = tpu.vector_load_idx %parallel_loop3A_262[%parallel_loop3A_230] : memref<6096xf32, #tpu.memory_space<vmem>>[vector<16xi32>], vector<16xf32>,
        %parallel_loop3A_264 = arith.constant 0 : i32
        %parallel_loop3A_265 = arith.constant 0 : i32
        %parallel_loop3A_266 = tpu.memref_slice %arg8[%scan3A_170, %parallel_loop3A_264, %parallel_loop3A_265] : memref<7x16x1024xf32, #tpu.memory_space<vmem>> -> memref<1x16x1024xf32, #tpu.memory_space<vmem>>
        %parallel_loop3A_267 = tpu.memref_squeeze %parallel_loop3A_266 : memref<1x16x1024xf32, #tpu.memory_space<vmem>> -> memref<16x1024xf32, #tpu.memory_space<vmem>>
        %parallel_loop3A_268 = arith.index_cast %parallel_loop3A_221 : i32 to index
        %parallel_loop3A_269 = arith.constant 48 : index
        %parallel_loop3A_270 = tpu.vector_load %parallel_loop3A_267[%parallel_loop3A_268, %parallel_loop3A_269] {strides = array<i32>} : memref<16x1024xf32, #tpu.memory_space<vmem>>, vector<16xf32>,
        tpu.vector_store %parallel_loop3A_267[%parallel_loop3A_268, %parallel_loop3A_269], %parallel_loop3A_263 {add = true, strides = array<i32>} : memref<16x1024xf32, #tpu.memory_space<vmem>>, vector<16xf32>,
        %parallel_loop3A_271 = arith.constant 64 : i32
        %parallel_loop3A_272 = tpu.memref_slice %arg7[%parallel_loop3A_271] : memref<6144xf32, #tpu.memory_space<vmem>> -> memref<6080xf32, #tpu.memory_space<vmem>>
        %parallel_loop3A_273 = tpu.vector_load_idx %parallel_loop3A_272[%parallel_loop3A_230] : memref<6080xf32, #tpu.memory_space<vmem>>[vector<16xi32>], vector<16xf32>,
        %parallel_loop3A_274 = arith.constant 0 : i32
        %parallel_loop3A_275 = arith.constant 0 : i32
        %parallel_loop3A_276 = tpu.memref_slice %arg8[%scan3A_170, %parallel_loop3A_274, %parallel_loop3A_275] : memref<7x16x1024xf32, #tpu.memory_space<vmem>> -> memref<1x16x1024xf32, #tpu.memory_space<vmem>>
        %parallel_loop3A_277 = tpu.memref_squeeze %parallel_loop3A_276 : memref<1x16x1024xf32, #tpu.memory_space<vmem>> -> memref<16x1024xf32, #tpu.memory_space<vmem>>
        %parallel_loop3A_278 = arith.index_cast %parallel_loop3A_221 : i32 to index
        %parallel_loop3A_279 = arith.constant 64 : index
        %parallel_loop3A_280 = tpu.vector_load %parallel_loop3A_277[%parallel_loop3A_278, %parallel_loop3A_279] {strides = array<i32>} : memref<16x1024xf32, #tpu.memory_space<vmem>>, vector<16xf32>,
        tpu.vector_store %parallel_loop3A_277[%parallel_loop3A_278, %parallel_loop3A_279], %parallel_loop3A_273 {add = true, strides = array<i32>} : memref<16x1024xf32, #tpu.memory_space<vmem>>, vector<16xf32>,
        %parallel_loop3A_281 = arith.constant 80 : i32
        %parallel_loop3A_282 = tpu.memref_slice %arg7[%parallel_loop3A_281] : memref<6144xf32, #tpu.memory_space<vmem>> -> memref<6064xf32, #tpu.memory_space<vmem>>
        %parallel_loop3A_283 = tpu.vector_load_idx %parallel_loop3A_282[%parallel_loop3A_230] : memref<6064xf32, #tpu.memory_space<vmem>>[vector<16xi32>], vector<16xf32>,
        %parallel_loop3A_284 = arith.constant 0 : i32
        %parallel_loop3A_285 = arith.constant 0 : i32
        %parallel_loop3A_286 = tpu.memref_slice %arg8[%scan3A_170, %parallel_loop3A_284, %parallel_loop3A_285] : memref<7x16x1024xf32, #tpu.memory_space<vmem>> -> memref<1x16x1024xf32, #tpu.memory_space<vmem>>
        %parallel_loop3A_287 = tpu.memref_squeeze %parallel_loop3A_286 : memref<1x16x1024xf32, #tpu.memory_space<vmem>> -> memref<16x1024xf32, #tpu.memory_space<vmem>>
        %parallel_loop3A_288 = arith.index_cast %parallel_loop3A_221 : i32 to index
        %parallel_loop3A_289 = arith.constant 80 : index
        %parallel_loop3A_290 = tpu.vector_load %parallel_loop3A_287[%parallel_loop3A_288, %parallel_loop3A_289] {strides = array<i32>} : memref<16x1024xf32, #tpu.memory_space<vmem>>, vector<16xf32>,
        tpu.vector_store %parallel_loop3A_287[%parallel_loop3A_288, %parallel_loop3A_289], %parallel_loop3A_283 {add = true, strides = array<i32>} : memref<16x1024xf32, #tpu.memory_space<vmem>>, vector<16xf32>,
        %parallel_loop3A_291 = arith.constant 96 : i32
        %parallel_loop3A_292 = tpu.memref_slice %arg7[%parallel_loop3A_291] : memref<6144xf32, #tpu.memory_space<vmem>> -> memref<6048xf32, #tpu.memory_space<vmem>>
        %parallel_loop3A_293 = tpu.vector_load_idx %parallel_loop3A_292[%parallel_loop3A_230] : memref<6048xf32, #tpu.memory_space<vmem>>[vector<16xi32>], vector<16xf32>,
        %parallel_loop3A_294 = arith.constant 0 : i32
        %parallel_loop3A_295 = arith.constant 0 : i32
        %parallel_loop3A_296 = tpu.memref_slice %arg8[%scan3A_170, %parallel_loop3A_294, %parallel_loop3A_295] : memref<7x16x1024xf32, #tpu.memory_space<vmem>> -> memref<1x16x1024xf32, #tpu.memory_space<vmem>>
        %parallel_loop3A_297 = tpu.memref_squeeze %parallel_loop3A_296 : memref<1x16x1024xf32, #tpu.memory_space<vmem>> -> memref<16x1024xf32, #tpu.memory_space<vmem>>
        %parallel_loop3A_298 = arith.index_cast %parallel_loop3A_221 : i32 to index
        %parallel_loop3A_299 = arith.constant 96 : index
        %parallel_loop3A_300 = tpu.vector_load %parallel_loop3A_297[%parallel_loop3A_298, %parallel_loop3A_299] {strides = array<i32>} : memref<16x1024xf32, #tpu.memory_space<vmem>>, vector<16xf32>,
        tpu.vector_store %parallel_loop3A_297[%parallel_loop3A_298, %parallel_loop3A_299], %parallel_loop3A_293 {add = true, strides = array<i32>} : memref<16x1024xf32, #tpu.memory_space<vmem>>, vector<16xf32>,
        %parallel_loop3A_301 = arith.constant 112 : i32
        %parallel_loop3A_302 = tpu.memref_slice %arg7[%parallel_loop3A_301] : memref<6144xf32, #tpu.memory_space<vmem>> -> memref<6032xf32, #tpu.memory_space<vmem>>
        %parallel_loop3A_303 = tpu.vector_load_idx %parallel_loop3A_302[%parallel_loop3A_230] : memref<6032xf32, #tpu.memory_space<vmem>>[vector<16xi32>], vector<16xf32>,
        %parallel_loop3A_304 = arith.constant 0 : i32
        %parallel_loop3A_305 = arith.constant 0 : i32
        %parallel_loop3A_306 = tpu.memref_slice %arg8[%scan3A_170, %parallel_loop3A_304, %parallel_loop3A_305] : memref<7x16x1024xf32, #tpu.memory_space<vmem>> -> memref<1x16x1024xf32, #tpu.memory_space<vmem>>
        %parallel_loop3A_307 = tpu.memref_squeeze %parallel_loop3A_306 : memref<1x16x1024xf32, #tpu.memory_space<vmem>> -> memref<16x1024xf32, #tpu.memory_space<vmem>>
        %parallel_loop3A_308 = arith.index_cast %parallel_loop3A_221 : i32 to index
        %parallel_loop3A_309 = arith.constant 112 : index
        %parallel_loop3A_310 = tpu.vector_load %parallel_loop3A_307[%parallel_loop3A_308, %parallel_loop3A_309] {strides = array<i32>} : memref<16x1024xf32, #tpu.memory_space<vmem>>, vector<16xf32>,
        tpu.vector_store %parallel_loop3A_307[%parallel_loop3A_308, %parallel_loop3A_309], %parallel_loop3A_303 {add = true, strides = array<i32>} : memref<16x1024xf32, #tpu.memory_space<vmem>>, vector<16xf32>,
        %parallel_loop3A_311 = arith.constant 128 : i32
        %parallel_loop3A_312 = tpu.memref_slice %arg7[%parallel_loop3A_311] : memref<6144xf32, #tpu.memory_space<vmem>> -> memref<6016xf32, #tpu.memory_space<vmem>>
        %parallel_loop3A_313 = tpu.vector_load_idx %parallel_loop3A_312[%parallel_loop3A_230] : memref<6016xf32, #tpu.memory_space<vmem>>[vector<16xi32>], vector<16xf32>,
        %parallel_loop3A_314 = arith.constant 0 : i32
        %parallel_loop3A_315 = arith.constant 0 : i32
        %parallel_loop3A_316 = tpu.memref_slice %arg8[%scan3A_170, %parallel_loop3A_314, %parallel_loop3A_315] : memref<7x16x1024xf32, #tpu.memory_space<vmem>> -> memref<1x16x1024xf32, #tpu.memory_space<vmem>>
        %parallel_loop3A_317 = tpu.memref_squeeze %parallel_loop3A_316 : memref<1x16x1024xf32, #tpu.memory_space<vmem>> -> memref<16x1024xf32, #tpu.memory_space<vmem>>
        %parallel_loop3A_318 = arith.index_cast %parallel_loop3A_221 : i32 to index
        %parallel_loop3A_319 = arith.constant 128 : index
        %parallel_loop3A_320 = tpu.vector_load %parallel_loop3A_317[%parallel_loop3A_318, %parallel_loop3A_319] {strides = array<i32>} : memref<16x1024xf32, #tpu.memory_space<vmem>>, vector<16xf32>,
        tpu.vector_store %parallel_loop3A_317[%parallel_loop3A_318, %parallel_loop3A_319], %parallel_loop3A_313 {add = true, strides = array<i32>} : memref<16x1024xf32, #tpu.memory_space<vmem>>, vector<16xf32>,
        %parallel_loop3A_321 = arith.constant 144 : i32
        %parallel_loop3A_322 = tpu.memref_slice %arg7[%parallel_loop3A_321] : memref<6144xf32, #tpu.memory_space<vmem>> -> memref<6000xf32, #tpu.memory_space<vmem>>
        %parallel_loop3A_323 = tpu.vector_load_idx %parallel_loop3A_322[%parallel_loop3A_230] : memref<6000xf32, #tpu.memory_space<vmem>>[vector<16xi32>], vector<16xf32>,
        %parallel_loop3A_324 = arith.constant 0 : i32
        %parallel_loop3A_325 = arith.constant 0 : i32
        %parallel_loop3A_326 = tpu.memref_slice %arg8[%scan3A_170, %parallel_loop3A_324, %parallel_loop3A_325] : memref<7x16x1024xf32, #tpu.memory_space<vmem>> -> memref<1x16x1024xf32, #tpu.memory_space<vmem>>
        %parallel_loop3A_327 = tpu.memref_squeeze %parallel_loop3A_326 : memref<1x16x1024xf32, #tpu.memory_space<vmem>> -> memref<16x1024xf32, #tpu.memory_space<vmem>>
        %parallel_loop3A_328 = arith.index_cast %parallel_loop3A_221 : i32 to index
        %parallel_loop3A_329 = arith.constant 144 : index
        %parallel_loop3A_330 = tpu.vector_load %parallel_loop3A_327[%parallel_loop3A_328, %parallel_loop3A_329] {strides = array<i32>} : memref<16x1024xf32, #tpu.memory_space<vmem>>, vector<16xf32>,
        tpu.vector_store %parallel_loop3A_327[%parallel_loop3A_328, %parallel_loop3A_329], %parallel_loop3A_323 {add = true, strides = array<i32>} : memref<16x1024xf32, #tpu.memory_space<vmem>>, vector<16xf32>,
        %parallel_loop3A_331 = arith.constant 160 : i32
        %parallel_loop3A_332 = tpu.memref_slice %arg7[%parallel_loop3A_331] : memref<6144xf32, #tpu.memory_space<vmem>> -> memref<5984xf32, #tpu.memory_space<vmem>>
        %parallel_loop3A_333 = tpu.vector_load_idx %parallel_loop3A_332[%parallel_loop3A_230] : memref<5984xf32, #tpu.memory_space<vmem>>[vector<16xi32>], vector<16xf32>,
        %parallel_loop3A_334 = arith.constant 0 : i32
        %parallel_loop3A_335 = arith.constant 0 : i32
        %parallel_loop3A_336 = tpu.memref_slice %arg8[%scan3A_170, %parallel_loop3A_334, %parallel_loop3A_335] : memref<7x16x1024xf32, #tpu.memory_space<vmem>> -> memref<1x16x1024xf32, #tpu.memory_space<vmem>>
        %parallel_loop3A_337 = tpu.memref_squeeze %parallel_loop3A_336 : memref<1x16x1024xf32, #tpu.memory_space<vmem>> -> memref<16x1024xf32, #tpu.memory_space<vmem>>
        %parallel_loop3A_338 = arith.index_cast %parallel_loop3A_221 : i32 to index
        %parallel_loop3A_339 = arith.constant 160 : index
        %parallel_loop3A_340 = tpu.vector_load %parallel_loop3A_337[%parallel_loop3A_338, %parallel_loop3A_339] {strides = array<i32>} : memref<16x1024xf32, #tpu.memory_space<vmem>>, vector<16xf32>,
        tpu.vector_store %parallel_loop3A_337[%parallel_loop3A_338, %parallel_loop3A_339], %parallel_loop3A_333 {add = true, strides = array<i32>} : memref<16x1024xf32, #tpu.memory_space<vmem>>, vector<16xf32>,
        %parallel_loop3A_341 = arith.constant 176 : i32
        %parallel_loop3A_342 = tpu.memref_slice %arg7[%parallel_loop3A_341] : memref<6144xf32, #tpu.memory_space<vmem>> -> memref<5968xf32, #tpu.memory_space<vmem>>
        %parallel_loop3A_343 = tpu.vector_load_idx %parallel_loop3A_342[%parallel_loop3A_230] : memref<5968xf32, #tpu.memory_space<vmem>>[vector<16xi32>], vector<16xf32>,
        %parallel_loop3A_344 = arith.constant 0 : i32
        %parallel_loop3A_345 = arith.constant 0 : i32
        %parallel_loop3A_346 = tpu.memref_slice %arg8[%scan3A_170, %parallel_loop3A_344, %parallel_loop3A_345] : memref<7x16x1024xf32, #tpu.memory_space<vmem>> -> memref<1x16x1024xf32, #tpu.memory_space<vmem>>
        %parallel_loop3A_347 = tpu.memref_squeeze %parallel_loop3A_346 : memref<1x16x1024xf32, #tpu.memory_space<vmem>> -> memref<16x1024xf32, #tpu.memory_space<vmem>>
        %parallel_loop3A_348 = arith.index_cast %parallel_loop3A_221 : i32 to index
        %parallel_loop3A_349 = arith.constant 176 : index
        %parallel_loop3A_350 = tpu.vector_load %parallel_loop3A_347[%parallel_loop3A_348, %parallel_loop3A_349] {strides = array<i32>} : memref<16x1024xf32, #tpu.memory_space<vmem>>, vector<16xf32>,
        tpu.vector_store %parallel_loop3A_347[%parallel_loop3A_348, %parallel_loop3A_349], %parallel_loop3A_343 {add = true, strides = array<i32>} : memref<16x1024xf32, #tpu.memory_space<vmem>>, vector<16xf32>,
        %parallel_loop3A_351 = arith.constant 192 : i32
        %parallel_loop3A_352 = tpu.memref_slice %arg7[%parallel_loop3A_351] : memref<6144xf32, #tpu.memory_space<vmem>> -> memref<5952xf32, #tpu.memory_space<vmem>>
        %parallel_loop3A_353 = tpu.vector_load_idx %parallel_loop3A_352[%parallel_loop3A_230] : memref<5952xf32, #tpu.memory_space<vmem>>[vector<16xi32>], vector<16xf32>,
        %parallel_loop3A_354 = arith.constant 0 : i32
        %parallel_loop3A_355 = arith.constant 0 : i32
        %parallel_loop3A_356 = tpu.memref_slice %arg8[%scan3A_170, %parallel_loop3A_354, %parallel_loop3A_355] : memref<7x16x1024xf32, #tpu.memory_space<vmem>> -> memref<1x16x1024xf32, #tpu.memory_space<vmem>>
        %parallel_loop3A_357 = tpu.memref_squeeze %parallel_loop3A_356 : memref<1x16x1024xf32, #tpu.memory_space<vmem>> -> memref<16x1024xf32, #tpu.memory_space<vmem>>
        %parallel_loop3A_358 = arith.index_cast %parallel_loop3A_221 : i32 to index
        %parallel_loop3A_359 = arith.constant 192 : index
        %parallel_loop3A_360 = tpu.vector_load %parallel_loop3A_357[%parallel_loop3A_358, %parallel_loop3A_359] {strides = array<i32>} : memref<16x1024xf32, #tpu.memory_space<vmem>>, vector<16xf32>,
        tpu.vector_store %parallel_loop3A_357[%parallel_loop3A_358, %parallel_loop3A_359], %parallel_loop3A_353 {add = true, strides = array<i32>} : memref<16x1024xf32, #tpu.memory_space<vmem>>, vector<16xf32>,
        %parallel_loop3A_361 = arith.constant 208 : i32
        %parallel_loop3A_362 = tpu.memref_slice %arg7[%parallel_loop3A_361] : memref<6144xf32, #tpu.memory_space<vmem>> -> memref<5936xf32, #tpu.memory_space<vmem>>
        %parallel_loop3A_363 = tpu.vector_load_idx %parallel_loop3A_362[%parallel_loop3A_230] : memref<5936xf32, #tpu.memory_space<vmem>>[vector<16xi32>], vector<16xf32>,
        %parallel_loop3A_364 = arith.constant 0 : i32
        %parallel_loop3A_365 = arith.constant 0 : i32
        %parallel_loop3A_366 = tpu.memref_slice %arg8[%scan3A_170, %parallel_loop3A_364, %parallel_loop3A_365] : memref<7x16x1024xf32, #tpu.memory_space<vmem>> -> memref<1x16x1024xf32, #tpu.memory_space<vmem>>
        %parallel_loop3A_367 = tpu.memref_squeeze %parallel_loop3A_366 : memref<1x16x1024xf32, #tpu.memory_space<vmem>> -> memref<16x1024xf32, #tpu.memory_space<vmem>>
        %parallel_loop3A_368 = arith.index_cast %parallel_loop3A_221 : i32 to index
        %parallel_loop3A_369 = arith.constant 208 : index
        %parallel_loop3A_370 = tpu.vector_load %parallel_loop3A_367[%parallel_loop3A_368, %parallel_loop3A_369] {strides = array<i32>} : memref<16x1024xf32, #tpu.memory_space<vmem>>, vector<16xf32>,
        tpu.vector_store %parallel_loop3A_367[%parallel_loop3A_368, %parallel_loop3A_369], %parallel_loop3A_363 {add = true, strides = array<i32>} : memref<16x1024xf32, #tpu.memory_space<vmem>>, vector<16xf32>,
        %parallel_loop3A_371 = arith.constant 224 : i32
        %parallel_loop3A_372 = tpu.memref_slice %arg7[%parallel_loop3A_371] : memref<6144xf32, #tpu.memory_space<vmem>> -> memref<5920xf32, #tpu.memory_space<vmem>>
        %parallel_loop3A_373 = tpu.vector_load_idx %parallel_loop3A_372[%parallel_loop3A_230] : memref<5920xf32, #tpu.memory_space<vmem>>[vector<16xi32>], vector<16xf32>,
        %parallel_loop3A_374 = arith.constant 0 : i32
        %parallel_loop3A_375 = arith.constant 0 : i32
        %parallel_loop3A_376 = tpu.memref_slice %arg8[%scan3A_170, %parallel_loop3A_374, %parallel_loop3A_375] : memref<7x16x1024xf32, #tpu.memory_space<vmem>> -> memref<1x16x1024xf32, #tpu.memory_space<vmem>>
        %parallel_loop3A_377 = tpu.memref_squeeze %parallel_loop3A_376 : memref<1x16x1024xf32, #tpu.memory_space<vmem>> -> memref<16x1024xf32, #tpu.memory_space<vmem>>
        %parallel_loop3A_378 = arith.index_cast %parallel_loop3A_221 : i32 to index
        %parallel_loop3A_379 = arith.constant 224 : index
        %parallel_loop3A_380 = tpu.vector_load %parallel_loop3A_377[%parallel_loop3A_378, %parallel_loop3A_379] {strides = array<i32>} : memref<16x1024xf32, #tpu.memory_space<vmem>>, vector<16xf32>,
        tpu.vector_store %parallel_loop3A_377[%parallel_loop3A_378, %parallel_loop3A_379], %parallel_loop3A_373 {add = true, strides = array<i32>} : memref<16x1024xf32, #tpu.memory_space<vmem>>, vector<16xf32>,
        %parallel_loop3A_381 = arith.constant 240 : i32
        %parallel_loop3A_382 = tpu.memref_slice %arg7[%parallel_loop3A_381] : memref<6144xf32, #tpu.memory_space<vmem>> -> memref<5904xf32, #tpu.memory_space<vmem>>
        %parallel_loop3A_383 = tpu.vector_load_idx %parallel_loop3A_382[%parallel_loop3A_230] : memref<5904xf32, #tpu.memory_space<vmem>>[vector<16xi32>], vector<16xf32>,
        %parallel_loop3A_384 = arith.constant 0 : i32
        %parallel_loop3A_385 = arith.constant 0 : i32
        %parallel_loop3A_386 = tpu.memref_slice %arg8[%scan3A_170, %parallel_loop3A_384, %parallel_loop3A_385] : memref<7x16x1024xf32, #tpu.memory_space<vmem>> -> memref<1x16x1024xf32, #tpu.memory_space<vmem>>
        %parallel_loop3A_387 = tpu.memref_squeeze %parallel_loop3A_386 : memref<1x16x1024xf32, #tpu.memory_space<vmem>> -> memref<16x1024xf32, #tpu.memory_space<vmem>>
        %parallel_loop3A_388 = arith.index_cast %parallel_loop3A_221 : i32 to index
        %parallel_loop3A_389 = arith.constant 240 : index
        %parallel_loop3A_390 = tpu.vector_load %parallel_loop3A_387[%parallel_loop3A_388, %parallel_loop3A_389] {strides = array<i32>} : memref<16x1024xf32, #tpu.memory_space<vmem>>, vector<16xf32>,
        tpu.vector_store %parallel_loop3A_387[%parallel_loop3A_388, %parallel_loop3A_389], %parallel_loop3A_383 {add = true, strides = array<i32>} : memref<16x1024xf32, #tpu.memory_space<vmem>>, vector<16xf32>,
        %parallel_loop3A_391 = arith.constant 256 : i32
        %parallel_loop3A_392 = tpu.memref_slice %arg7[%parallel_loop3A_391] : memref<6144xf32, #tpu.memory_space<vmem>> -> memref<5888xf32, #tpu.memory_space<vmem>>
        %parallel_loop3A_393 = tpu.vector_load_idx %parallel_loop3A_392[%parallel_loop3A_230] : memref<5888xf32, #tpu.memory_space<vmem>>[vector<16xi32>], vector<16xf32>,
        %parallel_loop3A_394 = arith.constant 0 : i32
        %parallel_loop3A_395 = arith.constant 0 : i32
        %parallel_loop3A_396 = tpu.memref_slice %arg8[%scan3A_170, %parallel_loop3A_394, %parallel_loop3A_395] : memref<7x16x1024xf32, #tpu.memory_space<vmem>> -> memref<1x16x1024xf32, #tpu.memory_space<vmem>>
        %parallel_loop3A_397 = tpu.memref_squeeze %parallel_loop3A_396 : memref<1x16x1024xf32, #tpu.memory_space<vmem>> -> memref<16x1024xf32, #tpu.memory_space<vmem>>
        %parallel_loop3A_398 = arith.index_cast %parallel_loop3A_221 : i32 to index
        %parallel_loop3A_399 = arith.constant 256 : index
        %parallel_loop3A_400 = tpu.vector_load %parallel_loop3A_397[%parallel_loop3A_398, %parallel_loop3A_399] {strides = array<i32>} : memref<16x1024xf32, #tpu.memory_space<vmem>>, vector<16xf32>,
        tpu.vector_store %parallel_loop3A_397[%parallel_loop3A_398, %parallel_loop3A_399], %parallel_loop3A_393 {add = true, strides = array<i32>} : memref<16x1024xf32, #tpu.memory_space<vmem>>, vector<16xf32>,
        %parallel_loop3A_401 = arith.constant 272 : i32
        %parallel_loop3A_402 = tpu.memref_slice %arg7[%parallel_loop3A_401] : memref<6144xf32, #tpu.memory_space<vmem>> -> memref<5872xf32, #tpu.memory_space<vmem>>
        %parallel_loop3A_403 = tpu.vector_load_idx %parallel_loop3A_402[%parallel_loop3A_230] : memref<5872xf32, #tpu.memory_space<vmem>>[vector<16xi32>], vector<16xf32>,
        %parallel_loop3A_404 = arith.constant 0 : i32
        %parallel_loop3A_405 = arith.constant 0 : i32
        %parallel_loop3A_406 = tpu.memref_slice %arg8[%scan3A_170, %parallel_loop3A_404, %parallel_loop3A_405] : memref<7x16x1024xf32, #tpu.memory_space<vmem>> -> memref<1x16x1024xf32, #tpu.memory_space<vmem>>
        %parallel_loop3A_407 = tpu.memref_squeeze %parallel_loop3A_406 : memref<1x16x1024xf32, #tpu.memory_space<vmem>> -> memref<16x1024xf32, #tpu.memory_space<vmem>>
        %parallel_loop3A_408 = arith.index_cast %parallel_loop3A_221 : i32 to index
        %parallel_loop3A_409 = arith.constant 272 : index
        %parallel_loop3A_410 = tpu.vector_load %parallel_loop3A_407[%parallel_loop3A_408, %parallel_loop3A_409] {strides = array<i32>} : memref<16x1024xf32, #tpu.memory_space<vmem>>, vector<16xf32>,
        tpu.vector_store %parallel_loop3A_407[%parallel_loop3A_408, %parallel_loop3A_409], %parallel_loop3A_403 {add = true, strides = array<i32>} : memref<16x1024xf32, #tpu.memory_space<vmem>>, vector<16xf32>,
        %parallel_loop3A_411 = arith.constant 288 : i32
        %parallel_loop3A_412 = tpu.memref_slice %arg7[%parallel_loop3A_411] : memref<6144xf32, #tpu.memory_space<vmem>> -> memref<5856xf32, #tpu.memory_space<vmem>>
        %parallel_loop3A_413 = tpu.vector_load_idx %parallel_loop3A_412[%parallel_loop3A_230] : memref<5856xf32, #tpu.memory_space<vmem>>[vector<16xi32>], vector<16xf32>,
        %parallel_loop3A_414 = arith.constant 0 : i32
        %parallel_loop3A_415 = arith.constant 0 : i32
        %parallel_loop3A_416 = tpu.memref_slice %arg8[%scan3A_170, %parallel_loop3A_414, %parallel_loop3A_415] : memref<7x16x1024xf32, #tpu.memory_space<vmem>> -> memref<1x16x1024xf32, #tpu.memory_space<vmem>>
        %parallel_loop3A_417 = tpu.memref_squeeze %parallel_loop3A_416 : memref<1x16x1024xf32, #tpu.memory_space<vmem>> -> memref<16x1024xf32, #tpu.memory_space<vmem>>
        %parallel_loop3A_418 = arith.index_cast %parallel_loop3A_221 : i32 to index
        %parallel_loop3A_419 = arith.constant 288 : index
        %parallel_loop3A_420 = tpu.vector_load %parallel_loop3A_417[%parallel_loop3A_418, %parallel_loop3A_419] {strides = array<i32>} : memref<16x1024xf32, #tpu.memory_space<vmem>>, vector<16xf32>,
        tpu.vector_store %parallel_loop3A_417[%parallel_loop3A_418, %parallel_loop3A_419], %parallel_loop3A_413 {add = true, strides = array<i32>} : memref<16x1024xf32, #tpu.memory_space<vmem>>, vector<16xf32>,
        %parallel_loop3A_421 = arith.constant 304 : i32
        %parallel_loop3A_422 = tpu.memref_slice %arg7[%parallel_loop3A_421] : memref<6144xf32, #tpu.memory_space<vmem>> -> memref<5840xf32, #tpu.memory_space<vmem>>
        %parallel_loop3A_423 = tpu.vector_load_idx %parallel_loop3A_422[%parallel_loop3A_230] : memref<5840xf32, #tpu.memory_space<vmem>>[vector<16xi32>], vector<16xf32>,
        %parallel_loop3A_424 = arith.constant 0 : i32
        %parallel_loop3A_425 = arith.constant 0 : i32
        %parallel_loop3A_426 = tpu.memref_slice %arg8[%scan3A_170, %parallel_loop3A_424, %parallel_loop3A_425] : memref<7x16x1024xf32, #tpu.memory_space<vmem>> -> memref<1x16x1024xf32, #tpu.memory_space<vmem>>
        %parallel_loop3A_427 = tpu.memref_squeeze %parallel_loop3A_426 : memref<1x16x1024xf32, #tpu.memory_space<vmem>> -> memref<16x1024xf32, #tpu.memory_space<vmem>>
        %parallel_loop3A_428 = arith.index_cast %parallel_loop3A_221 : i32 to index
        %parallel_loop3A_429 = arith.constant 304 : index
        %parallel_loop3A_430 = tpu.vector_load %parallel_loop3A_427[%parallel_loop3A_428, %parallel_loop3A_429] {strides = array<i32>} : memref<16x1024xf32, #tpu.memory_space<vmem>>, vector<16xf32>,
        tpu.vector_store %parallel_loop3A_427[%parallel_loop3A_428, %parallel_loop3A_429], %parallel_loop3A_423 {add = true, strides = array<i32>} : memref<16x1024xf32, #tpu.memory_space<vmem>>, vector<16xf32>,
        %parallel_loop3A_431 = arith.constant 320 : i32
        %parallel_loop3A_432 = tpu.memref_slice %arg7[%parallel_loop3A_431] : memref<6144xf32, #tpu.memory_space<vmem>> -> memref<5824xf32, #tpu.memory_space<vmem>>
        %parallel_loop3A_433 = tpu.vector_load_idx %parallel_loop3A_432[%parallel_loop3A_230] : memref<5824xf32, #tpu.memory_space<vmem>>[vector<16xi32>], vector<16xf32>,
        %parallel_loop3A_434 = arith.constant 0 : i32
        %parallel_loop3A_435 = arith.constant 0 : i32
        %parallel_loop3A_436 = tpu.memref_slice %arg8[%scan3A_170, %parallel_loop3A_434, %parallel_loop3A_435] : memref<7x16x1024xf32, #tpu.memory_space<vmem>> -> memref<1x16x1024xf32, #tpu.memory_space<vmem>>
        %parallel_loop3A_437 = tpu.memref_squeeze %parallel_loop3A_436 : memref<1x16x1024xf32, #tpu.memory_space<vmem>> -> memref<16x1024xf32, #tpu.memory_space<vmem>>
        %parallel_loop3A_438 = arith.index_cast %parallel_loop3A_221 : i32 to index
        %parallel_loop3A_439 = arith.constant 320 : index
        %parallel_loop3A_440 = tpu.vector_load %parallel_loop3A_437[%parallel_loop3A_438, %parallel_loop3A_439] {strides = array<i32>} : memref<16x1024xf32, #tpu.memory_space<vmem>>, vector<16xf32>,
        tpu.vector_store %parallel_loop3A_437[%parallel_loop3A_438, %parallel_loop3A_439], %parallel_loop3A_433 {add = true, strides = array<i32>} : memref<16x1024xf32, #tpu.memory_space<vmem>>, vector<16xf32>,
        %parallel_loop3A_441 = arith.constant 336 : i32
        %parallel_loop3A_442 = tpu.memref_slice %arg7[%parallel_loop3A_441] : memref<6144xf32, #tpu.memory_space<vmem>> -> memref<5808xf32, #tpu.memory_space<vmem>>
        %parallel_loop3A_443 = tpu.vector_load_idx %parallel_loop3A_442[%parallel_loop3A_230] : memref<5808xf32, #tpu.memory_space<vmem>>[vector<16xi32>], vector<16xf32>,
        %parallel_loop3A_444 = arith.constant 0 : i32
        %parallel_loop3A_445 = arith.constant 0 : i32
        %parallel_loop3A_446 = tpu.memref_slice %arg8[%scan3A_170, %parallel_loop3A_444, %parallel_loop3A_445] : memref<7x16x1024xf32, #tpu.memory_space<vmem>> -> memref<1x16x1024xf32, #tpu.memory_space<vmem>>
        %parallel_loop3A_447 = tpu.memref_squeeze %parallel_loop3A_446 : memref<1x16x1024xf32, #tpu.memory_space<vmem>> -> memref<16x1024xf32, #tpu.memory_space<vmem>>
        %parallel_loop3A_448 = arith.index_cast %parallel_loop3A_221 : i32 to index
        %parallel_loop3A_449 = arith.constant 336 : index
        %parallel_loop3A_450 = tpu.vector_load %parallel_loop3A_447[%parallel_loop3A_448, %parallel_loop3A_449] {strides = array<i32>} : memref<16x1024xf32, #tpu.memory_space<vmem>>, vector<16xf32>,
        tpu.vector_store %parallel_loop3A_447[%parallel_loop3A_448, %parallel_loop3A_449], %parallel_loop3A_443 {add = true, strides = array<i32>} : memref<16x1024xf32, #tpu.memory_space<vmem>>, vector<16xf32>,
        %parallel_loop3A_451 = arith.constant 352 : i32
        %parallel_loop3A_452 = tpu.memref_slice %arg7[%parallel_loop3A_451] : memref<6144xf32, #tpu.memory_space<vmem>> -> memref<5792xf32, #tpu.memory_space<vmem>>
        %parallel_loop3A_453 = tpu.vector_load_idx %parallel_loop3A_452[%parallel_loop3A_230] : memref<5792xf32, #tpu.memory_space<vmem>>[vector<16xi32>], vector<16xf32>,
        %parallel_loop3A_454 = arith.constant 0 : i32
        %parallel_loop3A_455 = arith.constant 0 : i32
        %parallel_loop3A_456 = tpu.memref_slice %arg8[%scan3A_170, %parallel_loop3A_454, %parallel_loop3A_455] : memref<7x16x1024xf32, #tpu.memory_space<vmem>> -> memref<1x16x1024xf32, #tpu.memory_space<vmem>>
        %parallel_loop3A_457 = tpu.memref_squeeze %parallel_loop3A_456 : memref<1x16x1024xf32, #tpu.memory_space<vmem>> -> memref<16x1024xf32, #tpu.memory_space<vmem>>
        %parallel_loop3A_458 = arith.index_cast %parallel_loop3A_221 : i32 to index
        %parallel_loop3A_459 = arith.constant 352 : index
        %parallel_loop3A_460 = tpu.vector_load %parallel_loop3A_457[%parallel_loop3A_458, %parallel_loop3A_459] {strides = array<i32>} : memref<16x1024xf32, #tpu.memory_space<vmem>>, vector<16xf32>,
        tpu.vector_store %parallel_loop3A_457[%parallel_loop3A_458, %parallel_loop3A_459], %parallel_loop3A_453 {add = true, strides = array<i32>} : memref<16x1024xf32, #tpu.memory_space<vmem>>, vector<16xf32>,
        %parallel_loop3A_461 = arith.constant 368 : i32
        %parallel_loop3A_462 = tpu.memref_slice %arg7[%parallel_loop3A_461] : memref<6144xf32, #tpu.memory_space<vmem>> -> memref<5776xf32, #tpu.memory_space<vmem>>
        %parallel_loop3A_463 = tpu.vector_load_idx %parallel_loop3A_462[%parallel_loop3A_230] : memref<5776xf32, #tpu.memory_space<vmem>>[vector<16xi32>], vector<16xf32>,
        %parallel_loop3A_464 = arith.constant 0 : i32
        %parallel_loop3A_465 = arith.constant 0 : i32
        %parallel_loop3A_466 = tpu.memref_slice %arg8[%scan3A_170, %parallel_loop3A_464, %parallel_loop3A_465] : memref<7x16x1024xf32, #tpu.memory_space<vmem>> -> memref<1x16x1024xf32, #tpu.memory_space<vmem>>
        %parallel_loop3A_467 = tpu.memref_squeeze %parallel_loop3A_466 : memref<1x16x1024xf32, #tpu.memory_space<vmem>> -> memref<16x1024xf32, #tpu.memory_space<vmem>>
        %parallel_loop3A_468 = arith.index_cast %parallel_loop3A_221 : i32 to index
        %parallel_loop3A_469 = arith.constant 368 : index
        %parallel_loop3A_470 = tpu.vector_load %parallel_loop3A_467[%parallel_loop3A_468, %parallel_loop3A_469] {strides = array<i32>} : memref<16x1024xf32, #tpu.memory_space<vmem>>, vector<16xf32>,
        tpu.vector_store %parallel_loop3A_467[%parallel_loop3A_468, %parallel_loop3A_469], %parallel_loop3A_463 {add = true, strides = array<i32>} : memref<16x1024xf32, #tpu.memory_space<vmem>>, vector<16xf32>,
        %parallel_loop3A_471 = arith.constant 384 : i32
        %parallel_loop3A_472 = tpu.memref_slice %arg7[%parallel_loop3A_471] : memref<6144xf32, #tpu.memory_space<vmem>> -> memref<5760xf32, #tpu.memory_space<vmem>>
        %parallel_loop3A_473 = tpu.vector_load_idx %parallel_loop3A_472[%parallel_loop3A_230] : memref<5760xf32, #tpu.memory_space<vmem>>[vector<16xi32>], vector<16xf32>,
        %parallel_loop3A_474 = arith.constant 0 : i32
        %parallel_loop3A_475 = arith.constant 0 : i32
        %parallel_loop3A_476 = tpu.memref_slice %arg8[%scan3A_170, %parallel_loop3A_474, %parallel_loop3A_475] : memref<7x16x1024xf32, #tpu.memory_space<vmem>> -> memref<1x16x1024xf32, #tpu.memory_space<vmem>>
        %parallel_loop3A_477 = tpu.memref_squeeze %parallel_loop3A_476 : memref<1x16x1024xf32, #tpu.memory_space<vmem>> -> memref<16x1024xf32, #tpu.memory_space<vmem>>
        %parallel_loop3A_478 = arith.index_cast %parallel_loop3A_221 : i32 to index
        %parallel_loop3A_479 = arith.constant 384 : index
        %parallel_loop3A_480 = tpu.vector_load %parallel_loop3A_477[%parallel_loop3A_478, %parallel_loop3A_479] {strides = array<i32>} : memref<16x1024xf32, #tpu.memory_space<vmem>>, vector<16xf32>,
        tpu.vector_store %parallel_loop3A_477[%parallel_loop3A_478, %parallel_loop3A_479], %parallel_loop3A_473 {add = true, strides = array<i32>} : memref<16x1024xf32, #tpu.memory_space<vmem>>, vector<16xf32>,
        %parallel_loop3A_481 = arith.constant 400 : i32
        %parallel_loop3A_482 = tpu.memref_slice %arg7[%parallel_loop3A_481] : memref<6144xf32, #tpu.memory_space<vmem>> -> memref<5744xf32, #tpu.memory_space<vmem>>
        %parallel_loop3A_483 = tpu.vector_load_idx %parallel_loop3A_482[%parallel_loop3A_230] : memref<5744xf32, #tpu.memory_space<vmem>>[vector<16xi32>], vector<16xf32>,
        %parallel_loop3A_484 = arith.constant 0 : i32
        %parallel_loop3A_485 = arith.constant 0 : i32
        %parallel_loop3A_486 = tpu.memref_slice %arg8[%scan3A_170, %parallel_loop3A_484, %parallel_loop3A_485] : memref<7x16x1024xf32, #tpu.memory_space<vmem>> -> memref<1x16x1024xf32, #tpu.memory_space<vmem>>
        %parallel_loop3A_487 = tpu.memref_squeeze %parallel_loop3A_486 : memref<1x16x1024xf32, #tpu.memory_space<vmem>> -> memref<16x1024xf32, #tpu.memory_space<vmem>>
        %parallel_loop3A_488 = arith.index_cast %parallel_loop3A_221 : i32 to index
        %parallel_loop3A_489 = arith.constant 400 : index
        %parallel_loop3A_490 = tpu.vector_load %parallel_loop3A_487[%parallel_loop3A_488, %parallel_loop3A_489] {strides = array<i32>} : memref<16x1024xf32, #tpu.memory_space<vmem>>, vector<16xf32>,
        tpu.vector_store %parallel_loop3A_487[%parallel_loop3A_488, %parallel_loop3A_489], %parallel_loop3A_483 {add = true, strides = array<i32>} : memref<16x1024xf32, #tpu.memory_space<vmem>>, vector<16xf32>,
        %parallel_loop3A_491 = arith.constant 416 : i32
        %parallel_loop3A_492 = tpu.memref_slice %arg7[%parallel_loop3A_491] : memref<6144xf32, #tpu.memory_space<vmem>> -> memref<5728xf32, #tpu.memory_space<vmem>>
        %parallel_loop3A_493 = tpu.vector_load_idx %parallel_loop3A_492[%parallel_loop3A_230] : memref<5728xf32, #tpu.memory_space<vmem>>[vector<16xi32>], vector<16xf32>,
        %parallel_loop3A_494 = arith.constant 0 : i32
        %parallel_loop3A_495 = arith.constant 0 : i32
        %parallel_loop3A_496 = tpu.memref_slice %arg8[%scan3A_170, %parallel_loop3A_494, %parallel_loop3A_495] : memref<7x16x1024xf32, #tpu.memory_space<vmem>> -> memref<1x16x1024xf32, #tpu.memory_space<vmem>>
        %parallel_loop3A_497 = tpu.memref_squeeze %parallel_loop3A_496 : memref<1x16x1024xf32, #tpu.memory_space<vmem>> -> memref<16x1024xf32, #tpu.memory_space<vmem>>
        %parallel_loop3A_498 = arith.index_cast %parallel_loop3A_221 : i32 to index
        %parallel_loop3A_499 = arith.constant 416 : index
        %parallel_loop3A_500 = tpu.vector_load %parallel_loop3A_497[%parallel_loop3A_498, %parallel_loop3A_499] {strides = array<i32>} : memref<16x1024xf32, #tpu.memory_space<vmem>>, vector<16xf32>,
        tpu.vector_store %parallel_loop3A_497[%parallel_loop3A_498, %parallel_loop3A_499], %parallel_loop3A_493 {add = true, strides = array<i32>} : memref<16x1024xf32, #tpu.memory_space<vmem>>, vector<16xf32>,
        %parallel_loop3A_501 = arith.constant 432 : i32
        %parallel_loop3A_502 = tpu.memref_slice %arg7[%parallel_loop3A_501] : memref<6144xf32, #tpu.memory_space<vmem>> -> memref<5712xf32, #tpu.memory_space<vmem>>
        %parallel_loop3A_503 = tpu.vector_load_idx %parallel_loop3A_502[%parallel_loop3A_230] : memref<5712xf32, #tpu.memory_space<vmem>>[vector<16xi32>], vector<16xf32>,
        %parallel_loop3A_504 = arith.constant 0 : i32
        %parallel_loop3A_505 = arith.constant 0 : i32
        %parallel_loop3A_506 = tpu.memref_slice %arg8[%scan3A_170, %parallel_loop3A_504, %parallel_loop3A_505] : memref<7x16x1024xf32, #tpu.memory_space<vmem>> -> memref<1x16x1024xf32, #tpu.memory_space<vmem>>
        %parallel_loop3A_507 = tpu.memref_squeeze %parallel_loop3A_506 : memref<1x16x1024xf32, #tpu.memory_space<vmem>> -> memref<16x1024xf32, #tpu.memory_space<vmem>>
        %parallel_loop3A_508 = arith.index_cast %parallel_loop3A_221 : i32 to index
        %parallel_loop3A_509 = arith.constant 432 : index
        %parallel_loop3A_510 = tpu.vector_load %parallel_loop3A_507[%parallel_loop3A_508, %parallel_loop3A_509] {strides = array<i32>} : memref<16x1024xf32, #tpu.memory_space<vmem>>, vector<16xf32>,
        tpu.vector_store %parallel_loop3A_507[%parallel_loop3A_508, %parallel_loop3A_509], %parallel_loop3A_503 {add = true, strides = array<i32>} : memref<16x1024xf32, #tpu.memory_space<vmem>>, vector<16xf32>,
        %parallel_loop3A_511 = arith.constant 448 : i32
        %parallel_loop3A_512 = tpu.memref_slice %arg7[%parallel_loop3A_511] : memref<6144xf32, #tpu.memory_space<vmem>> -> memref<5696xf32, #tpu.memory_space<vmem>>
        %parallel_loop3A_513 = tpu.vector_load_idx %parallel_loop3A_512[%parallel_loop3A_230] : memref<5696xf32, #tpu.memory_space<vmem>>[vector<16xi32>], vector<16xf32>,
        %parallel_loop3A_514 = arith.constant 0 : i32
        %parallel_loop3A_515 = arith.constant 0 : i32
        %parallel_loop3A_516 = tpu.memref_slice %arg8[%scan3A_170, %parallel_loop3A_514, %parallel_loop3A_515] : memref<7x16x1024xf32, #tpu.memory_space<vmem>> -> memref<1x16x1024xf32, #tpu.memory_space<vmem>>
        %parallel_loop3A_517 = tpu.memref_squeeze %parallel_loop3A_516 : memref<1x16x1024xf32, #tpu.memory_space<vmem>> -> memref<16x1024xf32, #tpu.memory_space<vmem>>
        %parallel_loop3A_518 = arith.index_cast %parallel_loop3A_221 : i32 to index
        %parallel_loop3A_519 = arith.constant 448 : index
        %parallel_loop3A_520 = tpu.vector_load %parallel_loop3A_517[%parallel_loop3A_518, %parallel_loop3A_519] {strides = array<i32>} : memref<16x1024xf32, #tpu.memory_space<vmem>>, vector<16xf32>,
        tpu.vector_store %parallel_loop3A_517[%parallel_loop3A_518, %parallel_loop3A_519], %parallel_loop3A_513 {add = true, strides = array<i32>} : memref<16x1024xf32, #tpu.memory_space<vmem>>, vector<16xf32>,
        %parallel_loop3A_521 = arith.constant 464 : i32
        %parallel_loop3A_522 = tpu.memref_slice %arg7[%parallel_loop3A_521] : memref<6144xf32, #tpu.memory_space<vmem>> -> memref<5680xf32, #tpu.memory_space<vmem>>
        %parallel_loop3A_523 = tpu.vector_load_idx %parallel_loop3A_522[%parallel_loop3A_230] : memref<5680xf32, #tpu.memory_space<vmem>>[vector<16xi32>], vector<16xf32>,
        %parallel_loop3A_524 = arith.constant 0 : i32
        %parallel_loop3A_525 = arith.constant 0 : i32
        %parallel_loop3A_526 = tpu.memref_slice %arg8[%scan3A_170, %parallel_loop3A_524, %parallel_loop3A_525] : memref<7x16x1024xf32, #tpu.memory_space<vmem>> -> memref<1x16x1024xf32, #tpu.memory_space<vmem>>
        %parallel_loop3A_527 = tpu.memref_squeeze %parallel_loop3A_526 : memref<1x16x1024xf32, #tpu.memory_space<vmem>> -> memref<16x1024xf32, #tpu.memory_space<vmem>>
        %parallel_loop3A_528 = arith.index_cast %parallel_loop3A_221 : i32 to index
        %parallel_loop3A_529 = arith.constant 464 : index
        %parallel_loop3A_530 = tpu.vector_load %parallel_loop3A_527[%parallel_loop3A_528, %parallel_loop3A_529] {strides = array<i32>} : memref<16x1024xf32, #tpu.memory_space<vmem>>, vector<16xf32>,
        tpu.vector_store %parallel_loop3A_527[%parallel_loop3A_528, %parallel_loop3A_529], %parallel_loop3A_523 {add = true, strides = array<i32>} : memref<16x1024xf32, #tpu.memory_space<vmem>>, vector<16xf32>,
        %parallel_loop3A_531 = arith.constant 480 : i32
        %parallel_loop3A_532 = tpu.memref_slice %arg7[%parallel_loop3A_531] : memref<6144xf32, #tpu.memory_space<vmem>> -> memref<5664xf32, #tpu.memory_space<vmem>>
        %parallel_loop3A_533 = tpu.vector_load_idx %parallel_loop3A_532[%parallel_loop3A_230] : memref<5664xf32, #tpu.memory_space<vmem>>[vector<16xi32>], vector<16xf32>,
        %parallel_loop3A_534 = arith.constant 0 : i32
        %parallel_loop3A_535 = arith.constant 0 : i32
        %parallel_loop3A_536 = tpu.memref_slice %arg8[%scan3A_170, %parallel_loop3A_534, %parallel_loop3A_535] : memref<7x16x1024xf32, #tpu.memory_space<vmem>> -> memref<1x16x1024xf32, #tpu.memory_space<vmem>>
        %parallel_loop3A_537 = tpu.memref_squeeze %parallel_loop3A_536 : memref<1x16x1024xf32, #tpu.memory_space<vmem>> -> memref<16x1024xf32, #tpu.memory_space<vmem>>
        %parallel_loop3A_538 = arith.index_cast %parallel_loop3A_221 : i32 to index
        %parallel_loop3A_539 = arith.constant 480 : index
        %parallel_loop3A_540 = tpu.vector_load %parallel_loop3A_537[%parallel_loop3A_538, %parallel_loop3A_539] {strides = array<i32>} : memref<16x1024xf32, #tpu.memory_space<vmem>>, vector<16xf32>,
        tpu.vector_store %parallel_loop3A_537[%parallel_loop3A_538, %parallel_loop3A_539], %parallel_loop3A_533 {add = true, strides = array<i32>} : memref<16x1024xf32, #tpu.memory_space<vmem>>, vector<16xf32>,
        %parallel_loop3A_541 = arith.constant 496 : i32
        %parallel_loop3A_542 = tpu.memref_slice %arg7[%parallel_loop3A_541] : memref<6144xf32, #tpu.memory_space<vmem>> -> memref<5648xf32, #tpu.memory_space<vmem>>
        %parallel_loop3A_543 = tpu.vector_load_idx %parallel_loop3A_542[%parallel_loop3A_230] : memref<5648xf32, #tpu.memory_space<vmem>>[vector<16xi32>], vector<16xf32>,
        %parallel_loop3A_544 = arith.constant 0 : i32
        %parallel_loop3A_545 = arith.constant 0 : i32
        %parallel_loop3A_546 = tpu.memref_slice %arg8[%scan3A_170, %parallel_loop3A_544, %parallel_loop3A_545] : memref<7x16x1024xf32, #tpu.memory_space<vmem>> -> memref<1x16x1024xf32, #tpu.memory_space<vmem>>
        %parallel_loop3A_547 = tpu.memref_squeeze %parallel_loop3A_546 : memref<1x16x1024xf32, #tpu.memory_space<vmem>> -> memref<16x1024xf32, #tpu.memory_space<vmem>>
        %parallel_loop3A_548 = arith.index_cast %parallel_loop3A_221 : i32 to index
        %parallel_loop3A_549 = arith.constant 496 : index
        %parallel_loop3A_550 = tpu.vector_load %parallel_loop3A_547[%parallel_loop3A_548, %parallel_loop3A_549] {strides = array<i32>} : memref<16x1024xf32, #tpu.memory_space<vmem>>, vector<16xf32>,
        tpu.vector_store %parallel_loop3A_547[%parallel_loop3A_548, %parallel_loop3A_549], %parallel_loop3A_543 {add = true, strides = array<i32>} : memref<16x1024xf32, #tpu.memory_space<vmem>>, vector<16xf32>,
        %parallel_loop3A_551 = arith.constant 512 : i32
        %parallel_loop3A_552 = tpu.memref_slice %arg7[%parallel_loop3A_551] : memref<6144xf32, #tpu.memory_space<vmem>> -> memref<5632xf32, #tpu.memory_space<vmem>>
        %parallel_loop3A_553 = tpu.vector_load_idx %parallel_loop3A_552[%parallel_loop3A_230] : memref<5632xf32, #tpu.memory_space<vmem>>[vector<16xi32>], vector<16xf32>,
        %parallel_loop3A_554 = arith.constant 0 : i32
        %parallel_loop3A_555 = arith.constant 0 : i32
        %parallel_loop3A_556 = tpu.memref_slice %arg8[%scan3A_170, %parallel_loop3A_554, %parallel_loop3A_555] : memref<7x16x1024xf32, #tpu.memory_space<vmem>> -> memref<1x16x1024xf32, #tpu.memory_space<vmem>>
        %parallel_loop3A_557 = tpu.memref_squeeze %parallel_loop3A_556 : memref<1x16x1024xf32, #tpu.memory_space<vmem>> -> memref<16x1024xf32, #tpu.memory_space<vmem>>
        %parallel_loop3A_558 = arith.index_cast %parallel_loop3A_221 : i32 to index
        %parallel_loop3A_559 = arith.constant 512 : index
        %parallel_loop3A_560 = tpu.vector_load %parallel_loop3A_557[%parallel_loop3A_558, %parallel_loop3A_559] {strides = array<i32>} : memref<16x1024xf32, #tpu.memory_space<vmem>>, vector<16xf32>,
        tpu.vector_store %parallel_loop3A_557[%parallel_loop3A_558, %parallel_loop3A_559], %parallel_loop3A_553 {add = true, strides = array<i32>} : memref<16x1024xf32, #tpu.memory_space<vmem>>, vector<16xf32>,
        %parallel_loop3A_561 = arith.constant 528 : i32
        %parallel_loop3A_562 = tpu.memref_slice %arg7[%parallel_loop3A_561] : memref<6144xf32, #tpu.memory_space<vmem>> -> memref<5616xf32, #tpu.memory_space<vmem>>
        %parallel_loop3A_563 = tpu.vector_load_idx %parallel_loop3A_562[%parallel_loop3A_230] : memref<5616xf32, #tpu.memory_space<vmem>>[vector<16xi32>], vector<16xf32>,
        %parallel_loop3A_564 = arith.constant 0 : i32
        %parallel_loop3A_565 = arith.constant 0 : i32
        %parallel_loop3A_566 = tpu.memref_slice %arg8[%scan3A_170, %parallel_loop3A_564, %parallel_loop3A_565] : memref<7x16x1024xf32, #tpu.memory_space<vmem>> -> memref<1x16x1024xf32, #tpu.memory_space<vmem>>
        %parallel_loop3A_567 = tpu.memref_squeeze %parallel_loop3A_566 : memref<1x16x1024xf32, #tpu.memory_space<vmem>> -> memref<16x1024xf32, #tpu.memory_space<vmem>>
        %parallel_loop3A_568 = arith.index_cast %parallel_loop3A_221 : i32 to index
        %parallel_loop3A_569 = arith.constant 528 : index
        %parallel_loop3A_570 = tpu.vector_load %parallel_loop3A_567[%parallel_loop3A_568, %parallel_loop3A_569] {strides = array<i32>} : memref<16x1024xf32, #tpu.memory_space<vmem>>, vector<16xf32>,
        tpu.vector_store %parallel_loop3A_567[%parallel_loop3A_568, %parallel_loop3A_569], %parallel_loop3A_563 {add = true, strides = array<i32>} : memref<16x1024xf32, #tpu.memory_space<vmem>>, vector<16xf32>,
        %parallel_loop3A_571 = arith.constant 544 : i32
        %parallel_loop3A_572 = tpu.memref_slice %arg7[%parallel_loop3A_571] : memref<6144xf32, #tpu.memory_space<vmem>> -> memref<5600xf32, #tpu.memory_space<vmem>>
        %parallel_loop3A_573 = tpu.vector_load_idx %parallel_loop3A_572[%parallel_loop3A_230] : memref<5600xf32, #tpu.memory_space<vmem>>[vector<16xi32>], vector<16xf32>,
        %parallel_loop3A_574 = arith.constant 0 : i32
        %parallel_loop3A_575 = arith.constant 0 : i32
        %parallel_loop3A_576 = tpu.memref_slice %arg8[%scan3A_170, %parallel_loop3A_574, %parallel_loop3A_575] : memref<7x16x1024xf32, #tpu.memory_space<vmem>> -> memref<1x16x1024xf32, #tpu.memory_space<vmem>>
        %parallel_loop3A_577 = tpu.memref_squeeze %parallel_loop3A_576 : memref<1x16x1024xf32, #tpu.memory_space<vmem>> -> memref<16x1024xf32, #tpu.memory_space<vmem>>
        %parallel_loop3A_578 = arith.index_cast %parallel_loop3A_221 : i32 to index
        %parallel_loop3A_579 = arith.constant 544 : index
        %parallel_loop3A_580 = tpu.vector_load %parallel_loop3A_577[%parallel_loop3A_578, %parallel_loop3A_579] {strides = array<i32>} : memref<16x1024xf32, #tpu.memory_space<vmem>>, vector<16xf32>,
        tpu.vector_store %parallel_loop3A_577[%parallel_loop3A_578, %parallel_loop3A_579], %parallel_loop3A_573 {add = true, strides = array<i32>} : memref<16x1024xf32, #tpu.memory_space<vmem>>, vector<16xf32>,
        %parallel_loop3A_581 = arith.constant 560 : i32
        %parallel_loop3A_582 = tpu.memref_slice %arg7[%parallel_loop3A_581] : memref<6144xf32, #tpu.memory_space<vmem>> -> memref<5584xf32, #tpu.memory_space<vmem>>
        %parallel_loop3A_583 = tpu.vector_load_idx %parallel_loop3A_582[%parallel_loop3A_230] : memref<5584xf32, #tpu.memory_space<vmem>>[vector<16xi32>], vector<16xf32>,
        %parallel_loop3A_584 = arith.constant 0 : i32
        %parallel_loop3A_585 = arith.constant 0 : i32
        %parallel_loop3A_586 = tpu.memref_slice %arg8[%scan3A_170, %parallel_loop3A_584, %parallel_loop3A_585] : memref<7x16x1024xf32, #tpu.memory_space<vmem>> -> memref<1x16x1024xf32, #tpu.memory_space<vmem>>
        %parallel_loop3A_587 = tpu.memref_squeeze %parallel_loop3A_586 : memref<1x16x1024xf32, #tpu.memory_space<vmem>> -> memref<16x1024xf32, #tpu.memory_space<vmem>>
        %parallel_loop3A_588 = arith.index_cast %parallel_loop3A_221 : i32 to index
        %parallel_loop3A_589 = arith.constant 560 : index
        %parallel_loop3A_590 = tpu.vector_load %parallel_loop3A_587[%parallel_loop3A_588, %parallel_loop3A_589] {strides = array<i32>} : memref<16x1024xf32, #tpu.memory_space<vmem>>, vector<16xf32>,
        tpu.vector_store %parallel_loop3A_587[%parallel_loop3A_588, %parallel_loop3A_589], %parallel_loop3A_583 {add = true, strides = array<i32>} : memref<16x1024xf32, #tpu.memory_space<vmem>>, vector<16xf32>,
        %parallel_loop3A_591 = arith.constant 576 : i32
        %parallel_loop3A_592 = tpu.memref_slice %arg7[%parallel_loop3A_591] : memref<6144xf32, #tpu.memory_space<vmem>> -> memref<5568xf32, #tpu.memory_space<vmem>>
        %parallel_loop3A_593 = tpu.vector_load_idx %parallel_loop3A_592[%parallel_loop3A_230] : memref<5568xf32, #tpu.memory_space<vmem>>[vector<16xi32>], vector<16xf32>,
        %parallel_loop3A_594 = arith.constant 0 : i32
        %parallel_loop3A_595 = arith.constant 0 : i32
        %parallel_loop3A_596 = tpu.memref_slice %arg8[%scan3A_170, %parallel_loop3A_594, %parallel_loop3A_595] : memref<7x16x1024xf32, #tpu.memory_space<vmem>> -> memref<1x16x1024xf32, #tpu.memory_space<vmem>>
        %parallel_loop3A_597 = tpu.memref_squeeze %parallel_loop3A_596 : memref<1x16x1024xf32, #tpu.memory_space<vmem>> -> memref<16x1024xf32, #tpu.memory_space<vmem>>
        %parallel_loop3A_598 = arith.index_cast %parallel_loop3A_221 : i32 to index
        %parallel_loop3A_599 = arith.constant 576 : index
        %parallel_loop3A_600 = tpu.vector_load %parallel_loop3A_597[%parallel_loop3A_598, %parallel_loop3A_599] {strides = array<i32>} : memref<16x1024xf32, #tpu.memory_space<vmem>>, vector<16xf32>,
        tpu.vector_store %parallel_loop3A_597[%parallel_loop3A_598, %parallel_loop3A_599], %parallel_loop3A_593 {add = true, strides = array<i32>} : memref<16x1024xf32, #tpu.memory_space<vmem>>, vector<16xf32>,
        %parallel_loop3A_601 = arith.constant 592 : i32
        %parallel_loop3A_602 = tpu.memref_slice %arg7[%parallel_loop3A_601] : memref<6144xf32, #tpu.memory_space<vmem>> -> memref<5552xf32, #tpu.memory_space<vmem>>
        %parallel_loop3A_603 = tpu.vector_load_idx %parallel_loop3A_602[%parallel_loop3A_230] : memref<5552xf32, #tpu.memory_space<vmem>>[vector<16xi32>], vector<16xf32>,
        %parallel_loop3A_604 = arith.constant 0 : i32
        %parallel_loop3A_605 = arith.constant 0 : i32
        %parallel_loop3A_606 = tpu.memref_slice %arg8[%scan3A_170, %parallel_loop3A_604, %parallel_loop3A_605] : memref<7x16x1024xf32, #tpu.memory_space<vmem>> -> memref<1x16x1024xf32, #tpu.memory_space<vmem>>
        %parallel_loop3A_607 = tpu.memref_squeeze %parallel_loop3A_606 : memref<1x16x1024xf32, #tpu.memory_space<vmem>> -> memref<16x1024xf32, #tpu.memory_space<vmem>>
        %parallel_loop3A_608 = arith.index_cast %parallel_loop3A_221 : i32 to index
        %parallel_loop3A_609 = arith.constant 592 : index
        %parallel_loop3A_610 = tpu.vector_load %parallel_loop3A_607[%parallel_loop3A_608, %parallel_loop3A_609] {strides = array<i32>} : memref<16x1024xf32, #tpu.memory_space<vmem>>, vector<16xf32>,
        tpu.vector_store %parallel_loop3A_607[%parallel_loop3A_608, %parallel_loop3A_609], %parallel_loop3A_603 {add = true, strides = array<i32>} : memref<16x1024xf32, #tpu.memory_space<vmem>>, vector<16xf32>,
        %parallel_loop3A_611 = arith.constant 608 : i32
        %parallel_loop3A_612 = tpu.memref_slice %arg7[%parallel_loop3A_611] : memref<6144xf32, #tpu.memory_space<vmem>> -> memref<5536xf32, #tpu.memory_space<vmem>>
        %parallel_loop3A_613 = tpu.vector_load_idx %parallel_loop3A_612[%parallel_loop3A_230] : memref<5536xf32, #tpu.memory_space<vmem>>[vector<16xi32>], vector<16xf32>,
        %parallel_loop3A_614 = arith.constant 0 : i32
        %parallel_loop3A_615 = arith.constant 0 : i32
        %parallel_loop3A_616 = tpu.memref_slice %arg8[%scan3A_170, %parallel_loop3A_614, %parallel_loop3A_615] : memref<7x16x1024xf32, #tpu.memory_space<vmem>> -> memref<1x16x1024xf32, #tpu.memory_space<vmem>>
        %parallel_loop3A_617 = tpu.memref_squeeze %parallel_loop3A_616 : memref<1x16x1024xf32, #tpu.memory_space<vmem>> -> memref<16x1024xf32, #tpu.memory_space<vmem>>
        %parallel_loop3A_618 = arith.index_cast %parallel_loop3A_221 : i32 to index
        %parallel_loop3A_619 = arith.constant 608 : index
        %parallel_loop3A_620 = tpu.vector_load %parallel_loop3A_617[%parallel_loop3A_618, %parallel_loop3A_619] {strides = array<i32>} : memref<16x1024xf32, #tpu.memory_space<vmem>>, vector<16xf32>,
        tpu.vector_store %parallel_loop3A_617[%parallel_loop3A_618, %parallel_loop3A_619], %parallel_loop3A_613 {add = true, strides = array<i32>} : memref<16x1024xf32, #tpu.memory_space<vmem>>, vector<16xf32>,
        %parallel_loop3A_621 = arith.constant 624 : i32
        %parallel_loop3A_622 = tpu.memref_slice %arg7[%parallel_loop3A_621] : memref<6144xf32, #tpu.memory_space<vmem>> -> memref<5520xf32, #tpu.memory_space<vmem>>
        %parallel_loop3A_623 = tpu.vector_load_idx %parallel_loop3A_622[%parallel_loop3A_230] : memref<5520xf32, #tpu.memory_space<vmem>>[vector<16xi32>], vector<16xf32>,
        %parallel_loop3A_624 = arith.constant 0 : i32
        %parallel_loop3A_625 = arith.constant 0 : i32
        %parallel_loop3A_626 = tpu.memref_slice %arg8[%scan3A_170, %parallel_loop3A_624, %parallel_loop3A_625] : memref<7x16x1024xf32, #tpu.memory_space<vmem>> -> memref<1x16x1024xf32, #tpu.memory_space<vmem>>
        %parallel_loop3A_627 = tpu.memref_squeeze %parallel_loop3A_626 : memref<1x16x1024xf32, #tpu.memory_space<vmem>> -> memref<16x1024xf32, #tpu.memory_space<vmem>>
        %parallel_loop3A_628 = arith.index_cast %parallel_loop3A_221 : i32 to index
        %parallel_loop3A_629 = arith.constant 624 : index
        %parallel_loop3A_630 = tpu.vector_load %parallel_loop3A_627[%parallel_loop3A_628, %parallel_loop3A_629] {strides = array<i32>} : memref<16x1024xf32, #tpu.memory_space<vmem>>, vector<16xf32>,
        tpu.vector_store %parallel_loop3A_627[%parallel_loop3A_628, %parallel_loop3A_629], %parallel_loop3A_623 {add = true, strides = array<i32>} : memref<16x1024xf32, #tpu.memory_space<vmem>>, vector<16xf32>,
        %parallel_loop3A_631 = arith.constant 640 : i32
        %parallel_loop3A_632 = tpu.memref_slice %arg7[%parallel_loop3A_631] : memref<6144xf32, #tpu.memory_space<vmem>> -> memref<5504xf32, #tpu.memory_space<vmem>>
        %parallel_loop3A_633 = tpu.vector_load_idx %parallel_loop3A_632[%parallel_loop3A_230] : memref<5504xf32, #tpu.memory_space<vmem>>[vector<16xi32>], vector<16xf32>,
        %parallel_loop3A_634 = arith.constant 0 : i32
        %parallel_loop3A_635 = arith.constant 0 : i32
        %parallel_loop3A_636 = tpu.memref_slice %arg8[%scan3A_170, %parallel_loop3A_634, %parallel_loop3A_635] : memref<7x16x1024xf32, #tpu.memory_space<vmem>> -> memref<1x16x1024xf32, #tpu.memory_space<vmem>>
        %parallel_loop3A_637 = tpu.memref_squeeze %parallel_loop3A_636 : memref<1x16x1024xf32, #tpu.memory_space<vmem>> -> memref<16x1024xf32, #tpu.memory_space<vmem>>
        %parallel_loop3A_638 = arith.index_cast %parallel_loop3A_221 : i32 to index
        %parallel_loop3A_639 = arith.constant 640 : index
        %parallel_loop3A_640 = tpu.vector_load %parallel_loop3A_637[%parallel_loop3A_638, %parallel_loop3A_639] {strides = array<i32>} : memref<16x1024xf32, #tpu.memory_space<vmem>>, vector<16xf32>,
        tpu.vector_store %parallel_loop3A_637[%parallel_loop3A_638, %parallel_loop3A_639], %parallel_loop3A_633 {add = true, strides = array<i32>} : memref<16x1024xf32, #tpu.memory_space<vmem>>, vector<16xf32>,
        %parallel_loop3A_641 = arith.constant 656 : i32
        %parallel_loop3A_642 = tpu.memref_slice %arg7[%parallel_loop3A_641] : memref<6144xf32, #tpu.memory_space<vmem>> -> memref<5488xf32, #tpu.memory_space<vmem>>
        %parallel_loop3A_643 = tpu.vector_load_idx %parallel_loop3A_642[%parallel_loop3A_230] : memref<5488xf32, #tpu.memory_space<vmem>>[vector<16xi32>], vector<16xf32>,
        %parallel_loop3A_644 = arith.constant 0 : i32
        %parallel_loop3A_645 = arith.constant 0 : i32
        %parallel_loop3A_646 = tpu.memref_slice %arg8[%scan3A_170, %parallel_loop3A_644, %parallel_loop3A_645] : memref<7x16x1024xf32, #tpu.memory_space<vmem>> -> memref<1x16x1024xf32, #tpu.memory_space<vmem>>
        %parallel_loop3A_647 = tpu.memref_squeeze %parallel_loop3A_646 : memref<1x16x1024xf32, #tpu.memory_space<vmem>> -> memref<16x1024xf32, #tpu.memory_space<vmem>>
        %parallel_loop3A_648 = arith.index_cast %parallel_loop3A_221 : i32 to index
        %parallel_loop3A_649 = arith.constant 656 : index
        %parallel_loop3A_650 = tpu.vector_load %parallel_loop3A_647[%parallel_loop3A_648, %parallel_loop3A_649] {strides = array<i32>} : memref<16x1024xf32, #tpu.memory_space<vmem>>, vector<16xf32>,
        tpu.vector_store %parallel_loop3A_647[%parallel_loop3A_648, %parallel_loop3A_649], %parallel_loop3A_643 {add = true, strides = array<i32>} : memref<16x1024xf32, #tpu.memory_space<vmem>>, vector<16xf32>,
        %parallel_loop3A_651 = arith.constant 672 : i32
        %parallel_loop3A_652 = tpu.memref_slice %arg7[%parallel_loop3A_651] : memref<6144xf32, #tpu.memory_space<vmem>> -> memref<5472xf32, #tpu.memory_space<vmem>>
        %parallel_loop3A_653 = tpu.vector_load_idx %parallel_loop3A_652[%parallel_loop3A_230] : memref<5472xf32, #tpu.memory_space<vmem>>[vector<16xi32>], vector<16xf32>,
        %parallel_loop3A_654 = arith.constant 0 : i32
        %parallel_loop3A_655 = arith.constant 0 : i32
        %parallel_loop3A_656 = tpu.memref_slice %arg8[%scan3A_170, %parallel_loop3A_654, %parallel_loop3A_655] : memref<7x16x1024xf32, #tpu.memory_space<vmem>> -> memref<1x16x1024xf32, #tpu.memory_space<vmem>>
        %parallel_loop3A_657 = tpu.memref_squeeze %parallel_loop3A_656 : memref<1x16x1024xf32, #tpu.memory_space<vmem>> -> memref<16x1024xf32, #tpu.memory_space<vmem>>
        %parallel_loop3A_658 = arith.index_cast %parallel_loop3A_221 : i32 to index
        %parallel_loop3A_659 = arith.constant 672 : index
        %parallel_loop3A_660 = tpu.vector_load %parallel_loop3A_657[%parallel_loop3A_658, %parallel_loop3A_659] {strides = array<i32>} : memref<16x1024xf32, #tpu.memory_space<vmem>>, vector<16xf32>,
        tpu.vector_store %parallel_loop3A_657[%parallel_loop3A_658, %parallel_loop3A_659], %parallel_loop3A_653 {add = true, strides = array<i32>} : memref<16x1024xf32, #tpu.memory_space<vmem>>, vector<16xf32>,
        %parallel_loop3A_661 = arith.constant 688 : i32
        %parallel_loop3A_662 = tpu.memref_slice %arg7[%parallel_loop3A_661] : memref<6144xf32, #tpu.memory_space<vmem>> -> memref<5456xf32, #tpu.memory_space<vmem>>
        %parallel_loop3A_663 = tpu.vector_load_idx %parallel_loop3A_662[%parallel_loop3A_230] : memref<5456xf32, #tpu.memory_space<vmem>>[vector<16xi32>], vector<16xf32>,
        %parallel_loop3A_664 = arith.constant 0 : i32
        %parallel_loop3A_665 = arith.constant 0 : i32
        %parallel_loop3A_666 = tpu.memref_slice %arg8[%scan3A_170, %parallel_loop3A_664, %parallel_loop3A_665] : memref<7x16x1024xf32, #tpu.memory_space<vmem>> -> memref<1x16x1024xf32, #tpu.memory_space<vmem>>
        %parallel_loop3A_667 = tpu.memref_squeeze %parallel_loop3A_666 : memref<1x16x1024xf32, #tpu.memory_space<vmem>> -> memref<16x1024xf32, #tpu.memory_space<vmem>>
        %parallel_loop3A_668 = arith.index_cast %parallel_loop3A_221 : i32 to index
        %parallel_loop3A_669 = arith.constant 688 : index
        %parallel_loop3A_670 = tpu.vector_load %parallel_loop3A_667[%parallel_loop3A_668, %parallel_loop3A_669] {strides = array<i32>} : memref<16x1024xf32, #tpu.memory_space<vmem>>, vector<16xf32>,
        tpu.vector_store %parallel_loop3A_667[%parallel_loop3A_668, %parallel_loop3A_669], %parallel_loop3A_663 {add = true, strides = array<i32>} : memref<16x1024xf32, #tpu.memory_space<vmem>>, vector<16xf32>,
        %parallel_loop3A_671 = arith.constant 704 : i32
        %parallel_loop3A_672 = tpu.memref_slice %arg7[%parallel_loop3A_671] : memref<6144xf32, #tpu.memory_space<vmem>> -> memref<5440xf32, #tpu.memory_space<vmem>>
        %parallel_loop3A_673 = tpu.vector_load_idx %parallel_loop3A_672[%parallel_loop3A_230] : memref<5440xf32, #tpu.memory_space<vmem>>[vector<16xi32>], vector<16xf32>,
        %parallel_loop3A_674 = arith.constant 0 : i32
        %parallel_loop3A_675 = arith.constant 0 : i32
        %parallel_loop3A_676 = tpu.memref_slice %arg8[%scan3A_170, %parallel_loop3A_674, %parallel_loop3A_675] : memref<7x16x1024xf32, #tpu.memory_space<vmem>> -> memref<1x16x1024xf32, #tpu.memory_space<vmem>>
        %parallel_loop3A_677 = tpu.memref_squeeze %parallel_loop3A_676 : memref<1x16x1024xf32, #tpu.memory_space<vmem>> -> memref<16x1024xf32, #tpu.memory_space<vmem>>
        %parallel_loop3A_678 = arith.index_cast %parallel_loop3A_221 : i32 to index
        %parallel_loop3A_679 = arith.constant 704 : index
        %parallel_loop3A_680 = tpu.vector_load %parallel_loop3A_677[%parallel_loop3A_678, %parallel_loop3A_679] {strides = array<i32>} : memref<16x1024xf32, #tpu.memory_space<vmem>>, vector<16xf32>,
        tpu.vector_store %parallel_loop3A_677[%parallel_loop3A_678, %parallel_loop3A_679], %parallel_loop3A_673 {add = true, strides = array<i32>} : memref<16x1024xf32, #tpu.memory_space<vmem>>, vector<16xf32>,
        %parallel_loop3A_681 = arith.constant 720 : i32
        %parallel_loop3A_682 = tpu.memref_slice %arg7[%parallel_loop3A_681] : memref<6144xf32, #tpu.memory_space<vmem>> -> memref<5424xf32, #tpu.memory_space<vmem>>
        %parallel_loop3A_683 = tpu.vector_load_idx %parallel_loop3A_682[%parallel_loop3A_230] : memref<5424xf32, #tpu.memory_space<vmem>>[vector<16xi32>], vector<16xf32>,
        %parallel_loop3A_684 = arith.constant 0 : i32
        %parallel_loop3A_685 = arith.constant 0 : i32
        %parallel_loop3A_686 = tpu.memref_slice %arg8[%scan3A_170, %parallel_loop3A_684, %parallel_loop3A_685] : memref<7x16x1024xf32, #tpu.memory_space<vmem>> -> memref<1x16x1024xf32, #tpu.memory_space<vmem>>
        %parallel_loop3A_687 = tpu.memref_squeeze %parallel_loop3A_686 : memref<1x16x1024xf32, #tpu.memory_space<vmem>> -> memref<16x1024xf32, #tpu.memory_space<vmem>>
        %parallel_loop3A_688 = arith.index_cast %parallel_loop3A_221 : i32 to index
        %parallel_loop3A_689 = arith.constant 720 : index
        %parallel_loop3A_690 = tpu.vector_load %parallel_loop3A_687[%parallel_loop3A_688, %parallel_loop3A_689] {strides = array<i32>} : memref<16x1024xf32, #tpu.memory_space<vmem>>, vector<16xf32>,
        tpu.vector_store %parallel_loop3A_687[%parallel_loop3A_688, %parallel_loop3A_689], %parallel_loop3A_683 {add = true, strides = array<i32>} : memref<16x1024xf32, #tpu.memory_space<vmem>>, vector<16xf32>,
        %parallel_loop3A_691 = arith.constant 736 : i32
        %parallel_loop3A_692 = tpu.memref_slice %arg7[%parallel_loop3A_691] : memref<6144xf32, #tpu.memory_space<vmem>> -> memref<5408xf32, #tpu.memory_space<vmem>>
        %parallel_loop3A_693 = tpu.vector_load_idx %parallel_loop3A_692[%parallel_loop3A_230] : memref<5408xf32, #tpu.memory_space<vmem>>[vector<16xi32>], vector<16xf32>,
        %parallel_loop3A_694 = arith.constant 0 : i32
        %parallel_loop3A_695 = arith.constant 0 : i32
        %parallel_loop3A_696 = tpu.memref_slice %arg8[%scan3A_170, %parallel_loop3A_694, %parallel_loop3A_695] : memref<7x16x1024xf32, #tpu.memory_space<vmem>> -> memref<1x16x1024xf32, #tpu.memory_space<vmem>>
        %parallel_loop3A_697 = tpu.memref_squeeze %parallel_loop3A_696 : memref<1x16x1024xf32, #tpu.memory_space<vmem>> -> memref<16x1024xf32, #tpu.memory_space<vmem>>
        %parallel_loop3A_698 = arith.index_cast %parallel_loop3A_221 : i32 to index
        %parallel_loop3A_699 = arith.constant 736 : index
        %parallel_loop3A_700 = tpu.vector_load %parallel_loop3A_697[%parallel_loop3A_698, %parallel_loop3A_699] {strides = array<i32>} : memref<16x1024xf32, #tpu.memory_space<vmem>>, vector<16xf32>,
        tpu.vector_store %parallel_loop3A_697[%parallel_loop3A_698, %parallel_loop3A_699], %parallel_loop3A_693 {add = true, strides = array<i32>} : memref<16x1024xf32, #tpu.memory_space<vmem>>, vector<16xf32>,
        %parallel_loop3A_701 = arith.constant 752 : i32
        %parallel_loop3A_702 = tpu.memref_slice %arg7[%parallel_loop3A_701] : memref<6144xf32, #tpu.memory_space<vmem>> -> memref<5392xf32, #tpu.memory_space<vmem>>
        %parallel_loop3A_703 = tpu.vector_load_idx %parallel_loop3A_702[%parallel_loop3A_230] : memref<5392xf32, #tpu.memory_space<vmem>>[vector<16xi32>], vector<16xf32>,
        %parallel_loop3A_704 = arith.constant 0 : i32
        %parallel_loop3A_705 = arith.constant 0 : i32
        %parallel_loop3A_706 = tpu.memref_slice %arg8[%scan3A_170, %parallel_loop3A_704, %parallel_loop3A_705] : memref<7x16x1024xf32, #tpu.memory_space<vmem>> -> memref<1x16x1024xf32, #tpu.memory_space<vmem>>
        %parallel_loop3A_707 = tpu.memref_squeeze %parallel_loop3A_706 : memref<1x16x1024xf32, #tpu.memory_space<vmem>> -> memref<16x1024xf32, #tpu.memory_space<vmem>>
        %parallel_loop3A_708 = arith.index_cast %parallel_loop3A_221 : i32 to index
        %parallel_loop3A_709 = arith.constant 752 : index
        %parallel_loop3A_710 = tpu.vector_load %parallel_loop3A_707[%parallel_loop3A_708, %parallel_loop3A_709] {strides = array<i32>} : memref<16x1024xf32, #tpu.memory_space<vmem>>, vector<16xf32>,
        tpu.vector_store %parallel_loop3A_707[%parallel_loop3A_708, %parallel_loop3A_709], %parallel_loop3A_703 {add = true, strides = array<i32>} : memref<16x1024xf32, #tpu.memory_space<vmem>>, vector<16xf32>,
        %parallel_loop3A_711 = arith.constant 768 : i32
        %parallel_loop3A_712 = tpu.memref_slice %arg7[%parallel_loop3A_711] : memref<6144xf32, #tpu.memory_space<vmem>> -> memref<5376xf32, #tpu.memory_space<vmem>>
        %parallel_loop3A_713 = tpu.vector_load_idx %parallel_loop3A_712[%parallel_loop3A_230] : memref<5376xf32, #tpu.memory_space<vmem>>[vector<16xi32>], vector<16xf32>,
        %parallel_loop3A_714 = arith.constant 0 : i32
        %parallel_loop3A_715 = arith.constant 0 : i32
        %parallel_loop3A_716 = tpu.memref_slice %arg8[%scan3A_170, %parallel_loop3A_714, %parallel_loop3A_715] : memref<7x16x1024xf32, #tpu.memory_space<vmem>> -> memref<1x16x1024xf32, #tpu.memory_space<vmem>>
        %parallel_loop3A_717 = tpu.memref_squeeze %parallel_loop3A_716 : memref<1x16x1024xf32, #tpu.memory_space<vmem>> -> memref<16x1024xf32, #tpu.memory_space<vmem>>
        %parallel_loop3A_718 = arith.index_cast %parallel_loop3A_221 : i32 to index
        %parallel_loop3A_719 = arith.constant 768 : index
        %parallel_loop3A_720 = tpu.vector_load %parallel_loop3A_717[%parallel_loop3A_718, %parallel_loop3A_719] {strides = array<i32>} : memref<16x1024xf32, #tpu.memory_space<vmem>>, vector<16xf32>,
        tpu.vector_store %parallel_loop3A_717[%parallel_loop3A_718, %parallel_loop3A_719], %parallel_loop3A_713 {add = true, strides = array<i32>} : memref<16x1024xf32, #tpu.memory_space<vmem>>, vector<16xf32>,
        %parallel_loop3A_721 = arith.constant 784 : i32
        %parallel_loop3A_722 = tpu.memref_slice %arg7[%parallel_loop3A_721] : memref<6144xf32, #tpu.memory_space<vmem>> -> memref<5360xf32, #tpu.memory_space<vmem>>
        %parallel_loop3A_723 = tpu.vector_load_idx %parallel_loop3A_722[%parallel_loop3A_230] : memref<5360xf32, #tpu.memory_space<vmem>>[vector<16xi32>], vector<16xf32>,
        %parallel_loop3A_724 = arith.constant 0 : i32
        %parallel_loop3A_725 = arith.constant 0 : i32
        %parallel_loop3A_726 = tpu.memref_slice %arg8[%scan3A_170, %parallel_loop3A_724, %parallel_loop3A_725] : memref<7x16x1024xf32, #tpu.memory_space<vmem>> -> memref<1x16x1024xf32, #tpu.memory_space<vmem>>
        %parallel_loop3A_727 = tpu.memref_squeeze %parallel_loop3A_726 : memref<1x16x1024xf32, #tpu.memory_space<vmem>> -> memref<16x1024xf32, #tpu.memory_space<vmem>>
        %parallel_loop3A_728 = arith.index_cast %parallel_loop3A_221 : i32 to index
        %parallel_loop3A_729 = arith.constant 784 : index
        %parallel_loop3A_730 = tpu.vector_load %parallel_loop3A_727[%parallel_loop3A_728, %parallel_loop3A_729] {strides = array<i32>} : memref<16x1024xf32, #tpu.memory_space<vmem>>, vector<16xf32>,
        tpu.vector_store %parallel_loop3A_727[%parallel_loop3A_728, %parallel_loop3A_729], %parallel_loop3A_723 {add = true, strides = array<i32>} : memref<16x1024xf32, #tpu.memory_space<vmem>>, vector<16xf32>,
        %parallel_loop3A_731 = arith.constant 800 : i32
        %parallel_loop3A_732 = tpu.memref_slice %arg7[%parallel_loop3A_731] : memref<6144xf32, #tpu.memory_space<vmem>> -> memref<5344xf32, #tpu.memory_space<vmem>>
        %parallel_loop3A_733 = tpu.vector_load_idx %parallel_loop3A_732[%parallel_loop3A_230] : memref<5344xf32, #tpu.memory_space<vmem>>[vector<16xi32>], vector<16xf32>,
        %parallel_loop3A_734 = arith.constant 0 : i32
        %parallel_loop3A_735 = arith.constant 0 : i32
        %parallel_loop3A_736 = tpu.memref_slice %arg8[%scan3A_170, %parallel_loop3A_734, %parallel_loop3A_735] : memref<7x16x1024xf32, #tpu.memory_space<vmem>> -> memref<1x16x1024xf32, #tpu.memory_space<vmem>>
        %parallel_loop3A_737 = tpu.memref_squeeze %parallel_loop3A_736 : memref<1x16x1024xf32, #tpu.memory_space<vmem>> -> memref<16x1024xf32, #tpu.memory_space<vmem>>
        %parallel_loop3A_738 = arith.index_cast %parallel_loop3A_221 : i32 to index
        %parallel_loop3A_739 = arith.constant 800 : index
        %parallel_loop3A_740 = tpu.vector_load %parallel_loop3A_737[%parallel_loop3A_738, %parallel_loop3A_739] {strides = array<i32>} : memref<16x1024xf32, #tpu.memory_space<vmem>>, vector<16xf32>,
        tpu.vector_store %parallel_loop3A_737[%parallel_loop3A_738, %parallel_loop3A_739], %parallel_loop3A_733 {add = true, strides = array<i32>} : memref<16x1024xf32, #tpu.memory_space<vmem>>, vector<16xf32>,
        %parallel_loop3A_741 = arith.constant 816 : i32
        %parallel_loop3A_742 = tpu.memref_slice %arg7[%parallel_loop3A_741] : memref<6144xf32, #tpu.memory_space<vmem>> -> memref<5328xf32, #tpu.memory_space<vmem>>
        %parallel_loop3A_743 = tpu.vector_load_idx %parallel_loop3A_742[%parallel_loop3A_230] : memref<5328xf32, #tpu.memory_space<vmem>>[vector<16xi32>], vector<16xf32>,
        %parallel_loop3A_744 = arith.constant 0 : i32
        %parallel_loop3A_745 = arith.constant 0 : i32
        %parallel_loop3A_746 = tpu.memref_slice %arg8[%scan3A_170, %parallel_loop3A_744, %parallel_loop3A_745] : memref<7x16x1024xf32, #tpu.memory_space<vmem>> -> memref<1x16x1024xf32, #tpu.memory_space<vmem>>
        %parallel_loop3A_747 = tpu.memref_squeeze %parallel_loop3A_746 : memref<1x16x1024xf32, #tpu.memory_space<vmem>> -> memref<16x1024xf32, #tpu.memory_space<vmem>>
        %parallel_loop3A_748 = arith.index_cast %parallel_loop3A_221 : i32 to index
        %parallel_loop3A_749 = arith.constant 816 : index
        %parallel_loop3A_750 = tpu.vector_load %parallel_loop3A_747[%parallel_loop3A_748, %parallel_loop3A_749] {strides = array<i32>} : memref<16x1024xf32, #tpu.memory_space<vmem>>, vector<16xf32>,
        tpu.vector_store %parallel_loop3A_747[%parallel_loop3A_748, %parallel_loop3A_749], %parallel_loop3A_743 {add = true, strides = array<i32>} : memref<16x1024xf32, #tpu.memory_space<vmem>>, vector<16xf32>,
        %parallel_loop3A_751 = arith.constant 832 : i32
        %parallel_loop3A_752 = tpu.memref_slice %arg7[%parallel_loop3A_751] : memref<6144xf32, #tpu.memory_space<vmem>> -> memref<5312xf32, #tpu.memory_space<vmem>>
        %parallel_loop3A_753 = tpu.vector_load_idx %parallel_loop3A_752[%parallel_loop3A_230] : memref<5312xf32, #tpu.memory_space<vmem>>[vector<16xi32>], vector<16xf32>,
        %parallel_loop3A_754 = arith.constant 0 : i32
        %parallel_loop3A_755 = arith.constant 0 : i32
        %parallel_loop3A_756 = tpu.memref_slice %arg8[%scan3A_170, %parallel_loop3A_754, %parallel_loop3A_755] : memref<7x16x1024xf32, #tpu.memory_space<vmem>> -> memref<1x16x1024xf32, #tpu.memory_space<vmem>>
        %parallel_loop3A_757 = tpu.memref_squeeze %parallel_loop3A_756 : memref<1x16x1024xf32, #tpu.memory_space<vmem>> -> memref<16x1024xf32, #tpu.memory_space<vmem>>
        %parallel_loop3A_758 = arith.index_cast %parallel_loop3A_221 : i32 to index
        %parallel_loop3A_759 = arith.constant 832 : index
        %parallel_loop3A_760 = tpu.vector_load %parallel_loop3A_757[%parallel_loop3A_758, %parallel_loop3A_759] {strides = array<i32>} : memref<16x1024xf32, #tpu.memory_space<vmem>>, vector<16xf32>,
        tpu.vector_store %parallel_loop3A_757[%parallel_loop3A_758, %parallel_loop3A_759], %parallel_loop3A_753 {add = true, strides = array<i32>} : memref<16x1024xf32, #tpu.memory_space<vmem>>, vector<16xf32>,
        %parallel_loop3A_761 = arith.constant 848 : i32
        %parallel_loop3A_762 = tpu.memref_slice %arg7[%parallel_loop3A_761] : memref<6144xf32, #tpu.memory_space<vmem>> -> memref<5296xf32, #tpu.memory_space<vmem>>
        %parallel_loop3A_763 = tpu.vector_load_idx %parallel_loop3A_762[%parallel_loop3A_230] : memref<5296xf32, #tpu.memory_space<vmem>>[vector<16xi32>], vector<16xf32>,
        %parallel_loop3A_764 = arith.constant 0 : i32
        %parallel_loop3A_765 = arith.constant 0 : i32
        %parallel_loop3A_766 = tpu.memref_slice %arg8[%scan3A_170, %parallel_loop3A_764, %parallel_loop3A_765] : memref<7x16x1024xf32, #tpu.memory_space<vmem>> -> memref<1x16x1024xf32, #tpu.memory_space<vmem>>
        %parallel_loop3A_767 = tpu.memref_squeeze %parallel_loop3A_766 : memref<1x16x1024xf32, #tpu.memory_space<vmem>> -> memref<16x1024xf32, #tpu.memory_space<vmem>>
        %parallel_loop3A_768 = arith.index_cast %parallel_loop3A_221 : i32 to index
        %parallel_loop3A_769 = arith.constant 848 : index
        %parallel_loop3A_770 = tpu.vector_load %parallel_loop3A_767[%parallel_loop3A_768, %parallel_loop3A_769] {strides = array<i32>} : memref<16x1024xf32, #tpu.memory_space<vmem>>, vector<16xf32>,
        tpu.vector_store %parallel_loop3A_767[%parallel_loop3A_768, %parallel_loop3A_769], %parallel_loop3A_763 {add = true, strides = array<i32>} : memref<16x1024xf32, #tpu.memory_space<vmem>>, vector<16xf32>,
        %parallel_loop3A_771 = arith.constant 864 : i32
        %parallel_loop3A_772 = tpu.memref_slice %arg7[%parallel_loop3A_771] : memref<6144xf32, #tpu.memory_space<vmem>> -> memref<5280xf32, #tpu.memory_space<vmem>>
        %parallel_loop3A_773 = tpu.vector_load_idx %parallel_loop3A_772[%parallel_loop3A_230] : memref<5280xf32, #tpu.memory_space<vmem>>[vector<16xi32>], vector<16xf32>,
        %parallel_loop3A_774 = arith.constant 0 : i32
        %parallel_loop3A_775 = arith.constant 0 : i32
        %parallel_loop3A_776 = tpu.memref_slice %arg8[%scan3A_170, %parallel_loop3A_774, %parallel_loop3A_775] : memref<7x16x1024xf32, #tpu.memory_space<vmem>> -> memref<1x16x1024xf32, #tpu.memory_space<vmem>>
        %parallel_loop3A_777 = tpu.memref_squeeze %parallel_loop3A_776 : memref<1x16x1024xf32, #tpu.memory_space<vmem>> -> memref<16x1024xf32, #tpu.memory_space<vmem>>
        %parallel_loop3A_778 = arith.index_cast %parallel_loop3A_221 : i32 to index
        %parallel_loop3A_779 = arith.constant 864 : index
        %parallel_loop3A_780 = tpu.vector_load %parallel_loop3A_777[%parallel_loop3A_778, %parallel_loop3A_779] {strides = array<i32>} : memref<16x1024xf32, #tpu.memory_space<vmem>>, vector<16xf32>,
        tpu.vector_store %parallel_loop3A_777[%parallel_loop3A_778, %parallel_loop3A_779], %parallel_loop3A_773 {add = true, strides = array<i32>} : memref<16x1024xf32, #tpu.memory_space<vmem>>, vector<16xf32>,
        %parallel_loop3A_781 = arith.constant 880 : i32
        %parallel_loop3A_782 = tpu.memref_slice %arg7[%parallel_loop3A_781] : memref<6144xf32, #tpu.memory_space<vmem>> -> memref<5264xf32, #tpu.memory_space<vmem>>
        %parallel_loop3A_783 = tpu.vector_load_idx %parallel_loop3A_782[%parallel_loop3A_230] : memref<5264xf32, #tpu.memory_space<vmem>>[vector<16xi32>], vector<16xf32>,
        %parallel_loop3A_784 = arith.constant 0 : i32
        %parallel_loop3A_785 = arith.constant 0 : i32
        %parallel_loop3A_786 = tpu.memref_slice %arg8[%scan3A_170, %parallel_loop3A_784, %parallel_loop3A_785] : memref<7x16x1024xf32, #tpu.memory_space<vmem>> -> memref<1x16x1024xf32, #tpu.memory_space<vmem>>
        %parallel_loop3A_787 = tpu.memref_squeeze %parallel_loop3A_786 : memref<1x16x1024xf32, #tpu.memory_space<vmem>> -> memref<16x1024xf32, #tpu.memory_space<vmem>>
        %parallel_loop3A_788 = arith.index_cast %parallel_loop3A_221 : i32 to index
        %parallel_loop3A_789 = arith.constant 880 : index
        %parallel_loop3A_790 = tpu.vector_load %parallel_loop3A_787[%parallel_loop3A_788, %parallel_loop3A_789] {strides = array<i32>} : memref<16x1024xf32, #tpu.memory_space<vmem>>, vector<16xf32>,
        tpu.vector_store %parallel_loop3A_787[%parallel_loop3A_788, %parallel_loop3A_789], %parallel_loop3A_783 {add = true, strides = array<i32>} : memref<16x1024xf32, #tpu.memory_space<vmem>>, vector<16xf32>,
        %parallel_loop3A_791 = arith.constant 896 : i32
        %parallel_loop3A_792 = tpu.memref_slice %arg7[%parallel_loop3A_791] : memref<6144xf32, #tpu.memory_space<vmem>> -> memref<5248xf32, #tpu.memory_space<vmem>>
        %parallel_loop3A_793 = tpu.vector_load_idx %parallel_loop3A_792[%parallel_loop3A_230] : memref<5248xf32, #tpu.memory_space<vmem>>[vector<16xi32>], vector<16xf32>,
        %parallel_loop3A_794 = arith.constant 0 : i32
        %parallel_loop3A_795 = arith.constant 0 : i32
        %parallel_loop3A_796 = tpu.memref_slice %arg8[%scan3A_170, %parallel_loop3A_794, %parallel_loop3A_795] : memref<7x16x1024xf32, #tpu.memory_space<vmem>> -> memref<1x16x1024xf32, #tpu.memory_space<vmem>>
        %parallel_loop3A_797 = tpu.memref_squeeze %parallel_loop3A_796 : memref<1x16x1024xf32, #tpu.memory_space<vmem>> -> memref<16x1024xf32, #tpu.memory_space<vmem>>
        %parallel_loop3A_798 = arith.index_cast %parallel_loop3A_221 : i32 to index
        %parallel_loop3A_799 = arith.constant 896 : index
        %parallel_loop3A_800 = tpu.vector_load %parallel_loop3A_797[%parallel_loop3A_798, %parallel_loop3A_799] {strides = array<i32>} : memref<16x1024xf32, #tpu.memory_space<vmem>>, vector<16xf32>,
        tpu.vector_store %parallel_loop3A_797[%parallel_loop3A_798, %parallel_loop3A_799], %parallel_loop3A_793 {add = true, strides = array<i32>} : memref<16x1024xf32, #tpu.memory_space<vmem>>, vector<16xf32>,
        %parallel_loop3A_801 = arith.constant 912 : i32
        %parallel_loop3A_802 = tpu.memref_slice %arg7[%parallel_loop3A_801] : memref<6144xf32, #tpu.memory_space<vmem>> -> memref<5232xf32, #tpu.memory_space<vmem>>
        %parallel_loop3A_803 = tpu.vector_load_idx %parallel_loop3A_802[%parallel_loop3A_230] : memref<5232xf32, #tpu.memory_space<vmem>>[vector<16xi32>], vector<16xf32>,
        %parallel_loop3A_804 = arith.constant 0 : i32
        %parallel_loop3A_805 = arith.constant 0 : i32
        %parallel_loop3A_806 = tpu.memref_slice %arg8[%scan3A_170, %parallel_loop3A_804, %parallel_loop3A_805] : memref<7x16x1024xf32, #tpu.memory_space<vmem>> -> memref<1x16x1024xf32, #tpu.memory_space<vmem>>
        %parallel_loop3A_807 = tpu.memref_squeeze %parallel_loop3A_806 : memref<1x16x1024xf32, #tpu.memory_space<vmem>> -> memref<16x1024xf32, #tpu.memory_space<vmem>>
        %parallel_loop3A_808 = arith.index_cast %parallel_loop3A_221 : i32 to index
        %parallel_loop3A_809 = arith.constant 912 : index
        %parallel_loop3A_810 = tpu.vector_load %parallel_loop3A_807[%parallel_loop3A_808, %parallel_loop3A_809] {strides = array<i32>} : memref<16x1024xf32, #tpu.memory_space<vmem>>, vector<16xf32>,
        tpu.vector_store %parallel_loop3A_807[%parallel_loop3A_808, %parallel_loop3A_809], %parallel_loop3A_803 {add = true, strides = array<i32>} : memref<16x1024xf32, #tpu.memory_space<vmem>>, vector<16xf32>,
        %parallel_loop3A_811 = arith.constant 928 : i32
        %parallel_loop3A_812 = tpu.memref_slice %arg7[%parallel_loop3A_811] : memref<6144xf32, #tpu.memory_space<vmem>> -> memref<5216xf32, #tpu.memory_space<vmem>>
        %parallel_loop3A_813 = tpu.vector_load_idx %parallel_loop3A_812[%parallel_loop3A_230] : memref<5216xf32, #tpu.memory_space<vmem>>[vector<16xi32>], vector<16xf32>,
        %parallel_loop3A_814 = arith.constant 0 : i32
        %parallel_loop3A_815 = arith.constant 0 : i32
        %parallel_loop3A_816 = tpu.memref_slice %arg8[%scan3A_170, %parallel_loop3A_814, %parallel_loop3A_815] : memref<7x16x1024xf32, #tpu.memory_space<vmem>> -> memref<1x16x1024xf32, #tpu.memory_space<vmem>>
        %parallel_loop3A_817 = tpu.memref_squeeze %parallel_loop3A_816 : memref<1x16x1024xf32, #tpu.memory_space<vmem>> -> memref<16x1024xf32, #tpu.memory_space<vmem>>
        %parallel_loop3A_818 = arith.index_cast %parallel_loop3A_221 : i32 to index
        %parallel_loop3A_819 = arith.constant 928 : index
        %parallel_loop3A_820 = tpu.vector_load %parallel_loop3A_817[%parallel_loop3A_818, %parallel_loop3A_819] {strides = array<i32>} : memref<16x1024xf32, #tpu.memory_space<vmem>>, vector<16xf32>,
        tpu.vector_store %parallel_loop3A_817[%parallel_loop3A_818, %parallel_loop3A_819], %parallel_loop3A_813 {add = true, strides = array<i32>} : memref<16x1024xf32, #tpu.memory_space<vmem>>, vector<16xf32>,
        %parallel_loop3A_821 = arith.constant 944 : i32
        %parallel_loop3A_822 = tpu.memref_slice %arg7[%parallel_loop3A_821] : memref<6144xf32, #tpu.memory_space<vmem>> -> memref<5200xf32, #tpu.memory_space<vmem>>
        %parallel_loop3A_823 = tpu.vector_load_idx %parallel_loop3A_822[%parallel_loop3A_230] : memref<5200xf32, #tpu.memory_space<vmem>>[vector<16xi32>], vector<16xf32>,
        %parallel_loop3A_824 = arith.constant 0 : i32
        %parallel_loop3A_825 = arith.constant 0 : i32
        %parallel_loop3A_826 = tpu.memref_slice %arg8[%scan3A_170, %parallel_loop3A_824, %parallel_loop3A_825] : memref<7x16x1024xf32, #tpu.memory_space<vmem>> -> memref<1x16x1024xf32, #tpu.memory_space<vmem>>
        %parallel_loop3A_827 = tpu.memref_squeeze %parallel_loop3A_826 : memref<1x16x1024xf32, #tpu.memory_space<vmem>> -> memref<16x1024xf32, #tpu.memory_space<vmem>>
        %parallel_loop3A_828 = arith.index_cast %parallel_loop3A_221 : i32 to index
        %parallel_loop3A_829 = arith.constant 944 : index
        %parallel_loop3A_830 = tpu.vector_load %parallel_loop3A_827[%parallel_loop3A_828, %parallel_loop3A_829] {strides = array<i32>} : memref<16x1024xf32, #tpu.memory_space<vmem>>, vector<16xf32>,
        tpu.vector_store %parallel_loop3A_827[%parallel_loop3A_828, %parallel_loop3A_829], %parallel_loop3A_823 {add = true, strides = array<i32>} : memref<16x1024xf32, #tpu.memory_space<vmem>>, vector<16xf32>,
        %parallel_loop3A_831 = arith.constant 960 : i32
        %parallel_loop3A_832 = tpu.memref_slice %arg7[%parallel_loop3A_831] : memref<6144xf32, #tpu.memory_space<vmem>> -> memref<5184xf32, #tpu.memory_space<vmem>>
        %parallel_loop3A_833 = tpu.vector_load_idx %parallel_loop3A_832[%parallel_loop3A_230] : memref<5184xf32, #tpu.memory_space<vmem>>[vector<16xi32>], vector<16xf32>,
        %parallel_loop3A_834 = arith.constant 0 : i32
        %parallel_loop3A_835 = arith.constant 0 : i32
        %parallel_loop3A_836 = tpu.memref_slice %arg8[%scan3A_170, %parallel_loop3A_834, %parallel_loop3A_835] : memref<7x16x1024xf32, #tpu.memory_space<vmem>> -> memref<1x16x1024xf32, #tpu.memory_space<vmem>>
        %parallel_loop3A_837 = tpu.memref_squeeze %parallel_loop3A_836 : memref<1x16x1024xf32, #tpu.memory_space<vmem>> -> memref<16x1024xf32, #tpu.memory_space<vmem>>
        %parallel_loop3A_838 = arith.index_cast %parallel_loop3A_221 : i32 to index
        %parallel_loop3A_839 = arith.constant 960 : index
        %parallel_loop3A_840 = tpu.vector_load %parallel_loop3A_837[%parallel_loop3A_838, %parallel_loop3A_839] {strides = array<i32>} : memref<16x1024xf32, #tpu.memory_space<vmem>>, vector<16xf32>,
        tpu.vector_store %parallel_loop3A_837[%parallel_loop3A_838, %parallel_loop3A_839], %parallel_loop3A_833 {add = true, strides = array<i32>} : memref<16x1024xf32, #tpu.memory_space<vmem>>, vector<16xf32>,
        %parallel_loop3A_841 = arith.constant 976 : i32
        %parallel_loop3A_842 = tpu.memref_slice %arg7[%parallel_loop3A_841] : memref<6144xf32, #tpu.memory_space<vmem>> -> memref<5168xf32, #tpu.memory_space<vmem>>
        %parallel_loop3A_843 = tpu.vector_load_idx %parallel_loop3A_842[%parallel_loop3A_230] : memref<5168xf32, #tpu.memory_space<vmem>>[vector<16xi32>], vector<16xf32>,
        %parallel_loop3A_844 = arith.constant 0 : i32
        %parallel_loop3A_845 = arith.constant 0 : i32
        %parallel_loop3A_846 = tpu.memref_slice %arg8[%scan3A_170, %parallel_loop3A_844, %parallel_loop3A_845] : memref<7x16x1024xf32, #tpu.memory_space<vmem>> -> memref<1x16x1024xf32, #tpu.memory_space<vmem>>
        %parallel_loop3A_847 = tpu.memref_squeeze %parallel_loop3A_846 : memref<1x16x1024xf32, #tpu.memory_space<vmem>> -> memref<16x1024xf32, #tpu.memory_space<vmem>>
        %parallel_loop3A_848 = arith.index_cast %parallel_loop3A_221 : i32 to index
        %parallel_loop3A_849 = arith.constant 976 : index
        %parallel_loop3A_850 = tpu.vector_load %parallel_loop3A_847[%parallel_loop3A_848, %parallel_loop3A_849] {strides = array<i32>} : memref<16x1024xf32, #tpu.memory_space<vmem>>, vector<16xf32>,
        tpu.vector_store %parallel_loop3A_847[%parallel_loop3A_848, %parallel_loop3A_849], %parallel_loop3A_843 {add = true, strides = array<i32>} : memref<16x1024xf32, #tpu.memory_space<vmem>>, vector<16xf32>,
        %parallel_loop3A_851 = arith.constant 992 : i32
        %parallel_loop3A_852 = tpu.memref_slice %arg7[%parallel_loop3A_851] : memref<6144xf32, #tpu.memory_space<vmem>> -> memref<5152xf32, #tpu.memory_space<vmem>>
        %parallel_loop3A_853 = tpu.vector_load_idx %parallel_loop3A_852[%parallel_loop3A_230] : memref<5152xf32, #tpu.memory_space<vmem>>[vector<16xi32>], vector<16xf32>,
        %parallel_loop3A_854 = arith.constant 0 : i32
        %parallel_loop3A_855 = arith.constant 0 : i32
        %parallel_loop3A_856 = tpu.memref_slice %arg8[%scan3A_170, %parallel_loop3A_854, %parallel_loop3A_855] : memref<7x16x1024xf32, #tpu.memory_space<vmem>> -> memref<1x16x1024xf32, #tpu.memory_space<vmem>>
        %parallel_loop3A_857 = tpu.memref_squeeze %parallel_loop3A_856 : memref<1x16x1024xf32, #tpu.memory_space<vmem>> -> memref<16x1024xf32, #tpu.memory_space<vmem>>
        %parallel_loop3A_858 = arith.index_cast %parallel_loop3A_221 : i32 to index
        %parallel_loop3A_859 = arith.constant 992 : index
        %parallel_loop3A_860 = tpu.vector_load %parallel_loop3A_857[%parallel_loop3A_858, %parallel_loop3A_859] {strides = array<i32>} : memref<16x1024xf32, #tpu.memory_space<vmem>>, vector<16xf32>,
        tpu.vector_store %parallel_loop3A_857[%parallel_loop3A_858, %parallel_loop3A_859], %parallel_loop3A_853 {add = true, strides = array<i32>} : memref<16x1024xf32, #tpu.memory_space<vmem>>, vector<16xf32>,
        %parallel_loop3A_861 = arith.constant 1008 : i32
        %parallel_loop3A_862 = tpu.memref_slice %arg7[%parallel_loop3A_861] : memref<6144xf32, #tpu.memory_space<vmem>> -> memref<5136xf32, #tpu.memory_space<vmem>>
        %parallel_loop3A_863 = tpu.vector_load_idx %parallel_loop3A_862[%parallel_loop3A_230] : memref<5136xf32, #tpu.memory_space<vmem>>[vector<16xi32>], vector<16xf32>,
        %parallel_loop3A_864 = arith.constant 0 : i32
        %parallel_loop3A_865 = arith.constant 0 : i32
        %parallel_loop3A_866 = tpu.memref_slice %arg8[%scan3A_170, %parallel_loop3A_864, %parallel_loop3A_865] : memref<7x16x1024xf32, #tpu.memory_space<vmem>> -> memref<1x16x1024xf32, #tpu.memory_space<vmem>>
        %parallel_loop3A_867 = tpu.memref_squeeze %parallel_loop3A_866 : memref<1x16x1024xf32, #tpu.memory_space<vmem>> -> memref<16x1024xf32, #tpu.memory_space<vmem>>
        %parallel_loop3A_868 = arith.index_cast %parallel_loop3A_221 : i32 to index
        %parallel_loop3A_869 = arith.constant 1008 : index
        %parallel_loop3A_870 = tpu.vector_load %parallel_loop3A_867[%parallel_loop3A_868, %parallel_loop3A_869] {strides = array<i32>} : memref<16x1024xf32, #tpu.memory_space<vmem>>, vector<16xf32>,
        tpu.vector_store %parallel_loop3A_867[%parallel_loop3A_868, %parallel_loop3A_869], %parallel_loop3A_863 {add = true, strides = array<i32>} : memref<16x1024xf32, #tpu.memory_space<vmem>>, vector<16xf32>,
      } {sc.loop_unroll_factor = 1 : i64, sc.parallel_access}
      %mul3A_204 = arith.constant 16 : i32
      %mul3A_205 = arith.muli %scan3A_169, %mul3A_204 : i32
      %add3A_206 = arith.addi %mul3A_2, %mul3A_205 : i32
      %dma_start3A_207 = arith.constant 0 : i32
      %dma_start3A_208 = arith.constant 0 : i32
      %dma_start3A_209 = tpu.memref_slice %arg8[%scan3A_170, %dma_start3A_207, %dma_start3A_208] : memref<7x16x1024xf32, #tpu.memory_space<vmem>> -> memref<1x16x1024xf32, #tpu.memory_space<vmem>>
      %dma_start3A_210 = tpu.memref_squeeze %dma_start3A_209 : memref<1x16x1024xf32, #tpu.memory_space<vmem>> -> memref<16x1024xf32, #tpu.memory_space<vmem>>
      %dma_start3A_211 = arith.constant 0 : i32
      %dma_start3A_212 = tpu.memref_slice %arg5[%add3A_206, %dma_start3A_211] : memref<16384x1024xf32, #tpu.memory_space<hbm>> -> memref<16x1024xf32, #tpu.memory_space<hbm>>
      %dma_start3A_213 = tpu.memref_slice %arg10[%scan3A_170] : memref<7x!tpu.dma_semaphore, #tpu.memory_space<semaphore_mem>> -> memref<1x!tpu.dma_semaphore, #tpu.memory_space<semaphore_mem>>
      %dma_start3A_214 = tpu.memref_squeeze %dma_start3A_213 : memref<1x!tpu.dma_semaphore, #tpu.memory_space<semaphore_mem>> -> memref<!tpu.dma_semaphore, #tpu.memory_space<semaphore_mem>>
      %dma_start3A_215 = arith.constant 0 : i32
      %dma_start3A_216 = tpu.memref_slice %arg5[%add3A_206, %dma_start3A_215] : memref<16384x1024xf32, #tpu.memory_space<hbm>> -> memref<16x1024xf32, #tpu.memory_space<hbm>>
      %dma_start3A_217 = arith.constant 0 : i32
      %dma_start3A_218 = arith.constant 0 : i32
      %dma_start3A_219 = tpu.memref_slice %arg8[%scan3A_170, %dma_start3A_217, %dma_start3A_218] : memref<7x16x1024xf32, #tpu.memory_space<vmem>> -> memref<1x16x1024xf32, #tpu.memory_space<vmem>>
      %dma_start3A_220 = tpu.memref_squeeze %dma_start3A_219 : memref<1x16x1024xf32, #tpu.memory_space<vmem>> -> memref<16x1024xf32, #tpu.memory_space<vmem>>
      tpu.enqueue_dma source(%dma_start3A_220 : memref<16x1024xf32, #tpu.memory_space<vmem>>) target(%dma_start3A_216 : memref<16x1024xf32, #tpu.memory_space<hbm>>) target_semaphore(%dma_start3A_214 : memref<!tpu.dma_semaphore, #tpu.memory_space<semaphore_mem>>)
      scf.yield %select_n3A : i32
    }
    %scan3A_43 = arith.constant 32 : i32
    %add3A_44 = arith.constant 400 : i32
    %add3A_45 = arith.addi %mul3A_2, %add3A_44 : i32
    %dma_wait3A = arith.constant 4 : i32
    %dma_wait3A_46 = arith.constant 4 : i32
    %dma_wait3A_47 = arith.constant 0 : i32
    %dma_wait3A_48 = arith.constant 0 : i32
    %dma_wait3A_49 = tpu.memref_slice %arg8[%dma_wait3A, %dma_wait3A_47, %dma_wait3A_48] : memref<7x16x1024xf32, #tpu.memory_space<vmem>> -> memref<1x16x1024xf32, #tpu.memory_space<vmem>>
    %dma_wait3A_50 = tpu.memref_squeeze %dma_wait3A_49 : memref<1x16x1024xf32, #tpu.memory_space<vmem>> -> memref<16x1024xf32, #tpu.memory_space<vmem>>
    %dma_wait3A_51 = arith.constant 0 : i32
    %dma_wait3A_52 = tpu.memref_slice %arg5[%add3A_45, %dma_wait3A_51] : memref<16384x1024xf32, #tpu.memory_space<hbm>> -> memref<16x1024xf32, #tpu.memory_space<hbm>>
    %dma_wait3A_53 = tpu.memref_slice %arg10[%dma_wait3A_46] : memref<7x!tpu.dma_semaphore, #tpu.memory_space<semaphore_mem>> -> memref<1x!tpu.dma_semaphore, #tpu.memory_space<semaphore_mem>>
    %dma_wait3A_54 = tpu.memref_squeeze %dma_wait3A_53 : memref<1x!tpu.dma_semaphore, #tpu.memory_space<semaphore_mem>> -> memref<!tpu.dma_semaphore, #tpu.memory_space<semaphore_mem>>
    %dma_wait3A_55 = arith.constant 0 : i32
    %dma_wait3A_56 = tpu.memref_slice %arg5[%add3A_45, %dma_wait3A_55] : memref<16384x1024xf32, #tpu.memory_space<hbm>> -> memref<16x1024xf32, #tpu.memory_space<hbm>>
    %dma_wait3A_57 = arith.constant 0 : i32
    %dma_wait3A_58 = arith.constant 0 : i32
    %dma_wait3A_59 = tpu.memref_slice %arg8[%dma_wait3A, %dma_wait3A_57, %dma_wait3A_58] : memref<7x16x1024xf32, #tpu.memory_space<vmem>> -> memref<1x16x1024xf32, #tpu.memory_space<vmem>>
    %dma_wait3A_60 = tpu.memref_squeeze %dma_wait3A_59 : memref<1x16x1024xf32, #tpu.memory_space<vmem>> -> memref<16x1024xf32, #tpu.memory_space<vmem>>
    tpu.wait_dma2 semaphore(%dma_wait3A_54 : memref<!tpu.dma_semaphore, #tpu.memory_space<semaphore_mem>>) src(%dma_wait3A_60 : memref<16x1024xf32, #tpu.memory_space<vmem>>) dst(%dma_wait3A_56 : memref<16x1024xf32, #tpu.memory_space<hbm>>)
    %add3A_61 = arith.constant 416 : i32
    %add3A_62 = arith.addi %mul3A_2, %add3A_61 : i32
    %dma_wait3A_63 = arith.constant 5 : i32
    %dma_wait3A_64 = arith.constant 5 : i32
    %dma_wait3A_65 = arith.constant 0 : i32
    %dma_wait3A_66 = arith.constant 0 : i32
    %dma_wait3A_67 = tpu.memref_slice %arg8[%dma_wait3A_63, %dma_wait3A_65, %dma_wait3A_66] : memref<7x16x1024xf32, #tpu.memory_space<vmem>> -> memref<1x16x1024xf32, #tpu.memory_space<vmem>>
    %dma_wait3A_68 = tpu.memref_squeeze %dma_wait3A_67 : memref<1x16x1024xf32, #tpu.memory_space<vmem>> -> memref<16x1024xf32, #tpu.memory_space<vmem>>
    %dma_wait3A_69 = arith.constant 0 : i32
    %dma_wait3A_70 = tpu.memref_slice %arg5[%add3A_62, %dma_wait3A_69] : memref<16384x1024xf32, #tpu.memory_space<hbm>> -> memref<16x1024xf32, #tpu.memory_space<hbm>>
    %dma_wait3A_71 = tpu.memref_slice %arg10[%dma_wait3A_64] : memref<7x!tpu.dma_semaphore, #tpu.memory_space<semaphore_mem>> -> memref<1x!tpu.dma_semaphore, #tpu.memory_space<semaphore_mem>>
    %dma_wait3A_72 = tpu.memref_squeeze %dma_wait3A_71 : memref<1x!tpu.dma_semaphore, #tpu.memory_space<semaphore_mem>> -> memref<!tpu.dma_semaphore, #tpu.memory_space<semaphore_mem>>
    %dma_wait3A_73 = arith.constant 0 : i32
    %dma_wait3A_74 = tpu.memref_slice %arg5[%add3A_62, %dma_wait3A_73] : memref<16384x1024xf32, #tpu.memory_space<hbm>> -> memref<16x1024xf32, #tpu.memory_space<hbm>>
    %dma_wait3A_75 = arith.constant 0 : i32
    %dma_wait3A_76 = arith.constant 0 : i32
    %dma_wait3A_77 = tpu.memref_slice %arg8[%dma_wait3A_63, %dma_wait3A_75, %dma_wait3A_76] : memref<7x16x1024xf32, #tpu.memory_space<vmem>> -> memref<1x16x1024xf32, #tpu.memory_space<vmem>>
    %dma_wait3A_78 = tpu.memref_squeeze %dma_wait3A_77 : memref<1x16x1024xf32, #tpu.memory_space<vmem>> -> memref<16x1024xf32, #tpu.memory_space<vmem>>
    tpu.wait_dma2 semaphore(%dma_wait3A_72 : memref<!tpu.dma_semaphore, #tpu.memory_space<semaphore_mem>>) src(%dma_wait3A_78 : memref<16x1024xf32, #tpu.memory_space<vmem>>) dst(%dma_wait3A_74 : memref<16x1024xf32, #tpu.memory_space<hbm>>)
    %add3A_79 = arith.constant 432 : i32
    %add3A_80 = arith.addi %mul3A_2, %add3A_79 : i32
    %dma_wait3A_81 = arith.constant 6 : i32
    %dma_wait3A_82 = arith.constant 6 : i32
    %dma_wait3A_83 = arith.constant 0 : i32
    %dma_wait3A_84 = arith.constant 0 : i32
    %dma_wait3A_85 = tpu.memref_slice %arg8[%dma_wait3A_81, %dma_wait3A_83, %dma_wait3A_84] : memref<7x16x1024xf32, #tpu.memory_space<vmem>> -> memref<1x16x1024xf32, #tpu.memory_space<vmem>>
    %dma_wait3A_86 = tpu.memref_squeeze %dma_wait3A_85 : memref<1x16x1024xf32, #tpu.memory_space<vmem>> -> memref<16x1024xf32, #tpu.memory_space<vmem>>
    %dma_wait3A_87 = arith.constant 0 : i32
    %dma_wait3A_88 = tpu.memref_slice %arg5[%add3A_80, %dma_wait3A_87] : memref<16384x1024xf32, #tpu.memory_space<hbm>> -> memref<16x1024xf32, #tpu.memory_space<hbm>>
    %dma_wait3A_89 = tpu.memref_slice %arg10[%dma_wait3A_82] : memref<7x!tpu.dma_semaphore, #tpu.memory_space<semaphore_mem>> -> memref<1x!tpu.dma_semaphore, #tpu.memory_space<semaphore_mem>>
    %dma_wait3A_90 = tpu.memref_squeeze %dma_wait3A_89 : memref<1x!tpu.dma_semaphore, #tpu.memory_space<semaphore_mem>> -> memref<!tpu.dma_semaphore, #tpu.memory_space<semaphore_mem>>
    %dma_wait3A_91 = arith.constant 0 : i32
    %dma_wait3A_92 = tpu.memref_slice %arg5[%add3A_80, %dma_wait3A_91] : memref<16384x1024xf32, #tpu.memory_space<hbm>> -> memref<16x1024xf32, #tpu.memory_space<hbm>>
    %dma_wait3A_93 = arith.constant 0 : i32
    %dma_wait3A_94 = arith.constant 0 : i32
    %dma_wait3A_95 = tpu.memref_slice %arg8[%dma_wait3A_81, %dma_wait3A_93, %dma_wait3A_94] : memref<7x16x1024xf32, #tpu.memory_space<vmem>> -> memref<1x16x1024xf32, #tpu.memory_space<vmem>>
    %dma_wait3A_96 = tpu.memref_squeeze %dma_wait3A_95 : memref<1x16x1024xf32, #tpu.memory_space<vmem>> -> memref<16x1024xf32, #tpu.memory_space<vmem>>
    tpu.wait_dma2 semaphore(%dma_wait3A_90 : memref<!tpu.dma_semaphore, #tpu.memory_space<semaphore_mem>>) src(%dma_wait3A_96 : memref<16x1024xf32, #tpu.memory_space<vmem>>) dst(%dma_wait3A_92 : memref<16x1024xf32, #tpu.memory_space<hbm>>)
    %add3A_97 = arith.constant 448 : i32
    %add3A_98 = arith.addi %mul3A_2, %add3A_97 : i32
    %dma_wait3A_99 = arith.constant 0 : i32
    %dma_wait3A_100 = arith.constant 0 : i32
    %dma_wait3A_101 = arith.constant 0 : i32
    %dma_wait3A_102 = arith.constant 0 : i32
    %dma_wait3A_103 = tpu.memref_slice %arg8[%dma_wait3A_99, %dma_wait3A_101, %dma_wait3A_102] : memref<7x16x1024xf32, #tpu.memory_space<vmem>> -> memref<1x16x1024xf32, #tpu.memory_space<vmem>>
    %dma_wait3A_104 = tpu.memref_squeeze %dma_wait3A_103 : memref<1x16x1024xf32, #tpu.memory_space<vmem>> -> memref<16x1024xf32, #tpu.memory_space<vmem>>
    %dma_wait3A_105 = arith.constant 0 : i32
    %dma_wait3A_106 = tpu.memref_slice %arg5[%add3A_98, %dma_wait3A_105] : memref<16384x1024xf32, #tpu.memory_space<hbm>> -> memref<16x1024xf32, #tpu.memory_space<hbm>>
    %dma_wait3A_107 = tpu.memref_slice %arg10[%dma_wait3A_100] : memref<7x!tpu.dma_semaphore, #tpu.memory_space<semaphore_mem>> -> memref<1x!tpu.dma_semaphore, #tpu.memory_space<semaphore_mem>>
    %dma_wait3A_108 = tpu.memref_squeeze %dma_wait3A_107 : memref<1x!tpu.dma_semaphore, #tpu.memory_space<semaphore_mem>> -> memref<!tpu.dma_semaphore, #tpu.memory_space<semaphore_mem>>
    %dma_wait3A_109 = arith.constant 0 : i32
    %dma_wait3A_110 = tpu.memref_slice %arg5[%add3A_98, %dma_wait3A_109] : memref<16384x1024xf32, #tpu.memory_space<hbm>> -> memref<16x1024xf32, #tpu.memory_space<hbm>>
    %dma_wait3A_111 = arith.constant 0 : i32
    %dma_wait3A_112 = arith.constant 0 : i32
    %dma_wait3A_113 = tpu.memref_slice %arg8[%dma_wait3A_99, %dma_wait3A_111, %dma_wait3A_112] : memref<7x16x1024xf32, #tpu.memory_space<vmem>> -> memref<1x16x1024xf32, #tpu.memory_space<vmem>>
    %dma_wait3A_114 = tpu.memref_squeeze %dma_wait3A_113 : memref<1x16x1024xf32, #tpu.memory_space<vmem>> -> memref<16x1024xf32, #tpu.memory_space<vmem>>
    tpu.wait_dma2 semaphore(%dma_wait3A_108 : memref<!tpu.dma_semaphore, #tpu.memory_space<semaphore_mem>>) src(%dma_wait3A_114 : memref<16x1024xf32, #tpu.memory_space<vmem>>) dst(%dma_wait3A_110 : memref<16x1024xf32, #tpu.memory_space<hbm>>)
    %add3A_115 = arith.constant 464 : i32
    %add3A_116 = arith.addi %mul3A_2, %add3A_115 : i32
    %dma_wait3A_117 = arith.constant 1 : i32
    %dma_wait3A_118 = arith.constant 1 : i32
    %dma_wait3A_119 = arith.constant 0 : i32
    %dma_wait3A_120 = arith.constant 0 : i32
    %dma_wait3A_121 = tpu.memref_slice %arg8[%dma_wait3A_117, %dma_wait3A_119, %dma_wait3A_120] : memref<7x16x1024xf32, #tpu.memory_space<vmem>> -> memref<1x16x1024xf32, #tpu.memory_space<vmem>>
    %dma_wait3A_122 = tpu.memref_squeeze %dma_wait3A_121 : memref<1x16x1024xf32, #tpu.memory_space<vmem>> -> memref<16x1024xf32, #tpu.memory_space<vmem>>
    %dma_wait3A_123 = arith.constant 0 : i32
    %dma_wait3A_124 = tpu.memref_slice %arg5[%add3A_116, %dma_wait3A_123] : memref<16384x1024xf32, #tpu.memory_space<hbm>> -> memref<16x1024xf32, #tpu.memory_space<hbm>>
    %dma_wait3A_125 = tpu.memref_slice %arg10[%dma_wait3A_118] : memref<7x!tpu.dma_semaphore, #tpu.memory_space<semaphore_mem>> -> memref<1x!tpu.dma_semaphore, #tpu.memory_space<semaphore_mem>>
    %dma_wait3A_126 = tpu.memref_squeeze %dma_wait3A_125 : memref<1x!tpu.dma_semaphore, #tpu.memory_space<semaphore_mem>> -> memref<!tpu.dma_semaphore, #tpu.memory_space<semaphore_mem>>
    %dma_wait3A_127 = arith.constant 0 : i32
    %dma_wait3A_128 = tpu.memref_slice %arg5[%add3A_116, %dma_wait3A_127] : memref<16384x1024xf32, #tpu.memory_space<hbm>> -> memref<16x1024xf32, #tpu.memory_space<hbm>>
    %dma_wait3A_129 = arith.constant 0 : i32
    %dma_wait3A_130 = arith.constant 0 : i32
    %dma_wait3A_131 = tpu.memref_slice %arg8[%dma_wait3A_117, %dma_wait3A_129, %dma_wait3A_130] : memref<7x16x1024xf32, #tpu.memory_space<vmem>> -> memref<1x16x1024xf32, #tpu.memory_space<vmem>>
    %dma_wait3A_132 = tpu.memref_squeeze %dma_wait3A_131 : memref<1x16x1024xf32, #tpu.memory_space<vmem>> -> memref<16x1024xf32, #tpu.memory_space<vmem>>
    tpu.wait_dma2 semaphore(%dma_wait3A_126 : memref<!tpu.dma_semaphore, #tpu.memory_space<semaphore_mem>>) src(%dma_wait3A_132 : memref<16x1024xf32, #tpu.memory_space<vmem>>) dst(%dma_wait3A_128 : memref<16x1024xf32, #tpu.memory_space<hbm>>)
    %add3A_133 = arith.constant 480 : i32
    %add3A_134 = arith.addi %mul3A_2, %add3A_133 : i32
    %dma_wait3A_135 = arith.constant 2 : i32
    %dma_wait3A_136 = arith.constant 2 : i32
    %dma_wait3A_137 = arith.constant 0 : i32
    %dma_wait3A_138 = arith.constant 0 : i32
    %dma_wait3A_139 = tpu.memref_slice %arg8[%dma_wait3A_135, %dma_wait3A_137, %dma_wait3A_138] : memref<7x16x1024xf32, #tpu.memory_space<vmem>> -> memref<1x16x1024xf32, #tpu.memory_space<vmem>>
    %dma_wait3A_140 = tpu.memref_squeeze %dma_wait3A_139 : memref<1x16x1024xf32, #tpu.memory_space<vmem>> -> memref<16x1024xf32, #tpu.memory_space<vmem>>
    %dma_wait3A_141 = arith.constant 0 : i32
    %dma_wait3A_142 = tpu.memref_slice %arg5[%add3A_134, %dma_wait3A_141] : memref<16384x1024xf32, #tpu.memory_space<hbm>> -> memref<16x1024xf32, #tpu.memory_space<hbm>>
    %dma_wait3A_143 = tpu.memref_slice %arg10[%dma_wait3A_136] : memref<7x!tpu.dma_semaphore, #tpu.memory_space<semaphore_mem>> -> memref<1x!tpu.dma_semaphore, #tpu.memory_space<semaphore_mem>>
    %dma_wait3A_144 = tpu.memref_squeeze %dma_wait3A_143 : memref<1x!tpu.dma_semaphore, #tpu.memory_space<semaphore_mem>> -> memref<!tpu.dma_semaphore, #tpu.memory_space<semaphore_mem>>
    %dma_wait3A_145 = arith.constant 0 : i32
    %dma_wait3A_146 = tpu.memref_slice %arg5[%add3A_134, %dma_wait3A_145] : memref<16384x1024xf32, #tpu.memory_space<hbm>> -> memref<16x1024xf32, #tpu.memory_space<hbm>>
    %dma_wait3A_147 = arith.constant 0 : i32
    %dma_wait3A_148 = arith.constant 0 : i32
    %dma_wait3A_149 = tpu.memref_slice %arg8[%dma_wait3A_135, %dma_wait3A_147, %dma_wait3A_148] : memref<7x16x1024xf32, #tpu.memory_space<vmem>> -> memref<1x16x1024xf32, #tpu.memory_space<vmem>>
    %dma_wait3A_150 = tpu.memref_squeeze %dma_wait3A_149 : memref<1x16x1024xf32, #tpu.memory_space<vmem>> -> memref<16x1024xf32, #tpu.memory_space<vmem>>
    tpu.wait_dma2 semaphore(%dma_wait3A_144 : memref<!tpu.dma_semaphore, #tpu.memory_space<semaphore_mem>>) src(%dma_wait3A_150 : memref<16x1024xf32, #tpu.memory_space<vmem>>) dst(%dma_wait3A_146 : memref<16x1024xf32, #tpu.memory_space<hbm>>)
    %add3A_151 = arith.constant 496 : i32
    %add3A_152 = arith.addi %mul3A_2, %add3A_151 : i32
    %dma_wait3A_153 = arith.constant 3 : i32
    %dma_wait3A_154 = arith.constant 3 : i32
    %dma_wait3A_155 = arith.constant 0 : i32
    %dma_wait3A_156 = arith.constant 0 : i32
    %dma_wait3A_157 = tpu.memref_slice %arg8[%dma_wait3A_153, %dma_wait3A_155, %dma_wait3A_156] : memref<7x16x1024xf32, #tpu.memory_space<vmem>> -> memref<1x16x1024xf32, #tpu.memory_space<vmem>>
    %dma_wait3A_158 = tpu.memref_squeeze %dma_wait3A_157 : memref<1x16x1024xf32, #tpu.memory_space<vmem>> -> memref<16x1024xf32, #tpu.memory_space<vmem>>
    %dma_wait3A_159 = arith.constant 0 : i32
    %dma_wait3A_160 = tpu.memref_slice %arg5[%add3A_152, %dma_wait3A_159] : memref<16384x1024xf32, #tpu.memory_space<hbm>> -> memref<16x1024xf32, #tpu.memory_space<hbm>>
    %dma_wait3A_161 = tpu.memref_slice %arg10[%dma_wait3A_154] : memref<7x!tpu.dma_semaphore, #tpu.memory_space<semaphore_mem>> -> memref<1x!tpu.dma_semaphore, #tpu.memory_space<semaphore_mem>>
    %dma_wait3A_162 = tpu.memref_squeeze %dma_wait3A_161 : memref<1x!tpu.dma_semaphore, #tpu.memory_space<semaphore_mem>> -> memref<!tpu.dma_semaphore, #tpu.memory_space<semaphore_mem>>
    %dma_wait3A_163 = arith.constant 0 : i32
    %dma_wait3A_164 = tpu.memref_slice %arg5[%add3A_152, %dma_wait3A_163] : memref<16384x1024xf32, #tpu.memory_space<hbm>> -> memref<16x1024xf32, #tpu.memory_space<hbm>>
    %dma_wait3A_165 = arith.constant 0 : i32
    %dma_wait3A_166 = arith.constant 0 : i32
    %dma_wait3A_167 = tpu.memref_slice %arg8[%dma_wait3A_153, %dma_wait3A_165, %dma_wait3A_166] : memref<7x16x1024xf32, #tpu.memory_space<vmem>> -> memref<1x16x1024xf32, #tpu.memory_space<vmem>>
    %dma_wait3A_168 = tpu.memref_squeeze %dma_wait3A_167 : memref<1x16x1024xf32, #tpu.memory_space<vmem>> -> memref<16x1024xf32, #tpu.memory_space<vmem>>
    tpu.wait_dma2 semaphore(%dma_wait3A_162 : memref<!tpu.dma_semaphore, #tpu.memory_space<semaphore_mem>>) src(%dma_wait3A_168 : memref<16x1024xf32, #tpu.memory_space<vmem>>) dst(%dma_wait3A_164 : memref<16x1024xf32, #tpu.memory_space<hbm>>)
    return
  }
}

</mosaic_0001>

<sc_bundles>
// kernel: _run.3.cloned.1.call-start
scs
__scs_entry_jumppad:
0x0: {  	(pc) =	sbr.rel $0x88, $3  }
0x1: {  	(tag) =	ssettag $0x0;
	lr =	simm.s32 $0x1  }
0x2: {  	[smem:$0x3F9E] =	sst lr;
	_ =	strace $0xD0000000  }
0x3: {  	_ = 	snop  }
0x4: {  	_ = 	snop  }
0x5: {  	_ = 	snop  }
0x6: {  	_ = 	snop  }
0x7: {  	_ = 	snop  }
__scs_overlays_trampoline_lowered:
0x8: {  	[smem:$0x3FAD] =	sst s0  }
0x9: {  	[smem:$0x3FAE] =	sst s1  }
0xa: {  	[smem:$0x3FAF] =	sst s2  }
0xb: {  	[smem:$0x3FB0] =	sst s3  }
0xc: {  	[smem:$0x3FB1] =	sst s4  }
0xd: {  	[smem:$0x3FB2] =	sst s5  }
0xe: {  	[smem:$0x3FB3] =	sst s6  }
0xf: {  	[smem:$0x3FB4] =	sst s7  }
0x10: {  	[smem:$0x3FB5] =	sst s8  }
0x11: {  	[smem:$0x3FB6] =	sst s9;
	s0 =	simm.s32 @!p0 $0x0  }
0x12: {  	s1 =	sld [smem:$0x3F9C];
	s0 =	simm.s32 @p0 $0x1  }
0x13: {  	[smem:$0x3FB7] =	sst s0;
	s0 =	simm.s32 @!p1 $0x0  }
0x14: {  	s2 =	sld [smem:$0x3F9B];
	s0 =	simm.s32 @p1 $0x1  }
0x15: {  	[smem:$0x3FB8] =	sst s0;
	s0 =	simm.s32 @!p2 $0x0  }
0x16: {  	s3 =	sld [smem:$0x3FDB];
	s0 =	simm.s32 @p2 $0x1  }
0x17: {  	s4 =	simm.s32 $0x1BF5;
	[smem:$0x3FBA] =	sst s0  }
0x18: {  	s0 =	sld [smem:$0x3F9D];
	_ =	swait.ge [sflag:s4], $0x0  }
0x19: {  	s7 =	sld [smem:$0x3F9E]  }
0x1a: {  	s8 =	sadd.s32 $0xFFFFE003, lr  }
0x1b: {  	s9 =	sadd.s32 $0xFFFFFEF7, lr;
	s5 =	simm.s32 $0xFFFFFFFF;
	p2 =	slt.u32 s8, $0xFFFFF086  }
0x1c: {  	p1 =	slt.u32 s9, $0xF7A;
	s5 =	simm.s32 @!p2 $0x0  }
0x1d: {  	s5 =	simm.s32 @p1 $0x1;
	p0 =	seq.s32 s7, s2  }
0x1e: {  	s7 =	smul.u32 @!p0 $0xF7A, s2;
	p2 =	seq.s32 @!p0 s5, $0x0  }
0x1f: {  	s9 =	smul.u32 $0xF7A, s1;
	s8 =	simm.s32 @!p0 $0x1BF5;
	p2 =	por !p2, p0  }
0x20: {  	[sflag:s8] =	ssyncset.s32 @!p0 $0xFFFFF086;
	s6 =	sadd.s32 @!p0 s3, s7;
	s7 =	simm.s32 @!p0 $0x108  }
0x21: {  	s3 =	sadd.s32 s3, s9;
	s6 =	sadd.s32 @!p0 $0x88, s6;
	s7 =	simm.s32 @p2 $0x1082  }
0x22: {  	[simem:s7], [sflag:s8] =	dma.local @!p0 [hbm:s6], $0xF7A  }
0x23: {  	s9 =	sor.u32 $0xD0000000, s2;
	s6 =	simm.s32 $0x108;
	_ =	swait.ge @!p0 [sflag:s8], $0x0  }
0x24: {  	s3 =	sadd.s32 $0x88, s3;
	s6 =	simm.s32 @!p1 $0x1082;
	[sflag:s4] =	ssyncset.s32 $0xFFFFF086  }
0x25: {  	[simem:s6], [sflag:s4] =	dma.local [hbm:s3], $0xF7A  }
0x26: {  	[smem:$0x3F9E] =	sst s1;
	(tag) =	ssettag s2;
	_ =	strace s9  }
0x27: {  	s1 =	sld [smem:$0x3FAE]  }
0x28: {  	s2 =	sld [smem:$0x3FAF]  }
0x29: {  	s4 =	sld [smem:$0x3FB1]  }
0x2a: {  	p0 =	seq.s32 s5, $0x0;
	s5 =	sld [smem:$0x3FB2]  }
0x2b: {  	s6 =	sld [smem:$0x3FB3]  }
0x2c: {  	s7 =	sld [smem:$0x3FB4]  }
0x2d: {  	s3 =	simm.s32 $0x108;
	s8 =	sld [smem:$0x3FB5]  }
0x2e: {  	s3 =	simm.s32 @!p0 $0x1082;
	s9 =	sld [smem:$0x3FB6]  }
0x2f: {  	lr =	sadd.s32 s0, s3;
	s0 =	sld [smem:$0x3FAD]  }
0x30: {  	s3 =	sld [smem:$0x3FB0]  }
0x31: {  	[smem:$0x3FB9] =	sst s10  }
0x32: {  	s10 =	sld [smem:$0x3FB7];
	_ =	sdelay $0x3  }
0x33: {  	p0 =	seq.s32 s10, $0x1;
	s10 =	sld [smem:$0x3FB9];
	_ =	sdelay $0x3  }
0x34: {  	[smem:$0x3FB9] =	sst s10  }
0x35: {  	s10 =	sld [smem:$0x3FB8];
	_ =	sdelay $0x3  }
0x36: {  	p1 =	seq.s32 s10, $0x1;
	s10 =	sld [smem:$0x3FB9];
	_ =	sdelay $0x3  }
0x37: {  	[smem:$0x3FB9] =	sst s10  }
0x38: {  	s10 =	sld [smem:$0x3FBA]  }
0x39: {  	_ = 	snop;
	(pc) =	sbr.ind lr, $3  }
0x3a: {  	_ = 	snop  }
0x3b: {  	_ = 	snop  }
0x3c: {  	p2 =	seq.s32 s10, $0x1;
	s10 =	sld [smem:$0x3FB9]  }
0x3d: {  	_ =	shalt  }
0x3e: {  	_ =	shalt  }
0x3f: {  	_ =	shalt  }
0x40: {  	_ =	shalt  }
0x41: {  	_ =	shalt  }
0x42: {  	_ =	shalt  }
0x43: {  	_ =	shalt  }
0x44: {  	_ =	shalt  }
0x45: {  	_ =	shalt  }
0x46: {  	_ =	shalt  }
0x47: {  	_ =	shalt  }
0x48: {  	_ =	shalt  }
0x49: {  	_ =	shalt  }
0x4a: {  	_ =	shalt  }
0x4b: {  	_ =	shalt  }
0x4c: {  	_ =	shalt  }
0x4d: {  	_ =	shalt  }
0x4e: {  	_ =	shalt  }
0x4f: {  	_ =	shalt  }
0x50: {  	_ =	shalt  }
0x51: {  	_ =	shalt  }
0x52: {  	_ =	shalt  }
0x53: {  	_ =	shalt  }
0x54: {  	_ =	shalt  }
0x55: {  	_ =	shalt  }
0x56: {  	_ =	shalt  }
0x57: {  	_ =	shalt  }
0x58: {  	_ =	shalt  }
0x59: {  	_ =	shalt  }
0x5a: {  	_ =	shalt  }
0x5b: {  	_ =	shalt  }
0x5c: {  	_ =	shalt  }
0x5d: {  	_ =	shalt  }
0x5e: {  	_ =	shalt  }
0x5f: {  	_ =	shalt  }
0x60: {  	_ =	shalt  }
0x61: {  	_ =	shalt  }
0x62: {  	_ =	shalt  }
0x63: {  	_ =	shalt  }
0x64: {  	_ =	shalt  }
0x65: {  	_ =	shalt  }
0x66: {  	_ =	shalt  }
0x67: {  	_ =	shalt  }
0x68: {  	_ =	shalt  }
0x69: {  	_ =	shalt  }
0x6a: {  	_ =	shalt  }
0x6b: {  	_ =	shalt  }
0x6c: {  	_ =	shalt  }
0x6d: {  	_ =	shalt  }
0x6e: {  	_ =	shalt  }
0x6f: {  	_ =	shalt  }
0x70: {  	_ =	shalt  }
0x71: {  	_ =	shalt  }
0x72: {  	_ =	shalt  }
0x73: {  	_ =	shalt  }
0x74: {  	_ =	shalt  }
0x75: {  	_ =	shalt  }
0x76: {  	_ =	shalt  }
0x77: {  	_ =	shalt  }
0x78: {  	_ =	shalt  }
0x79: {  	_ =	shalt  }
0x7a: {  	_ =	shalt  }
0x7b: {  	_ =	shalt  }
0x7c: {  	_ =	shalt  }
0x7d: {  	_ =	shalt  }
0x7e: {  	_ =	shalt  }
0x7f: {  	_ =	shalt  }
0x80: {  	_ =	shalt  }
0x81: {  	_ =	shalt  }
0x82: {  	_ =	shalt  }
0x83: {  	_ =	shalt  }
0x84: {  	_ =	shalt  }
0x85: {  	_ =	shalt  }
0x86: {  	_ =	shalt  }
0x87: {  	_ =	shalt  }
.Lfunc_end0:
.L_simem_size_0:
called_computation_lowered:
.L_overlay_start_0:
0x88: {  	s2 =	sld [smem:$0x3FD9]  }
0x89: {  	s3 =	sld [smem:$0x3FFE];
	_ =	sdelay $0x1  }
0x8a: {  	s1 =	srdreg.scid  }
0x8b: {  	s0 =	sand.u32 $0x1, s1  }
0x8c: {  	s18 =	sshll.u32 s0, $0xA;
	s2 =	sadd.s32 s3, s2  }
0x8d: {  	s2 =	sadd.s32 s2, s18  }
0x8e: {  	[smem:$0x3FC5] =	sst s2  }
0x8f: {  	_ = 	snop  }
0x90: {  	s2 =	sld [smem:$0x3FC9]  }
0x91: {  	s19 =	sld [smem:$0x3FC8]  }
0x92: {  	s4 =	sld [smem:$0x3FC7]  }
0x93: {  	s5 =	sld [smem:$0x3FD0];
	(tm) =	ssettm $0x1  }
0x94: {  	s6 =	sld [smem:$0x3FFB];
	_ =	sdelay $0x3  }
0x95: {  	_ =	strace s6  }
0x96: {  	s6 =	sld [smem:$0x3FFC];
	_ =	sdelay $0x3  }
0x97: {  	_ =	strace s6  }
0x98: {  	s6 =	sld [smem:$0x3FFD];
	_ =	sdelay $0x3  }
0x99: {  	_ =	strace s6  }
0x9a: {  	_ =	strace $0x8FFFFFFF  }
0x9b: {  	s20 =	sld [smem:$0x3FDB];
	_ =	sdelay $0x1  }
0x9c: {  	s7 =	simm.s32 $_scs_section_size  }
0x9d: {  	s8 =	simm.s32 $_size__tile_overlayer_lowered;
	s9 =	simm.s32 $_tile_overlayer_lowered  }
0x9e: {  	s23 =	simm.s32 $0x1BFF;
	s22 =	sshll.u32 s9, $0x1;
	s6 =	sadd.s32 s7, s20  }
0x9f: {  	s10 =	simm.s32 $0x0;
	s21 =	sshll.u32 s8, $0x1;
	s8 =	sadd.s32 s22, s6  }
0xa0: {  	[timem:s10], [sflag:s23] =	dma.local [hbm:s8], s21  }
0xa1: {  	_ =	swait.ge [sflag:s23], s21  }
0xa2: {  	s7 =	ssub.s32 $0x0, s21;
	[sflag:s23] =	ssyncset.done $0x0  }
0xa3: {  	[sflag:s23] =	ssyncadd.s32 s7;
	_ =	sdelay $0x1  }
0xa4: {  	s24 =	simm.s32 $0x1B8B  }
0xa5: {  	_ =	swait.ge [sflag:s24], $0x1  }
0xa6: {  	[sflag:s24] =	ssyncset.done $0x0  }
0xa7: {  	s25 =	simm.s32 $0x1B8E;
	[sflag:s24] =	ssyncadd.s32 $0xFFFFFFFF  }
0xa8: {  	s26 =	simm.s32 $execute0_lowered;
	[smem:$0x3FD2] =	sst s25  }
0xa9: {  	s7 =	sshll.u32 s26, $0x1;
	_ =	strace $0x80000046;
	[dreg:$0x1] =	wrdreg $0xFFFFFFFF  }
0xaa: {  	s28 =	simm.s32 $_size_execute0_lowered;
	s6 =	sadd.s32 s6, s7;
	[dreg:$0x0] =	wrdreg $0x0  }
0xab: {  	s7 =	sshll.u32 s28, $0x1;
	[dreg:$0x2] =	wrdreg s6  }
0xac: {  	[dreg:$0x3] =	wrdreg s7  }
0xad: {  	[dreg:$0x4] =	wrdreg $0xC0  }
0xae: {  	_ =	task [dreg:s10], $0x5FFFF  }
0xaf: {  	[dreg:$0x1] =	wrdreg $0xFFFFFFFF  }
0xb0: {  	[dreg:$0x0] =	wrdreg $0x60  }
0xb1: {  	[dreg:$0x2] =	wrdreg s2  }
0xb2: {  	[dreg:$0x3] =	wrdreg s19  }
0xb3: {  	[dreg:$0x4] =	wrdreg s4  }
0xb4: {  	[dreg:$0x5] =	wrdreg s5  }
0xb5: {  	[dreg:$0x6] =	wrdreg $0x9  }
0xb6: {  	_ =	task.clear_ibuf [dreg:s10], $0x7FFFF;
	_ =	strace $0x90000046  }
0xb7: {  	s29 =	simm.s32 $0x9;
	_ =	strace $0x80000048  }
0xb8: {  	_ =	swait.ge [sflag:s29], $0x1  }
0xb9: {  	[sflag:s29] =	ssyncadd.s32 $0xFFFFFFFF  }
0xba: {  	_ =	strace $0x90000048  }
0xbb: {  	_ =	sfence  }
0xbc: {  	s30 =	sld [smem:$0x0];
	_ =	sdelay $0x2  }
0xbd: {  	s31 =	sshll.u32 s1, $0xD;
	s1 =	sshrl.u32 s1, $0x2  }
0xbe: {  	s3 =	sand.u32 $0x4000, s31;
	s1 =	sadd.s32 s1, s30  }
0xbf: {  	s0 =	sor.u32 s3, s0;
	s1 =	sshll.u32 s1, $0x11  }
0xc0: {  	s0 =	sor.u32 s1, s0  }
0xc1: {  	s0 =	sadd.s32 $0x8F2B, s0  }
0xc2: {  	[sflag:s0] =	ssyncadd.remote.s32 $0x1  }
0xc3: {  	_ =	sfence.sel $0xFFFF  }
0xc4: {  	[dreg:$0x0] =	wrdreg $0xFFFFFFFF;
	(pc) =	sbr.abs _section_cstart, $3  }
0xc5: {  	[dreg:$0x1] =	wrdreg $0xFFFFFFFF  }
0xc6: {  	_ =	task.clear_ibuf [dreg:s10], $0x2FFFF;
	_ =	strace $0x9FFFFFFF  }
0xc7: {  	(tm) =	ssettm $0x7FFFFFFF  }
tec
execute0_lowered:
.L_overlay_start_1:
0x0: {  	(tag) =	ssettag $0x1  }
0x1: {  	s1 =	rddreg [dreg:$0x0]  }
0x2: {  	s0 =	rddreg [dreg:$0x1]  }
0x3: {  	s2 =	rddreg [dreg:$0x3];
	s3 =	simm.s32 $0x0  }
0x4: {  	s4 =	simm.s32 $0x210;
	[smem:$0x7FF] =	sst s3  }
0x5: {  	s15 =	simm.s32 $0x220;
	_ =	strace $0x80000047;
	[dreg:$0x5] =	wrdreg s4  }
0x6: {  	s16 =	simm.s32 $0x230;
	[dreg:$0x6] =	wrdreg s15  }
0x7: {  	s17 =	simm.s32 $0x240;
	[dreg:$0x7] =	wrdreg s16  }
0x8: {  	s18 =	simm.s32 $0x250;
	[dreg:$0x8] =	wrdreg s17  }
0x9: {  	s19 =	simm.s32 $0x260;
	[dreg:$0x9] =	wrdreg s18  }
0xa: {  	s20 =	simm.s32 $0x270;
	[dreg:$0xa] =	wrdreg s19  }
0xb: {  	s21 =	simm.s32 $0x280;
	[dreg:$0xb] =	wrdreg s20  }
0xc: {  	s22 =	simm.s32 $0x290;
	[dreg:$0xc] =	wrdreg s21  }
0xd: {  	s23 =	simm.s32 $0x2A0;
	[dreg:$0xd] =	wrdreg s22  }
0xe: {  	s24 =	simm.s32 $0x2B0;
	[dreg:$0xe] =	wrdreg s23  }
0xf: {  	s25 =	simm.s32 $0x2C0;
	[dreg:$0xf] =	wrdreg s24  }
0x10: {  	s26 =	simm.s32 $0x2D0;
	[dreg:$0x10] =	wrdreg s25  }
0x11: {  	s28 =	simm.s32 $0x2E0;
	[dreg:$0x11] =	wrdreg s26  }
0x12: {  	s29 =	simm.s32 $0x2F0;
	[dreg:$0x12] =	wrdreg s28  }
0x13: {  	s30 =	simm.s32 $0x300;
	[dreg:$0x13] =	wrdreg s29  }
0x14: {  	s31 =	simm.s32 $0x310;
	[dreg:$0x14] =	wrdreg s30  }
0x15: {  	s5 =	simm.s32 $0x320;
	[dreg:$0x15] =	wrdreg s31  }
0x16: {  	s6 =	simm.s32 $0x330;
	[dreg:$0x16] =	wrdreg s5  }
0x17: {  	s7 =	simm.s32 $0x340;
	[dreg:$0x17] =	wrdreg s6  }
0x18: {  	s8 =	simm.s32 $0x350;
	[dreg:$0x18] =	wrdreg s7  }
0x19: {  	s9 =	simm.s32 $0x360;
	[dreg:$0x19] =	wrdreg s8  }
0x1a: {  	s10 =	simm.s32 $0x370;
	[dreg:$0x1a] =	wrdreg s9  }
0x1b: {  	s11 =	simm.s32 $0x380;
	[dreg:$0x1b] =	wrdreg s10  }
0x1c: {  	s12 =	simm.s32 $0x390;
	[dreg:$0x1c] =	wrdreg s11  }
0x1d: {  	s13 =	simm.s32 $0x3A0;
	[dreg:$0x1d] =	wrdreg s12  }
0x1e: {  	s14 =	simm.s32 $0x3B0;
	[dreg:$0x1e] =	wrdreg s13  }
0x1f: {  	[dreg:$0x1f] =	wrdreg s14;
	s15 =	simm.s32 $0x3C0  }
0x20: {  	s16 =	simm.s32 $0x3D0;
	[smem:$0x7D6] =	sst s15  }
0x21: {  	s17 =	simm.s32 $0x3E0;
	[smem:$0x7D7] =	sst s16  }
0x22: {  	s18 =	simm.s32 $0x3F0;
	[smem:$0x7D8] =	sst s17  }
0x23: {  	s19 =	simm.s32 $0x400;
	[smem:$0x7D9] =	sst s18  }
0x24: {  	s20 =	simm.s32 $0x410;
	[smem:$0x7DA] =	sst s19  }
0x25: {  	s21 =	simm.s32 $0x420;
	[smem:$0x7DB] =	sst s20  }
0x26: {  	s22 =	simm.s32 $0x430;
	[smem:$0x7DC] =	sst s21  }
0x27: {  	s23 =	simm.s32 $0x440;
	[smem:$0x7DD] =	sst s22  }
0x28: {  	s24 =	simm.s32 $0x450;
	[smem:$0x7DE] =	sst s23  }
0x29: {  	s25 =	simm.s32 $0x460;
	[smem:$0x7DF] =	sst s24  }
0x2a: {  	s26 =	simm.s32 $0x470;
	[smem:$0x7E0] =	sst s25  }
0x2b: {  	s28 =	simm.s32 $0x480;
	[smem:$0x7E1] =	sst s26  }
0x2c: {  	s29 =	simm.s32 $0x490;
	[smem:$0x7E2] =	sst s28  }
0x2d: {  	s30 =	simm.s32 $0x4A0;
	[smem:$0x7E3] =	sst s29  }
0x2e: {  	s31 =	simm.s32 $0x4B0;
	[smem:$0x7E4] =	sst s30  }
0x2f: {  	s6 =	simm.s32 $0x4C0;
	[smem:$0x7E5] =	sst s31  }
0x30: {  	s7 =	simm.s32 $0x4D0;
	[smem:$0x7E6] =	sst s6  }
0x31: {  	s9 =	simm.s32 $0x4E0;
	[smem:$0x7E7] =	sst s7  }
0x32: {  	s10 =	simm.s32 $0x4F0;
	[smem:$0x7E8] =	sst s9  }
0x33: {  	s11 =	simm.s32 $0x500;
	[smem:$0x7E9] =	sst s10  }
0x34: {  	s12 =	simm.s32 $0x510;
	[smem:$0x7EA] =	sst s11  }
0x35: {  	s14 =	simm.s32 $0x520;
	[smem:$0x7EB] =	sst s12  }
0x36: {  	[smem:$0x7EC] =	sst s14;
	s15 =	simm.s32 $0x530  }
0x37: {  	s16 =	simm.s32 $0x540;
	[smem:$0x7ED] =	sst s15  }
0x38: {  	s17 =	simm.s32 $0x550;
	[smem:$0x7EE] =	sst s16  }
0x39: {  	s18 =	simm.s32 $0x560;
	[smem:$0x7EF] =	sst s17  }
0x3a: {  	s20 =	simm.s32 $0x570;
	[smem:$0x7F1] =	sst s18  }
0x3b: {  	s22 =	simm.s32 $0x580;
	[smem:$0x7F2] =	sst s20  }
0x3c: {  	s5 =	srdreg.scid;
	s23 =	simm.s32 $0x590;
	[smem:$0x7F4] =	sst s22  }
0x3d: {  	s8 =	stileid.u32;
	s24 =	simm.s32 $0x5A0;
	[smem:$0x7F6] =	sst s23  }
0x3e: {  	s5 =	sand.u32 $0x1, s5;
	s26 =	simm.s32 $0x5B0;
	[smem:$0x7F8] =	sst s24  }
0x3f: {  	s13 =	sshll.u32 s8, $0xA;
	s28 =	simm.s32 $0x5C0;
	[smem:$0x7F9] =	sst s26  }
0x40: {  	s29 =	simm.s32 $0x5D0;
	s30 =	simm.s32 $0x5E0;
	[smem:$0x7FA] =	sst s28  }
0x41: {  	s6 =	ssub.s32 $0x2, s5;
	s5 =	sshll.u32 s5, $0x9;
	[smem:$0x7FB] =	sst s29  }
0x42: {  	s31 =	simm.s32 $0x5F0;
	[smem:$0x7FC] =	sst s30;
	s5 =	sor.u32 s5, s13  }
0x43: {  	[smem:$0x7FD] =	sst s31;
	s7 =	sshrl.u32 s6, $0x1;
	s21 =	sshrl.u32 s5, $0x3  }
0x44: {  	s6 =	ssub.s32 s6, s7;
	s7 =	sshll.u32 s5, $0x7;
	s0 =	sadd.s32 s0, s21  }
0x45: {  	s7 =	sadd.s32 s1, s7;
	[smem:$0x7F3] =	sst s0  }
0x46: {  	s14 =	simm.s32 $0x200;
	s25 =	smax.u32 s6, $0x1;
	[smem:$0x7F5] =	sst s7  }
0x47: {  	s22 =	simm.s32 $0x0;
	s19 =	sadd.s32 $0x800, s7;
	[smem:$0x7F7] =	sst s25  }
0x48: {  	v0 =	vlaneseq.u32;
	s13 =	simm.s32 $0xF;
	s9 =	sadd.s32 $0x1000, s7;
	[smem:$0x7F0] =	sst s19  }
.LBB2_1:
0x49: {  	s0 =	sld [smem:$0x7F5];
	_ =	sdelay $0x1  }
0x4a: {  	s1 =	simm.s32 $0x1A00;
	s28 =	sld [smem:$0x7F0]  }
0x4b: {  	[tilespmem:s1], [sflag:$0x1] =	stream.linear.gather [hbm4b:s0+s3], $0x4000, $0x38;
	[tilespmem:$0x1DA00] =	vst v63  }
0x4c: {  	s29 =	simm.s32 $0x5A00;
	s30 =	sld [smem:$0x7F3]  }
0x4d: {  	[tilespmem:s29], [sflag:$0x2] =	stream.linear.gather [hbm4b:s28+s3], $0x4000, $0x38;
	[tilespmem:$0x1DA00] =	vst v63  }
0x4e: {  	_ = 	snop  }
0x4f: {  	[tilespmem:s3], [sflag:$0xF] =	stream.linear.gather [hbm4b:s30+s3], $0x200, $0x38;
	[tilespmem:$0x1DA00] =	vst v63  }
0x50: {  	_ =	swait.ge [sflag:s13], $0x200  }
0x51: {  	[sflag:s13] =	ssyncset.done $0x0  }
0x52: {  	[sflag:s13] =	ssyncadd.s32 $0xFFFFFE00  }
0x53: {  	s31 =	rddreg [dreg:$0x2]  }
0x54: {  	[tilespmem:s14], [sflag:$0xF] =	stream.linear.gather [hbm4b:s31+s3], $0x1800, $0x38;
	[tilespmem:$0x1DA00] =	vst v63  }
0x55: {  	_ =	swait.ge [sflag:s13], $0x1800  }
0x56: {  	s23 =	simm.s32 $0x0;
	[sflag:s13] =	ssyncset.done $0x0  }
0x57: {  	s25 =	simm.s32 $0x0;
	s24 =	simm.s32 $0x0;
	[sflag:s13] =	ssyncadd.s32 $0xFFFFE800  }
.LBB2_2:
0x58: {  	s1 =	sadd.s32 $0x2, s25;
	p0 =	sgt.u32 s24, $0x1D  }
0x59: {  	s0 =	sadd.s32 $0xFFFFFFFB, s25;
	p1 =	sgt.s32 s1, $0x6;
	p2 =	slt.u32 @!p0 s24, $0x5  }
0x5a: {  	s1 =	smov.u32 @p1 s0;
	p1 =	por p2, p0  }
0x5b: {  	s4 =	sadd.s32 @!p1 $0x8, s1  }
0x5c: {  	s7 =	simm.s32 @!p0 $0x0;
	_ =	swait.ge @!p1 [sflag:s4], $0x4000  }
0x5d: {  	s0 =	sadd.s32 $0x1, s25;
	s6 =	sshll.u32 @!p0 s1, $0x10;
	[sflag:s4] =	ssyncset.done @!p1 $0x0  }
0x5e: {  	s6 =	sshra.s32 @!p0 s6, $0x2;
	[sflag:s4] =	ssyncadd.s32 @!p1 $0xFFFFC000;
	s4 =	sshll.u32 @!p0 s24, $0xB  }
0x5f: {  	v1 =	vmov s23;
	s1 =	sadd.s32 @!p0 $0x1, s1;
	s6 =	sor.u32 @!p0 $0x1A00, s6;
	s4 =	sadd.s32 @!p0 s4, s9  }
0x60: {  	[tilespmem:s6], [sflag:s1] =	stream.linear.gather @!p0 [hbm4b:s4+s7], $0x4000, $0x38;
	[tilespmem:$0x1DA00] =	vst v63  }
0x61: {  	_ =	swait.ge [sflag:s0], $0x4000  }
0x62: {  	[sflag:s0] =	ssyncset.done $0x0  }
0x63: {  	[sflag:s0] =	ssyncadd.s32 $0xFFFFC000  }
0x64: {  	v1 =	vld.idx.msk [tilespmem:v1+s3+$0x0], $0xffff;
	_ =	sdelay $0x4  }
0x65: {  	v1 =	vshll.u32 v1, $0xA  }
0x66: {  	v1 =	vor.u32 v0, v1;
	_ =	sdelay $0x4  }
0x67: {  	s17 =	sshll.u32 s25, $0x10;
	v2 =	vld.idx.msk [tilespmem:v1+s14+$0x0], $0xffff  }
0x68: {  	s18 =	simm.s32 $0x0;
	s1 =	sshra.s32 s17, $0x2  }
0x69: {  	s28 =	simm.s32 $0x0;
	s19 =	sand.u32 $0x2000, s18;
	s26 =	sor.u32 $0x1A00, s1  }
0x6a: {  	s20 =	sand.u32 $0x380, s28;
	s1 =	sadd.s32 s19, s26  }
0x6b: {  	s1 =	sadd.s32 s20, s1  }
0x6c: {  	s21 =	rddreg [dreg:$0x5];
	[tilespmem:s1+$0x0] =	vst.add.f32.msk $0xffff, v2  }
0x6d: {  	v2 =	vld.idx.msk [tilespmem:v1+s21+$0x0], $0xffff;
	_ =	sdelay $0x4  }
0x6e: {  	s7 =	rddreg [dreg:$0x6];
	[tilespmem:s1+$0x10] =	vst.add.f32.msk $0xffff, v2  }
0x6f: {  	v2 =	vld.idx.msk [tilespmem:v1+s7+$0x0], $0xffff;
	_ =	sdelay $0x4  }
0x70: {  	s8 =	rddreg [dreg:$0x7];
	[tilespmem:s1+$0x20] =	vst.add.f32.msk $0xffff, v2  }
0x71: {  	v2 =	vld.idx.msk [tilespmem:v1+s8+$0x0], $0xffff;
	_ =	sdelay $0x4  }
0x72: {  	s10 =	rddreg [dreg:$0x8];
	[tilespmem:s1+$0x30] =	vst.add.f32.msk $0xffff, v2  }
0x73: {  	v2 =	vld.idx.msk [tilespmem:v1+s10+$0x0], $0xffff;
	_ =	sdelay $0x4  }
0x74: {  	s11 =	rddreg [dreg:$0x9];
	[tilespmem:s1+$0x40] =	vst.add.f32.msk $0xffff, v2  }
0x75: {  	v2 =	vld.idx.msk [tilespmem:v1+s11+$0x0], $0xffff;
	_ =	sdelay $0x4  }
0x76: {  	s12 =	rddreg [dreg:$0xa];
	[tilespmem:s1+$0x50] =	vst.add.f32.msk $0xffff, v2  }
0x77: {  	v2 =	vld.idx.msk [tilespmem:v1+s12+$0x0], $0xffff;
	_ =	sdelay $0x4  }
0x78: {  	s15 =	rddreg [dreg:$0xb];
	[tilespmem:s1+$0x60] =	vst.add.f32.msk $0xffff, v2  }
0x79: {  	v2 =	vld.idx.msk [tilespmem:v1+s15+$0x0], $0xffff;
	_ =	sdelay $0x4  }
0x7a: {  	s16 =	rddreg [dreg:$0xc];
	[tilespmem:s1+$0x70] =	vst.add.f32.msk $0xffff, v2  }
0x7b: {  	v2 =	vld.idx.msk [tilespmem:v1+s16+$0x0], $0xffff;
	_ =	sdelay $0x4  }
0x7c: {  	s17 =	rddreg [dreg:$0xd];
	[tilespmem:s1+$0x400] =	vst.add.f32.msk $0xffff, v2  }
0x7d: {  	v2 =	vld.idx.msk [tilespmem:v1+s17+$0x0], $0xffff;
	_ =	sdelay $0x4  }
0x7e: {  	s18 =	rddreg [dreg:$0xe];
	[tilespmem:s1+$0x410] =	vst.add.f32.msk $0xffff, v2  }
0x7f: {  	v2 =	vld.idx.msk [tilespmem:v1+s18+$0x0], $0xffff;
	_ =	sdelay $0x4  }
0x80: {  	s19 =	rddreg [dreg:$0xf];
	[tilespmem:s1+$0x420] =	vst.add.f32.msk $0xffff, v2  }
0x81: {  	v2 =	vld.idx.msk [tilespmem:v1+s19+$0x0], $0xffff;
	_ =	sdelay $0x4  }
0x82: {  	s20 =	rddreg [dreg:$0x10];
	[tilespmem:s1+$0x430] =	vst.add.f32.msk $0xffff, v2  }
0x83: {  	v2 =	vld.idx.msk [tilespmem:v1+s20+$0x0], $0xffff;
	_ =	sdelay $0x4  }
0x84: {  	s21 =	rddreg [dreg:$0x11];
	[tilespmem:s1+$0x440] =	vst.add.f32.msk $0xffff, v2  }
0x85: {  	v2 =	vld.idx.msk [tilespmem:v1+s21+$0x0], $0xffff;
	_ =	sdelay $0x4  }
0x86: {  	s6 =	rddreg [dreg:$0x12];
	[tilespmem:s1+$0x450] =	vst.add.f32.msk $0xffff, v2  }
0x87: {  	v2 =	vld.idx.msk [tilespmem:v1+s6+$0x0], $0xffff;
	_ =	sdelay $0x4  }
0x88: {  	s7 =	rddreg [dreg:$0x13];
	[tilespmem:s1+$0x460] =	vst.add.f32.msk $0xffff, v2  }
0x89: {  	v2 =	vld.idx.msk [tilespmem:v1+s7+$0x0], $0xffff  }
0x8a: {  	s4 =	sadd.s32 $0x1, s23  }
0x8b: {  	v3 =	vmov s4;
	_ =	sdelay $0x2  }
0x8c: {  	s8 =	rddreg [dreg:$0x14];
	[tilespmem:s1+$0x470] =	vst.add.f32.msk $0xffff, v2  }
0x8d: {  	v2 =	vld.idx.msk [tilespmem:v1+s8+$0x0], $0xffff  }
0x8e: {  	v3 =	vld.idx.msk [tilespmem:v3+s3+$0x0], $0xffff;
	_ =	sdelay $0x3  }
0x8f: {  	s10 =	rddreg [dreg:$0x15];
	[tilespmem:s1+$0x800] =	vst.add.f32.msk $0xffff, v2  }
0x90: {  	v2 =	vshll.u32 v3, $0xA;
	v4 =	vld.idx.msk [tilespmem:v1+s10+$0x0], $0xffff  }
0x91: {  	v2 =	vor.u32 v0, v2;
	_ =	sdelay $0x3  }
0x92: {  	s11 =	rddreg [dreg:$0x16];
	[tilespmem:s1+$0x810] =	vst.add.f32.msk $0xffff, v4  }
0x93: {  	v4 =	vld.idx.msk [tilespmem:v2+s14+$0x0], $0xffff  }
0x94: {  	s15 =	simm.s32 $0x400;
	v3 =	vld.idx.msk [tilespmem:v1+s11+$0x0], $0xffff  }
0x95: {  	s7 =	sand.u32 $0x2000, s15;
	s8 =	simm.s32 $0x80  }
0x96: {  	s7 =	sadd.s32 s7, s26;
	s8 =	sand.u32 $0x380, s8  }
0x97: {  	s29 =	sadd.s32 s8, s7  }
0x98: {  	s10 =	rddreg [dreg:$0x5];
	[tilespmem:s29+$0x0] =	vst.add.f32.msk $0xffff, v4  }
0x99: {  	s12 =	rddreg [dreg:$0x17];
	[tilespmem:s1+$0x820] =	vst.add.f32.msk $0xffff, v3  }
0x9a: {  	v4 =	vld.idx.msk [tilespmem:v2+s10+$0x0], $0xffff  }
0x9b: {  	v3 =	vld.idx.msk [tilespmem:v1+s12+$0x0], $0xffff;
	_ =	sdelay $0x3  }
0x9c: {  	s17 =	rddreg [dreg:$0x6];
	[tilespmem:s29+$0x10] =	vst.add.f32.msk $0xffff, v4  }
0x9d: {  	s16 =	rddreg [dreg:$0x18];
	[tilespmem:s1+$0x830] =	vst.add.f32.msk $0xffff, v3  }
0x9e: {  	v4 =	vld.idx.msk [tilespmem:v2+s17+$0x0], $0xffff  }
0x9f: {  	v3 =	vld.idx.msk [tilespmem:v1+s16+$0x0], $0xffff;
	_ =	sdelay $0x3  }
0xa0: {  	s19 =	rddreg [dreg:$0x7];
	[tilespmem:s29+$0x20] =	vst.add.f32.msk $0xffff, v4  }
0xa1: {  	s18 =	rddreg [dreg:$0x19];
	[tilespmem:s1+$0x840] =	vst.add.f32.msk $0xffff, v3  }
0xa2: {  	v4 =	vld.idx.msk [tilespmem:v2+s19+$0x0], $0xffff  }
0xa3: {  	v3 =	vld.idx.msk [tilespmem:v1+s18+$0x0], $0xffff;
	_ =	sdelay $0x3  }
0xa4: {  	s21 =	rddreg [dreg:$0x8];
	[tilespmem:s29+$0x30] =	vst.add.f32.msk $0xffff, v4  }
0xa5: {  	s20 =	rddreg [dreg:$0x1a];
	[tilespmem:s1+$0x850] =	vst.add.f32.msk $0xffff, v3  }
0xa6: {  	v4 =	vld.idx.msk [tilespmem:v2+s21+$0x0], $0xffff  }
0xa7: {  	v3 =	vld.idx.msk [tilespmem:v1+s20+$0x0], $0xffff;
	_ =	sdelay $0x3  }
0xa8: {  	s8 =	rddreg [dreg:$0x9];
	[tilespmem:s29+$0x40] =	vst.add.f32.msk $0xffff, v4  }
0xa9: {  	s7 =	rddreg [dreg:$0x1b];
	[tilespmem:s1+$0x860] =	vst.add.f32.msk $0xffff, v3  }
0xaa: {  	v4 =	vld.idx.msk [tilespmem:v2+s8+$0x0], $0xffff  }
0xab: {  	v3 =	vld.idx.msk [tilespmem:v1+s7+$0x0], $0xffff;
	_ =	sdelay $0x3  }
0xac: {  	s11 =	rddreg [dreg:$0xa];
	[tilespmem:s29+$0x50] =	vst.add.f32.msk $0xffff, v4  }
0xad: {  	s10 =	rddreg [dreg:$0x1c];
	[tilespmem:s1+$0x870] =	vst.add.f32.msk $0xffff, v3  }
0xae: {  	v4 =	vld.idx.msk [tilespmem:v2+s11+$0x0], $0xffff  }
0xaf: {  	v3 =	vld.idx.msk [tilespmem:v1+s10+$0x0], $0xffff;
	_ =	sdelay $0x3  }
0xb0: {  	s15 =	rddreg [dreg:$0xb];
	[tilespmem:s29+$0x60] =	vst.add.f32.msk $0xffff, v4  }
0xb1: {  	s12 =	rddreg [dreg:$0x1d];
	[tilespmem:s1+$0xC00] =	vst.add.f32.msk $0xffff, v3  }
0xb2: {  	v4 =	vld.idx.msk [tilespmem:v2+s15+$0x0], $0xffff  }
0xb3: {  	v3 =	vld.idx.msk [tilespmem:v1+s12+$0x0], $0xffff;
	_ =	sdelay $0x3  }
0xb4: {  	s17 =	rddreg [dreg:$0xc];
	[tilespmem:s29+$0x70] =	vst.add.f32.msk $0xffff, v4  }
0xb5: {  	s16 =	rddreg [dreg:$0x1e];
	[tilespmem:s1+$0xC10] =	vst.add.f32.msk $0xffff, v3  }
0xb6: {  	v4 =	vld.idx.msk [tilespmem:v2+s17+$0x0], $0xffff  }
0xb7: {  	v3 =	vld.idx.msk [tilespmem:v1+s16+$0x0], $0xffff;
	_ =	sdelay $0x3  }
0xb8: {  	s19 =	rddreg [dreg:$0xd];
	[tilespmem:s29+$0x400] =	vst.add.f32.msk $0xffff, v4  }
0xb9: {  	s18 =	rddreg [dreg:$0x1f];
	[tilespmem:s1+$0xC20] =	vst.add.f32.msk $0xffff, v3  }
0xba: {  	v4 =	vld.idx.msk [tilespmem:v2+s19+$0x0], $0xffff  }
0xbb: {  	v3 =	vld.idx.msk [tilespmem:v1+s18+$0x0], $0xffff;
	_ =	sdelay $0x2  }
0xbc: {  	s21 =	rddreg [dreg:$0xe]  }
0xbd: {  	s20 =	sld [smem:$0x7D6];
	[tilespmem:s29+$0x410] =	vst.add.f32.msk $0xffff, v4  }
0xbe: {  	[tilespmem:s1+$0xC30] =	vst.add.f32.msk $0xffff, v3  }
0xbf: {  	v4 =	vld.idx.msk [tilespmem:v2+s21+$0x0], $0xffff  }
0xc0: {  	v3 =	vld.idx.msk [tilespmem:v1+s20+$0x0], $0xffff;
	_ =	sdelay $0x2  }
0xc1: {  	s8 =	rddreg [dreg:$0xf]  }
0xc2: {  	s7 =	sld [smem:$0x7D7];
	[tilespmem:s29+$0x420] =	vst.add.f32.msk $0xffff, v4  }
0xc3: {  	[tilespmem:s1+$0xC40] =	vst.add.f32.msk $0xffff, v3  }
0xc4: {  	v4 =	vld.idx.msk [tilespmem:v2+s8+$0x0], $0xffff  }
0xc5: {  	v3 =	vld.idx.msk [tilespmem:v1+s7+$0x0], $0xffff;
	_ =	sdelay $0x2  }
0xc6: {  	s11 =	rddreg [dreg:$0x10]  }
0xc7: {  	s10 =	sld [smem:$0x7D8];
	[tilespmem:s29+$0x430] =	vst.add.f32.msk $0xffff, v4  }
0xc8: {  	[tilespmem:s1+$0xC50] =	vst.add.f32.msk $0xffff, v3  }
0xc9: {  	v4 =	vld.idx.msk [tilespmem:v2+s11+$0x0], $0xffff  }
0xca: {  	v3 =	vld.idx.msk [tilespmem:v1+s10+$0x0], $0xffff;
	_ =	sdelay $0x2  }
0xcb: {  	s15 =	rddreg [dreg:$0x11]  }
0xcc: {  	s12 =	sld [smem:$0x7D9];
	[tilespmem:s29+$0x440] =	vst.add.f32.msk $0xffff, v4  }
0xcd: {  	[tilespmem:s1+$0xC60] =	vst.add.f32.msk $0xffff, v3  }
0xce: {  	v4 =	vld.idx.msk [tilespmem:v2+s15+$0x0], $0xffff  }
0xcf: {  	v3 =	vld.idx.msk [tilespmem:v1+s12+$0x0], $0xffff;
	_ =	sdelay $0x2  }
0xd0: {  	s17 =	rddreg [dreg:$0x12]  }
0xd1: {  	s16 =	sld [smem:$0x7DA];
	[tilespmem:s29+$0x450] =	vst.add.f32.msk $0xffff, v4  }
0xd2: {  	[tilespmem:s1+$0xC70] =	vst.add.f32.msk $0xffff, v3  }
0xd3: {  	v4 =	vld.idx.msk [tilespmem:v2+s17+$0x0], $0xffff  }
0xd4: {  	v3 =	vld.idx.msk [tilespmem:v1+s16+$0x0], $0xffff;
	_ =	sdelay $0x2  }
0xd5: {  	s19 =	rddreg [dreg:$0x13]  }
0xd6: {  	s18 =	sld [smem:$0x7DB];
	[tilespmem:s29+$0x460] =	vst.add.f32.msk $0xffff, v4  }
0xd7: {  	[tilespmem:s1+$0x1000] =	vst.add.f32.msk $0xffff, v3  }
0xd8: {  	v4 =	vld.idx.msk [tilespmem:v2+s19+$0x0], $0xffff  }
0xd9: {  	v3 =	vld.idx.msk [tilespmem:v1+s18+$0x0], $0xffff;
	_ =	sdelay $0x2  }
0xda: {  	s21 =	rddreg [dreg:$0x14]  }
0xdb: {  	s20 =	sld [smem:$0x7DC];
	[tilespmem:s29+$0x470] =	vst.add.f32.msk $0xffff, v4  }
0xdc: {  	[tilespmem:s1+$0x1010] =	vst.add.f32.msk $0xffff, v3  }
0xdd: {  	v4 =	vld.idx.msk [tilespmem:v2+s21+$0x0], $0xffff  }
0xde: {  	s4 =	sadd.s32 $0x1, s4;
	v3 =	vld.idx.msk [tilespmem:v1+s20+$0x0], $0xffff  }
0xdf: {  	v5 =	vmov s4;
	_ =	sdelay $0x2  }
0xe0: {  	s8 =	rddreg [dreg:$0x15];
	[tilespmem:s29+$0x800] =	vst.add.f32.msk $0xffff, v4  }
0xe1: {  	s7 =	sld [smem:$0x7DD];
	[tilespmem:s1+$0x1020] =	vst.add.f32.msk $0xffff, v3  }
0xe2: {  	v3 =	vld.idx.msk [tilespmem:v5+s3+$0x0], $0xffff  }
0xe3: {  	v4 =	vld.idx.msk [tilespmem:v2+s8+$0x0], $0xffff;
	_ =	sdelay $0x1  }
0xe4: {  	v5 =	vld.idx.msk [tilespmem:v1+s7+$0x0], $0xffff;
	_ =	sdelay $0x1  }
0xe5: {  	s11 =	rddreg [dreg:$0x16];
	v3 =	vshll.u32 v3, $0xA  }
0xe6: {  	s10 =	sld [smem:$0x7DE];
	[tilespmem:s29+$0x810] =	vst.add.f32.msk $0xffff, v4;
	v3 =	vor.u32 v0, v3  }
0xe7: {  	v4 =	vld.idx.msk [tilespmem:v2+s11+$0x0], $0xffff  }
0xe8: {  	[tilespmem:s1+$0x1030] =	vst.add.f32.msk $0xffff, v5  }
0xe9: {  	v5 =	vld.idx.msk [tilespmem:v1+s10+$0x0], $0xffff;
	_ =	sdelay $0x1  }
0xea: {  	s16 =	rddreg [dreg:$0x17];
	v6 =	vld.idx.msk [tilespmem:v3+s14+$0x0], $0xffff  }
0xeb: {  	s15 =	simm.s32 $0x800;
	s12 =	sld [smem:$0x7DF];
	[tilespmem:s29+$0x820] =	vst.add.f32.msk $0xffff, v4  }
0xec: {  	s17 =	simm.s32 $0x100;
	s7 =	sand.u32 $0x2000, s15;
	v4 =	vld.idx.msk [tilespmem:v2+s16+$0x0], $0xffff  }
0xed: {  	s18 =	sand.u32 $0x380, s17;
	s7 =	sadd.s32 s7, s26;
	[tilespmem:s1+$0x1040] =	vst.add.f32.msk $0xffff, v5  }
0xee: {  	s30 =	sadd.s32 s18, s7;
	v5 =	vld.idx.msk [tilespmem:v1+s12+$0x0], $0xffff  }
0xef: {  	s19 =	rddreg [dreg:$0x5];
	[tilespmem:s30+$0x0] =	vst.add.f32.msk $0xffff, v6  }
0xf0: {  	s21 =	rddreg [dreg:$0x18];
	v6 =	vld.idx.msk [tilespmem:v3+s19+$0x0], $0xffff  }
0xf1: {  	s20 =	sld [smem:$0x7E0];
	[tilespmem:s29+$0x830] =	vst.add.f32.msk $0xffff, v4  }
0xf2: {  	v4 =	vld.idx.msk [tilespmem:v2+s21+$0x0], $0xffff  }
0xf3: {  	[tilespmem:s1+$0x1050] =	vst.add.f32.msk $0xffff, v5  }
0xf4: {  	v5 =	vld.idx.msk [tilespmem:v1+s20+$0x0], $0xffff  }
0xf5: {  	s8 =	rddreg [dreg:$0x6];
	[tilespmem:s30+$0x10] =	vst.add.f32.msk $0xffff, v6  }
0xf6: {  	s11 =	rddreg [dreg:$0x19];
	v6 =	vld.idx.msk [tilespmem:v3+s8+$0x0], $0xffff  }
0xf7: {  	s10 =	sld [smem:$0x7E1];
	[tilespmem:s29+$0x840] =	vst.add.f32.msk $0xffff, v4  }
0xf8: {  	v4 =	vld.idx.msk [tilespmem:v2+s11+$0x0], $0xffff  }
0xf9: {  	[tilespmem:s1+$0x1060] =	vst.add.f32.msk $0xffff, v5  }
0xfa: {  	v5 =	vld.idx.msk [tilespmem:v1+s10+$0x0], $0xffff  }
0xfb: {  	s12 =	rddreg [dreg:$0x7];
	[tilespmem:s30+$0x20] =	vst.add.f32.msk $0xffff, v6  }
0xfc: {  	s16 =	rddreg [dreg:$0x1a];
	v6 =	vld.idx.msk [tilespmem:v3+s12+$0x0], $0xffff  }
0xfd: {  	s15 =	sld [smem:$0x7E2];
	[tilespmem:s29+$0x850] =	vst.add.f32.msk $0xffff, v4  }
0xfe: {  	v4 =	vld.idx.msk [tilespmem:v2+s16+$0x0], $0xffff  }
0xff: {  	[tilespmem:s1+$0x1070] =	vst.add.f32.msk $0xffff, v5  }
0x100: {  	v5 =	vld.idx.msk [tilespmem:v1+s15+$0x0], $0xffff  }
0x101: {  	s17 =	rddreg [dreg:$0x8];
	[tilespmem:s30+$0x30] =	vst.add.f32.msk $0xffff, v6  }
0x102: {  	s19 =	rddreg [dreg:$0x1b];
	v6 =	vld.idx.msk [tilespmem:v3+s17+$0x0], $0xffff  }
0x103: {  	s18 =	sld [smem:$0x7E3];
	[tilespmem:s29+$0x860] =	vst.add.f32.msk $0xffff, v4  }
0x104: {  	v4 =	vld.idx.msk [tilespmem:v2+s19+$0x0], $0xffff  }
0x105: {  	[tilespmem:s1+$0x1400] =	vst.add.f32.msk $0xffff, v5  }
0x106: {  	v5 =	vld.idx.msk [tilespmem:v1+s18+$0x0], $0xffff  }
0x107: {  	s20 =	rddreg [dreg:$0x9];
	[tilespmem:s30+$0x40] =	vst.add.f32.msk $0xffff, v6  }
0x108: {  	s8 =	rddreg [dreg:$0x1c];
	v6 =	vld.idx.msk [tilespmem:v3+s20+$0x0], $0xffff  }
0x109: {  	s21 =	sld [smem:$0x7E4];
	[tilespmem:s29+$0x870] =	vst.add.f32.msk $0xffff, v4  }
0x10a: {  	v4 =	vld.idx.msk [tilespmem:v2+s8+$0x0], $0xffff  }
0x10b: {  	[tilespmem:s1+$0x1410] =	vst.add.f32.msk $0xffff, v5  }
0x10c: {  	v5 =	vld.idx.msk [tilespmem:v1+s21+$0x0], $0xffff  }
0x10d: {  	s10 =	rddreg [dreg:$0xa];
	[tilespmem:s30+$0x50] =	vst.add.f32.msk $0xffff, v6  }
0x10e: {  	s12 =	rddreg [dreg:$0x1d];
	v6 =	vld.idx.msk [tilespmem:v3+s10+$0x0], $0xffff  }
0x10f: {  	s11 =	sld [smem:$0x7E5];
	[tilespmem:s29+$0xC00] =	vst.add.f32.msk $0xffff, v4  }
0x110: {  	v4 =	vld.idx.msk [tilespmem:v2+s12+$0x0], $0xffff  }
0x111: {  	[tilespmem:s1+$0x1420] =	vst.add.f32.msk $0xffff, v5  }
0x112: {  	v5 =	vld.idx.msk [tilespmem:v1+s11+$0x0], $0xffff  }
0x113: {  	s15 =	rddreg [dreg:$0xb];
	[tilespmem:s30+$0x60] =	vst.add.f32.msk $0xffff, v6  }
0x114: {  	s17 =	rddreg [dreg:$0x1e];
	v6 =	vld.idx.msk [tilespmem:v3+s15+$0x0], $0xffff  }
0x115: {  	s16 =	sld [smem:$0x7E6];
	[tilespmem:s29+$0xC10] =	vst.add.f32.msk $0xffff, v4  }
0x116: {  	v4 =	vld.idx.msk [tilespmem:v2+s17+$0x0], $0xffff  }
0x117: {  	[tilespmem:s1+$0x1430] =	vst.add.f32.msk $0xffff, v5  }
0x118: {  	v5 =	vld.idx.msk [tilespmem:v1+s16+$0x0], $0xffff  }
0x119: {  	s18 =	rddreg [dreg:$0xc];
	[tilespmem:s30+$0x70] =	vst.add.f32.msk $0xffff, v6  }
0x11a: {  	s20 =	rddreg [dreg:$0x1f];
	v6 =	vld.idx.msk [tilespmem:v3+s18+$0x0], $0xffff  }
0x11b: {  	s19 =	sld [smem:$0x7E7];
	[tilespmem:s29+$0xC20] =	vst.add.f32.msk $0xffff, v4  }
0x11c: {  	v4 =	vld.idx.msk [tilespmem:v2+s20+$0x0], $0xffff  }
0x11d: {  	[tilespmem:s1+$0x1440] =	vst.add.f32.msk $0xffff, v5  }
0x11e: {  	s21 =	rddreg [dreg:$0xd];
	v5 =	vld.idx.msk [tilespmem:v1+s19+$0x0], $0xffff  }
0x11f: {  	s10 =	sld [smem:$0x7D6];
	[tilespmem:s30+$0x400] =	vst.add.f32.msk $0xffff, v6  }
0x120: {  	v6 =	vld.idx.msk [tilespmem:v3+s21+$0x0], $0xffff  }
0x121: {  	s8 =	sld [smem:$0x7E8];
	[tilespmem:s29+$0xC30] =	vst.add.f32.msk $0xffff, v4  }
0x122: {  	v4 =	vld.idx.msk [tilespmem:v2+s10+$0x0], $0xffff  }
0x123: {  	[tilespmem:s1+$0x1450] =	vst.add.f32.msk $0xffff, v5  }
0x124: {  	s11 =	rddreg [dreg:$0xe];
	v5 =	vld.idx.msk [tilespmem:v1+s8+$0x0], $0xffff  }
0x125: {  	s15 =	sld [smem:$0x7D7];
	[tilespmem:s30+$0x410] =	vst.add.f32.msk $0xffff, v6  }
0x126: {  	v6 =	vld.idx.msk [tilespmem:v3+s11+$0x0], $0xffff  }
0x127: {  	s12 =	sld [smem:$0x7E9];
	[tilespmem:s29+$0xC40] =	vst.add.f32.msk $0xffff, v4  }
0x128: {  	v4 =	vld.idx.msk [tilespmem:v2+s15+$0x0], $0xffff  }
0x129: {  	[tilespmem:s1+$0x1460] =	vst.add.f32.msk $0xffff, v5  }
0x12a: {  	s16 =	rddreg [dreg:$0xf];
	v5 =	vld.idx.msk [tilespmem:v1+s12+$0x0], $0xffff  }
0x12b: {  	s18 =	sld [smem:$0x7D8];
	[tilespmem:s30+$0x420] =	vst.add.f32.msk $0xffff, v6  }
0x12c: {  	v6 =	vld.idx.msk [tilespmem:v3+s16+$0x0], $0xffff  }
0x12d: {  	s17 =	sld [smem:$0x7EA];
	[tilespmem:s29+$0xC50] =	vst.add.f32.msk $0xffff, v4  }
0x12e: {  	v4 =	vld.idx.msk [tilespmem:v2+s18+$0x0], $0xffff  }
0x12f: {  	[tilespmem:s1+$0x1470] =	vst.add.f32.msk $0xffff, v5  }
0x130: {  	s19 =	rddreg [dreg:$0x10];
	v5 =	vld.idx.msk [tilespmem:v1+s17+$0x0], $0xffff  }
0x131: {  	s21 =	sld [smem:$0x7D9];
	[tilespmem:s30+$0x430] =	vst.add.f32.msk $0xffff, v6  }
0x132: {  	v6 =	vld.idx.msk [tilespmem:v3+s19+$0x0], $0xffff  }
0x133: {  	s20 =	sld [smem:$0x7EB];
	[tilespmem:s29+$0xC60] =	vst.add.f32.msk $0xffff, v4  }
0x134: {  	v4 =	vld.idx.msk [tilespmem:v2+s21+$0x0], $0xffff  }
0x135: {  	[tilespmem:s1+$0x1800] =	vst.add.f32.msk $0xffff, v5  }
0x136: {  	s8 =	rddreg [dreg:$0x11];
	v5 =	vld.idx.msk [tilespmem:v1+s20+$0x0], $0xffff  }
0x137: {  	s11 =	sld [smem:$0x7DA];
	[tilespmem:s30+$0x440] =	vst.add.f32.msk $0xffff, v6  }
0x138: {  	v6 =	vld.idx.msk [tilespmem:v3+s8+$0x0], $0xffff  }
0x139: {  	s10 =	sld [smem:$0x7EC];
	[tilespmem:s29+$0xC70] =	vst.add.f32.msk $0xffff, v4  }
0x13a: {  	v4 =	vld.idx.msk [tilespmem:v2+s11+$0x0], $0xffff  }
0x13b: {  	[tilespmem:s1+$0x1810] =	vst.add.f32.msk $0xffff, v5  }
0x13c: {  	s12 =	rddreg [dreg:$0x12];
	v5 =	vld.idx.msk [tilespmem:v1+s10+$0x0], $0xffff  }
0x13d: {  	s16 =	sld [smem:$0x7DB];
	[tilespmem:s30+$0x450] =	vst.add.f32.msk $0xffff, v6  }
0x13e: {  	v6 =	vld.idx.msk [tilespmem:v3+s12+$0x0], $0xffff  }
0x13f: {  	s15 =	sld [smem:$0x7ED];
	[tilespmem:s29+$0x1000] =	vst.add.f32.msk $0xffff, v4  }
0x140: {  	v4 =	vld.idx.msk [tilespmem:v2+s16+$0x0], $0xffff  }
0x141: {  	[tilespmem:s1+$0x1820] =	vst.add.f32.msk $0xffff, v5  }
0x142: {  	s17 =	rddreg [dreg:$0x13];
	v5 =	vld.idx.msk [tilespmem:v1+s15+$0x0], $0xffff  }
0x143: {  	s19 =	sld [smem:$0x7DC];
	[tilespmem:s30+$0x460] =	vst.add.f32.msk $0xffff, v6  }
0x144: {  	v6 =	vld.idx.msk [tilespmem:v3+s17+$0x0], $0xffff  }
0x145: {  	s18 =	sld [smem:$0x7EE];
	[tilespmem:s29+$0x1010] =	vst.add.f32.msk $0xffff, v4  }
0x146: {  	s7 =	sadd.s32 $0x1, s4;
	v4 =	vld.idx.msk [tilespmem:v2+s19+$0x0], $0xffff  }
0x147: {  	v7 =	vmov s7;
	[tilespmem:s1+$0x1830] =	vst.add.f32.msk $0xffff, v5  }
0x148: {  	v5 =	vld.idx.msk [tilespmem:v1+s18+$0x0], $0xffff  }
0x149: {  	s20 =	rddreg [dreg:$0x14];
	[tilespmem:s30+$0x470] =	vst.add.f32.msk $0xffff, v6  }
0x14a: {  	v6 =	vld.idx.msk [tilespmem:v3+s20+$0x0], $0xffff  }
0x14b: {  	s8 =	sld [smem:$0x7DD];
	[tilespmem:s29+$0x1020] =	vst.add.f32.msk $0xffff, v4  }
0x14c: {  	s21 =	sld [smem:$0x7EF];
	v4 =	vld.idx.msk [tilespmem:v7+s3+$0x0], $0xffff  }
0x14d: {  	[tilespmem:s1+$0x1840] =	vst.add.f32.msk $0xffff, v5  }
0x14e: {  	v7 =	vld.idx.msk [tilespmem:v2+s8+$0x0], $0xffff  }
0x14f: {  	v5 =	vld.idx.msk [tilespmem:v1+s21+$0x0], $0xffff;
	_ =	sdelay $0x1  }
0x150: {  	s10 =	rddreg [dreg:$0x15];
	[tilespmem:s30+$0x800] =	vst.add.f32.msk $0xffff, v6  }
0x151: {  	s12 =	sld [smem:$0x7DE];
	v4 =	vshll.u32 v4, $0xA;
	v6 =	vld.idx.msk [tilespmem:v3+s10+$0x0], $0xffff  }
0x152: {  	s11 =	sld [smem:$0x7F1];
	[tilespmem:s29+$0x1030] =	vst.add.f32.msk $0xffff, v7;
	v4 =	vor.u32 v0, v4  }
0x153: {  	[tilespmem:s1+$0x1850] =	vst.add.f32.msk $0xffff, v5  }
0x154: {  	v7 =	vld.idx.msk [tilespmem:v2+s12+$0x0], $0xffff  }
0x155: {  	v5 =	vld.idx.msk [tilespmem:v1+s11+$0x0], $0xffff  }
0x156: {  	s15 =	rddreg [dreg:$0x16];
	[tilespmem:s30+$0x810] =	vst.add.f32.msk $0xffff, v6  }
0x157: {  	v8 =	vld.idx.msk [tilespmem:v4+s14+$0x0], $0xffff  }
0x158: {  	s17 =	sld [smem:$0x7DF];
	v6 =	vld.idx.msk [tilespmem:v3+s15+$0x0], $0xffff  }
0x159: {  	s19 =	simm.s32 $0xC00;
	s16 =	sld [smem:$0x7F2];
	[tilespmem:s29+$0x1040] =	vst.add.f32.msk $0xffff, v7  }
0x15a: {  	s20 =	simm.s32 $0x180;
	s8 =	sand.u32 $0x2000, s19;
	[tilespmem:s1+$0x1860] =	vst.add.f32.msk $0xffff, v5  }
0x15b: {  	s6 =	sand.u32 $0x380, s20;
	s8 =	sadd.s32 s8, s26;
	v7 =	vld.idx.msk [tilespmem:v2+s17+$0x0], $0xffff  }
0x15c: {  	s31 =	sadd.s32 s6, s8;
	v5 =	vld.idx.msk [tilespmem:v1+s16+$0x0], $0xffff  }
0x15d: {  	s21 =	rddreg [dreg:$0x5];
	[tilespmem:s31+$0x0] =	vst.add.f32.msk $0xffff, v8  }
0x15e: {  	s18 =	rddreg [dreg:$0x17];
	[tilespmem:s30+$0x820] =	vst.add.f32.msk $0xffff, v6  }
0x15f: {  	v6 =	vld.idx.msk [tilespmem:v3+s18+$0x0], $0xffff  }
0x160: {  	s4 =	sld [smem:$0x7E0];
	[tilespmem:s29+$0x1050] =	vst.add.f32.msk $0xffff, v7  }
0x161: {  	[tilespmem:s1+$0x1870] =	vst.add.f32.msk $0xffff, v5  }
0x162: {  	v5 =	vld.idx.msk [tilespmem:v4+s21+$0x0], $0xffff;
	s8 =	sld [smem:$0x7F4]  }
0x163: {  	v7 =	vld.idx.msk [tilespmem:v2+s4+$0x0], $0xffff  }
0x164: {  	s6 =	rddreg [dreg:$0x18];
	[tilespmem:s30+$0x830] =	vst.add.f32.msk $0xffff, v6  }
0x165: {  	v8 =	vld.idx.msk [tilespmem:v1+s8+$0x0], $0xffff  }
0x166: {  	s12 =	sand.u32 $0x7, s28;
	s10 =	rddreg [dreg:$0x6];
	v6 =	vld.idx.msk [tilespmem:v3+s6+$0x0], $0xffff  }
0x167: {  	s11 =	sld [smem:$0x7E1];
	s1 =	sshll.u32 s12, $0x7;
	[tilespmem:s31+$0x10] =	vst.add.f32.msk $0xffff, v5  }
0x168: {  	s1 =	sadd.s32 $0x0, s1;
	[tilespmem:s29+$0x1060] =	vst.add.f32.msk $0xffff, v7  }
0x169: {  	s16 =	sor.u32 $0x1C00, s1;
	v5 =	vld.idx.msk [tilespmem:v4+s10+$0x0], $0xffff  }
0x16a: {  	s4 =	sadd.s32 s16, s26;
	v7 =	vld.idx.msk [tilespmem:v2+s11+$0x0], $0xffff  }
0x16b: {  	[tilespmem:s4+$0x0] =	vst.add.f32.msk $0xffff, v8  }
0x16c: {  	s15 =	rddreg [dreg:$0x19];
	[tilespmem:s30+$0x840] =	vst.add.f32.msk $0xffff, v6  }
0x16d: {  	s17 =	rddreg [dreg:$0x7];
	v6 =	vld.idx.msk [tilespmem:v3+s15+$0x0], $0xffff  }
0x16e: {  	s18 =	sld [smem:$0x7E2];
	[tilespmem:s31+$0x20] =	vst.add.f32.msk $0xffff, v5  }
0x16f: {  	s20 =	sld [smem:$0x7F6];
	[tilespmem:s29+$0x1070] =	vst.add.f32.msk $0xffff, v7  }
0x170: {  	v5 =	vld.idx.msk [tilespmem:v4+s17+$0x0], $0xffff  }
0x171: {  	v7 =	vld.idx.msk [tilespmem:v2+s18+$0x0], $0xffff  }
0x172: {  	v8 =	vld.idx.msk [tilespmem:v1+s20+$0x0], $0xffff  }
0x173: {  	s19 =	rddreg [dreg:$0x1a];
	[tilespmem:s30+$0x850] =	vst.add.f32.msk $0xffff, v6  }
0x174: {  	s21 =	rddreg [dreg:$0x8];
	v6 =	vld.idx.msk [tilespmem:v3+s19+$0x0], $0xffff  }
0x175: {  	s6 =	sld [smem:$0x7E3];
	[tilespmem:s31+$0x30] =	vst.add.f32.msk $0xffff, v5  }
0x176: {  	[tilespmem:s29+$0x1400] =	vst.add.f32.msk $0xffff, v7  }
0x177: {  	s10 =	sor.u32 $0x1C10, s1;
	v5 =	vld.idx.msk [tilespmem:v4+s21+$0x0], $0xffff  }
0x178: {  	s4 =	sadd.s32 s10, s26;
	v7 =	vld.idx.msk [tilespmem:v2+s6+$0x0], $0xffff  }
0x179: {  	[tilespmem:s4+$0x0] =	vst.add.f32.msk $0xffff, v8  }
0x17a: {  	s8 =	rddreg [dreg:$0x1b];
	[tilespmem:s30+$0x860] =	vst.add.f32.msk $0xffff, v6  }
0x17b: {  	s11 =	rddreg [dreg:$0x9];
	v6 =	vld.idx.msk [tilespmem:v3+s8+$0x0], $0xffff  }
0x17c: {  	s12 =	sld [smem:$0x7E4];
	[tilespmem:s31+$0x40] =	vst.add.f32.msk $0xffff, v5  }
0x17d: {  	s16 =	sld [smem:$0x7F8];
	[tilespmem:s29+$0x1410] =	vst.add.f32.msk $0xffff, v7  }
0x17e: {  	v5 =	vld.idx.msk [tilespmem:v4+s11+$0x0], $0xffff  }
0x17f: {  	v7 =	vld.idx.msk [tilespmem:v2+s12+$0x0], $0xffff  }
0x180: {  	v8 =	vld.idx.msk [tilespmem:v1+s16+$0x0], $0xffff  }
0x181: {  	s15 =	rddreg [dreg:$0x1c];
	[tilespmem:s30+$0x870] =	vst.add.f32.msk $0xffff, v6  }
0x182: {  	s17 =	rddreg [dreg:$0xa];
	v6 =	vld.idx.msk [tilespmem:v3+s15+$0x0], $0xffff  }
0x183: {  	s18 =	sld [smem:$0x7E5];
	[tilespmem:s31+$0x50] =	vst.add.f32.msk $0xffff, v5  }
0x184: {  	[tilespmem:s29+$0x1420] =	vst.add.f32.msk $0xffff, v7  }
0x185: {  	s20 =	sor.u32 $0x1C20, s1;
	v5 =	vld.idx.msk [tilespmem:v4+s17+$0x0], $0xffff  }
0x186: {  	s4 =	sadd.s32 s20, s26;
	v7 =	vld.idx.msk [tilespmem:v2+s18+$0x0], $0xffff  }
0x187: {  	[tilespmem:s4+$0x0] =	vst.add.f32.msk $0xffff, v8  }
0x188: {  	s19 =	rddreg [dreg:$0x1d];
	[tilespmem:s30+$0xC00] =	vst.add.f32.msk $0xffff, v6  }
0x189: {  	s21 =	rddreg [dreg:$0xb];
	v6 =	vld.idx.msk [tilespmem:v3+s19+$0x0], $0xffff  }
0x18a: {  	s6 =	sld [smem:$0x7E6];
	[tilespmem:s31+$0x60] =	vst.add.f32.msk $0xffff, v5  }
0x18b: {  	s10 =	sld [smem:$0x7F9];
	[tilespmem:s29+$0x1430] =	vst.add.f32.msk $0xffff, v7  }
0x18c: {  	v5 =	vld.idx.msk [tilespmem:v4+s21+$0x0], $0xffff  }
0x18d: {  	v7 =	vld.idx.msk [tilespmem:v2+s6+$0x0], $0xffff  }
0x18e: {  	v8 =	vld.idx.msk [tilespmem:v1+s10+$0x0], $0xffff  }
0x18f: {  	s8 =	rddreg [dreg:$0x1e];
	[tilespmem:s30+$0xC10] =	vst.add.f32.msk $0xffff, v6  }
0x190: {  	s11 =	rddreg [dreg:$0xc];
	v6 =	vld.idx.msk [tilespmem:v3+s8+$0x0], $0xffff  }
0x191: {  	s12 =	sld [smem:$0x7E7];
	[tilespmem:s31+$0x70] =	vst.add.f32.msk $0xffff, v5  }
0x192: {  	[tilespmem:s29+$0x1440] =	vst.add.f32.msk $0xffff, v7  }
0x193: {  	s16 =	sor.u32 $0x1C30, s1;
	v5 =	vld.idx.msk [tilespmem:v4+s11+$0x0], $0xffff  }
0x194: {  	s4 =	sadd.s32 s16, s26;
	v7 =	vld.idx.msk [tilespmem:v2+s12+$0x0], $0xffff  }
0x195: {  	[tilespmem:s4+$0x0] =	vst.add.f32.msk $0xffff, v8  }
0x196: {  	s15 =	rddreg [dreg:$0x1f];
	[tilespmem:s30+$0xC20] =	vst.add.f32.msk $0xffff, v6  }
0x197: {  	s17 =	rddreg [dreg:$0xd];
	v6 =	vld.idx.msk [tilespmem:v3+s15+$0x0], $0xffff  }
0x198: {  	s18 =	sld [smem:$0x7E8];
	[tilespmem:s31+$0x400] =	vst.add.f32.msk $0xffff, v5  }
0x199: {  	s20 =	sld [smem:$0x7FA];
	[tilespmem:s29+$0x1450] =	vst.add.f32.msk $0xffff, v7  }
0x19a: {  	v5 =	vld.idx.msk [tilespmem:v4+s17+$0x0], $0xffff  }
0x19b: {  	s19 =	sld [smem:$0x7D6];
	v7 =	vld.idx.msk [tilespmem:v2+s18+$0x0], $0xffff  }
0x19c: {  	v8 =	vld.idx.msk [tilespmem:v1+s20+$0x0], $0xffff  }
0x19d: {  	[tilespmem:s30+$0xC30] =	vst.add.f32.msk $0xffff, v6  }
0x19e: {  	s21 =	rddreg [dreg:$0xe];
	v6 =	vld.idx.msk [tilespmem:v3+s19+$0x0], $0xffff  }
0x19f: {  	s6 =	sld [smem:$0x7E9];
	[tilespmem:s31+$0x410] =	vst.add.f32.msk $0xffff, v5  }
0x1a0: {  	[tilespmem:s29+$0x1460] =	vst.add.f32.msk $0xffff, v7  }
0x1a1: {  	s10 =	sor.u32 $0x1C40, s1;
	v5 =	vld.idx.msk [tilespmem:v4+s21+$0x0], $0xffff  }
0x1a2: {  	s4 =	sadd.s32 s10, s26;
	s8 =	sld [smem:$0x7D7];
	v7 =	vld.idx.msk [tilespmem:v2+s6+$0x0], $0xffff  }
0x1a3: {  	[tilespmem:s4+$0x0] =	vst.add.f32.msk $0xffff, v8  }
0x1a4: {  	[tilespmem:s30+$0xC40] =	vst.add.f32.msk $0xffff, v6  }
0x1a5: {  	s11 =	rddreg [dreg:$0xf];
	v6 =	vld.idx.msk [tilespmem:v3+s8+$0x0], $0xffff  }
0x1a6: {  	s12 =	sld [smem:$0x7EA];
	[tilespmem:s31+$0x420] =	vst.add.f32.msk $0xffff, v5  }
0x1a7: {  	s16 =	sld [smem:$0x7FB];
	[tilespmem:s29+$0x1470] =	vst.add.f32.msk $0xffff, v7  }
0x1a8: {  	v5 =	vld.idx.msk [tilespmem:v4+s11+$0x0], $0xffff  }
0x1a9: {  	s15 =	sld [smem:$0x7D8];
	v7 =	vld.idx.msk [tilespmem:v2+s12+$0x0], $0xffff  }
0x1aa: {  	v8 =	vld.idx.msk [tilespmem:v1+s16+$0x0], $0xffff  }
0x1ab: {  	[tilespmem:s30+$0xC50] =	vst.add.f32.msk $0xffff, v6  }
0x1ac: {  	s17 =	rddreg [dreg:$0x10];
	v6 =	vld.idx.msk [tilespmem:v3+s15+$0x0], $0xffff  }
0x1ad: {  	s18 =	sld [smem:$0x7EB];
	[tilespmem:s31+$0x430] =	vst.add.f32.msk $0xffff, v5  }
0x1ae: {  	[tilespmem:s29+$0x1800] =	vst.add.f32.msk $0xffff, v7  }
0x1af: {  	s20 =	sor.u32 $0x1C50, s1;
	v5 =	vld.idx.msk [tilespmem:v4+s17+$0x0], $0xffff  }
0x1b0: {  	s4 =	sadd.s32 s20, s26;
	s19 =	sld [smem:$0x7D9];
	v7 =	vld.idx.msk [tilespmem:v2+s18+$0x0], $0xffff  }
0x1b1: {  	[tilespmem:s4+$0x0] =	vst.add.f32.msk $0xffff, v8  }
0x1b2: {  	[tilespmem:s30+$0xC60] =	vst.add.f32.msk $0xffff, v6  }
0x1b3: {  	s21 =	rddreg [dreg:$0x11];
	v6 =	vld.idx.msk [tilespmem:v3+s19+$0x0], $0xffff  }
0x1b4: {  	s10 =	sld [smem:$0x7EC];
	[tilespmem:s31+$0x440] =	vst.add.f32.msk $0xffff, v5  }
0x1b5: {  	s12 =	sld [smem:$0x7FC];
	[tilespmem:s29+$0x1810] =	vst.add.f32.msk $0xffff, v7  }
0x1b6: {  	v5 =	vld.idx.msk [tilespmem:v4+s21+$0x0], $0xffff  }
0x1b7: {  	s11 =	sld [smem:$0x7DA];
	v7 =	vld.idx.msk [tilespmem:v2+s10+$0x0], $0xffff  }
0x1b8: {  	v8 =	vld.idx.msk [tilespmem:v1+s12+$0x0], $0xffff  }
0x1b9: {  	[tilespmem:s30+$0xC70] =	vst.add.f32.msk $0xffff, v6  }
0x1ba: {  	s15 =	rddreg [dreg:$0x12];
	v6 =	vld.idx.msk [tilespmem:v3+s11+$0x0], $0xffff  }
0x1bb: {  	s16 =	sld [smem:$0x7ED];
	[tilespmem:s31+$0x450] =	vst.add.f32.msk $0xffff, v5  }
0x1bc: {  	[tilespmem:s29+$0x1820] =	vst.add.f32.msk $0xffff, v7  }
0x1bd: {  	s18 =	sor.u32 $0x1C60, s1;
	v5 =	vld.idx.msk [tilespmem:v4+s15+$0x0], $0xffff  }
0x1be: {  	s4 =	sadd.s32 s18, s26;
	s17 =	sld [smem:$0x7DB];
	v7 =	vld.idx.msk [tilespmem:v2+s16+$0x0], $0xffff  }
0x1bf: {  	[tilespmem:s4+$0x0] =	vst.add.f32.msk $0xffff, v8  }
0x1c0: {  	[tilespmem:s30+$0x1000] =	vst.add.f32.msk $0xffff, v6  }
0x1c1: {  	s19 =	rddreg [dreg:$0x13];
	v6 =	vld.idx.msk [tilespmem:v3+s17+$0x0], $0xffff  }
0x1c2: {  	s20 =	sld [smem:$0x7EE];
	[tilespmem:s31+$0x460] =	vst.add.f32.msk $0xffff, v5  }
0x1c3: {  	[tilespmem:s29+$0x1830] =	vst.add.f32.msk $0xffff, v7  }
0x1c4: {  	p0 =	seq.s32 s0, $0x7;
	s21 =	sld [smem:$0x7DC];
	v9 =	vld.idx.msk [tilespmem:v4+s19+$0x0], $0xffff  }
0x1c5: {  	s0 =	simm.s32 @p0 $0x0;
	s7 =	sadd.s32 $0x1, s7;
	s12 =	simm.s32 $0xFFFFCC00;
	v7 =	vld.idx.msk [tilespmem:v2+s20+$0x0], $0xffff  }
0x1c6: {  	s1 =	sor.u32 $0x1C70, s1;
	s4 =	sshll.u32 s24, $0x4;
	s10 =	sld [smem:$0x7FD];
	[tilespmem:s30+$0x1010] =	vst.add.f32.msk $0xffff, v6  }
0x1c7: {  	s11 =	simm.s32 $0x0;
	s15 =	simm.s32 $0x200;
	v5 =	vmov v3;
	s6 =	rddreg [dreg:$0x14];
	v6 =	vmov v2;
	v8 =	vld.idx.msk [tilespmem:v3+s21+$0x0], $0xffff  }
.LBB2_3:
0x1c8: {  	v10 =	vmov v3;
	v3 =	vmov v4;
	_ =	sdelay $0x2  }
0x1c9: {  	v11 =	vld.idx.msk [tilespmem:v1+s10+$0x0], $0xffff  }
0x1ca: {  	v4 =	vmov s7;
	s18 =	sld [smem:$0x7EF];
	[tilespmem:s31+$0x470] =	vst.add.f32.msk $0xffff, v9  }
0x1cb: {  	v1 =	vmov v2;
	v2 =	vmov v5;
	v9 =	vld.idx.msk [tilespmem:v3+s6+$0x0], $0xffff  }
0x1cc: {  	[tilespmem:s29+$0x1840] =	vst.add.f32.msk $0xffff, v7  }
0x1cd: {  	s19 =	sld [smem:$0x7DD];
	v7 =	vld.idx.msk [tilespmem:v6+s18+$0x0], $0xffff  }
0x1ce: {  	[tilespmem:s30+$0x1020] =	vst.add.f32.msk $0xffff, v8  }
0x1cf: {  	v4 =	vld.idx.msk [tilespmem:v4+s3+$0x0], $0xffff  }
0x1d0: {  	s20 =	rddreg [dreg:$0x15];
	v8 =	vld.idx.msk [tilespmem:v2+s19+$0x0], $0xffff  }
0x1d1: {  	s21 =	sld [smem:$0x7F1];
	[tilespmem:s31+$0x800] =	vst.add.f32.msk $0xffff, v9  }
0x1d2: {  	v9 =	vld.idx.msk [tilespmem:v3+s20+$0x0], $0xffff  }
0x1d3: {  	[tilespmem:s29+$0x1850] =	vst.add.f32.msk $0xffff, v7  }
0x1d4: {  	s16 =	sld [smem:$0x7DE];
	s1 =	sadd.s32 s1, s26;
	v7 =	vld.idx.msk [tilespmem:v1+s21+$0x0], $0xffff  }
0x1d5: {  	[tilespmem:s1+$0x0] =	vst.add.f32.msk $0xffff, v11  }
0x1d6: {  	v4 =	vshll.u32 v4, $0xA;
	[tilespmem:s30+$0x1030] =	vst.add.f32.msk $0xffff, v8  }
0x1d7: {  	s17 =	rddreg [dreg:$0x16];
	v4 =	vor.u32 v0, v4;
	v8 =	vld.idx.msk [tilespmem:v2+s16+$0x0], $0xffff  }
0x1d8: {  	s18 =	sld [smem:$0x7F2];
	[tilespmem:s31+$0x810] =	vst.add.f32.msk $0xffff, v9  }
0x1d9: {  	v9 =	vld.idx.msk [tilespmem:v3+s17+$0x0], $0xffff  }
0x1da: {  	[tilespmem:s29+$0x1860] =	vst.add.f32.msk $0xffff, v7  }
0x1db: {  	v5 =	vmov v3;
	s19 =	sld [smem:$0x7DF];
	v7 =	vld.idx.msk [tilespmem:v1+s18+$0x0], $0xffff  }
0x1dc: {  	s12 =	sadd.s32 $0x400, s12;
	v6 =	vmov v10;
	v10 =	vld.idx.msk [tilespmem:v4+s14+$0x0], $0xffff  }
0x1dd: {  	s20 =	sadd.s32 $0x4000, s12;
	[tilespmem:s30+$0x1040] =	vst.add.f32.msk $0xffff, v8  }
0x1de: {  	s10 =	smov.u32 s15;
	s6 =	sand.u32 $0x2000, s20;
	v8 =	vld.idx.msk [tilespmem:v2+s19+$0x0], $0xffff  }
0x1df: {  	s10 =	sand.u32 $0x380, s10;
	s21 =	rddreg [dreg:$0x17];
	s6 =	sadd.s32 s6, s26;
	[tilespmem:s31+$0x820] =	vst.add.f32.msk $0xffff, v9  }
0x1e0: {  	s16 =	rddreg [dreg:$0x5];
	s6 =	sadd.s32 s10, s6;
	v9 =	vld.idx.msk [tilespmem:v5+s21+$0x0], $0xffff  }
0x1e1: {  	[tilespmem:s29+$0x1870] =	vst.add.f32.msk $0xffff, v7;
	s29 =	smov.u32 s30;
	s30 =	smov.u32 s31;
	s31 =	smov.u32 s6  }
0x1e2: {  	s10 =	sld [smem:$0x7E0];
	[tilespmem:s31+$0x0] =	vst.add.f32.msk $0xffff, v10  }
0x1e3: {  	v7 =	vld.idx.msk [tilespmem:v4+s16+$0x0], $0xffff  }
0x1e4: {  	[tilespmem:s29+$0x1050] =	vst.add.f32.msk $0xffff, v8  }
0x1e5: {  	s8 =	sadd.s32 $0x80, s15;
	p0 =	sne.s32 s15, $0x780;
	s15 =	sld [smem:$0x7F4];
	v8 =	vld.idx.msk [tilespmem:v2+s10+$0x0], $0xffff  }
0x1e6: {  	s16 =	rddreg [dreg:$0x18];
	[tilespmem:s30+$0x830] =	vst.add.f32.msk $0xffff, v9  }
0x1e7: {  	v9 =	vld.idx.msk [tilespmem:v5+s16+$0x0], $0xffff  }
0x1e8: {  	s17 =	rddreg [dreg:$0x6];
	v10 =	vld.idx.msk [tilespmem:v1+s15+$0x0], $0xffff  }
0x1e9: {  	s11 =	sadd.s32 $0x1, s11;
	s18 =	sld [smem:$0x7E1];
	[tilespmem:s31+$0x10] =	vst.add.f32.msk $0xffff, v7  }
0x1ea: {  	s19 =	sand.u32 $0x7, s11;
	v7 =	vld.idx.msk [tilespmem:v4+s17+$0x0], $0xffff  }
0x1eb: {  	s28 =	sadd.s32 $0x400, s28;
	s6 =	sshll.u32 s19, $0x7;
	[tilespmem:s29+$0x1060] =	vst.add.f32.msk $0xffff, v8  }
0x1ec: {  	s21 =	sadd.s32 s6, s28;
	v8 =	vld.idx.msk [tilespmem:v2+s18+$0x0], $0xffff  }
0x1ed: {  	s20 =	rddreg [dreg:$0x19];
	s6 =	sor.u32 $0x1C00, s21;
	[tilespmem:s30+$0x840] =	vst.add.f32.msk $0xffff, v9  }
0x1ee: {  	s6 =	sadd.s32 s6, s26;
	v9 =	vld.idx.msk [tilespmem:v5+s20+$0x0], $0xffff  }
0x1ef: {  	s19 =	rddreg [dreg:$0x7];
	[tilespmem:s6+$0x0] =	vst.add.f32.msk $0xffff, v10  }
0x1f0: {  	s20 =	sld [smem:$0x7E2];
	[tilespmem:s31+$0x20] =	vst.add.f32.msk $0xffff, v7  }
0x1f1: {  	v7 =	vld.idx.msk [tilespmem:v4+s19+$0x0], $0xffff  }
0x1f2: {  	[tilespmem:s29+$0x1070] =	vst.add.f32.msk $0xffff, v8  }
0x1f3: {  	v8 =	vld.idx.msk [tilespmem:v2+s20+$0x0], $0xffff;
	s20 =	sld [smem:$0x7F6]  }
0x1f4: {  	s1 =	sor.u32 $0x1C70, s21;
	s10 =	sor.u32 $0x1C60, s21;
	s19 =	rddreg [dreg:$0x1a];
	[tilespmem:s30+$0x850] =	vst.add.f32.msk $0xffff, v9  }
0x1f5: {  	s16 =	sor.u32 $0x1C30, s21;
	s15 =	sor.u32 $0x1C40, s21;
	s17 =	sor.u32 $0x1C20, s21;
	v9 =	vld.idx.msk [tilespmem:v5+s19+$0x0], $0xffff  }
0x1f6: {  	s18 =	sor.u32 $0x1C10, s21;
	s6 =	sor.u32 $0x1C50, s21;
	s21 =	rddreg [dreg:$0x8];
	v10 =	vld.idx.msk [tilespmem:v1+s20+$0x0], $0xffff  }
0x1f7: {  	s20 =	sld [smem:$0x7E3];
	[tilespmem:s31+$0x30] =	vst.add.f32.msk $0xffff, v7  }
0x1f8: {  	v7 =	vld.idx.msk [tilespmem:v4+s21+$0x0], $0xffff  }
0x1f9: {  	[tilespmem:s29+$0x1400] =	vst.add.f32.msk $0xffff, v8  }
0x1fa: {  	v8 =	vld.idx.msk [tilespmem:v2+s20+$0x0], $0xffff  }
0x1fb: {  	s21 =	rddreg [dreg:$0x1b];
	[tilespmem:s30+$0x860] =	vst.add.f32.msk $0xffff, v9  }
0x1fc: {  	s18 =	sadd.s32 s18, s26;
	v9 =	vld.idx.msk [tilespmem:v5+s21+$0x0], $0xffff  }
0x1fd: {  	s19 =	rddreg [dreg:$0x9];
	[tilespmem:s18+$0x0] =	vst.add.f32.msk $0xffff, v10  }
0x1fe: {  	s21 =	sld [smem:$0x7E4];
	[tilespmem:s31+$0x40] =	vst.add.f32.msk $0xffff, v7  }
0x1ff: {  	v7 =	vld.idx.msk [tilespmem:v4+s19+$0x0], $0xffff  }
0x200: {  	[tilespmem:s29+$0x1410] =	vst.add.f32.msk $0xffff, v8  }
0x201: {  	s20 =	sld [smem:$0x7F8];
	v8 =	vld.idx.msk [tilespmem:v2+s21+$0x0], $0xffff  }
0x202: {  	s19 =	rddreg [dreg:$0x1c];
	[tilespmem:s30+$0x870] =	vst.add.f32.msk $0xffff, v9  }
0x203: {  	v9 =	vld.idx.msk [tilespmem:v5+s19+$0x0], $0xffff  }
0x204: {  	s21 =	rddreg [dreg:$0xa];
	v10 =	vld.idx.msk [tilespmem:v1+s20+$0x0], $0xffff  }
0x205: {  	s19 =	sld [smem:$0x7E5];
	[tilespmem:s31+$0x50] =	vst.add.f32.msk $0xffff, v7  }
0x206: {  	v7 =	vld.idx.msk [tilespmem:v4+s21+$0x0], $0xffff  }
0x207: {  	[tilespmem:s29+$0x1420] =	vst.add.f32.msk $0xffff, v8  }
0x208: {  	v8 =	vld.idx.msk [tilespmem:v2+s19+$0x0], $0xffff  }
0x209: {  	s21 =	rddreg [dreg:$0x1d];
	[tilespmem:s30+$0xC00] =	vst.add.f32.msk $0xffff, v9  }
0x20a: {  	s17 =	sadd.s32 s17, s26;
	v9 =	vld.idx.msk [tilespmem:v5+s21+$0x0], $0xffff  }
0x20b: {  	s20 =	rddreg [dreg:$0xb];
	[tilespmem:s17+$0x0] =	vst.add.f32.msk $0xffff, v10  }
0x20c: {  	s21 =	sld [smem:$0x7E6];
	[tilespmem:s31+$0x60] =	vst.add.f32.msk $0xffff, v7  }
0x20d: {  	v7 =	vld.idx.msk [tilespmem:v4+s20+$0x0], $0xffff  }
0x20e: {  	[tilespmem:s29+$0x1430] =	vst.add.f32.msk $0xffff, v8  }
0x20f: {  	s20 =	sld [smem:$0x7F9];
	v8 =	vld.idx.msk [tilespmem:v2+s21+$0x0], $0xffff  }
0x210: {  	s19 =	rddreg [dreg:$0x1e];
	[tilespmem:s30+$0xC10] =	vst.add.f32.msk $0xffff, v9  }
0x211: {  	v9 =	vld.idx.msk [tilespmem:v5+s19+$0x0], $0xffff  }
0x212: {  	s18 =	sld [smem:$0x7E7];
	v10 =	vld.idx.msk [tilespmem:v1+s20+$0x0], $0xffff  }
0x213: {  	s21 =	rddreg [dreg:$0xc];
	[tilespmem:s31+$0x70] =	vst.add.f32.msk $0xffff, v7  }
0x214: {  	v7 =	vld.idx.msk [tilespmem:v4+s21+$0x0], $0xffff  }
0x215: {  	[tilespmem:s29+$0x1440] =	vst.add.f32.msk $0xffff, v8  }
0x216: {  	v8 =	vld.idx.msk [tilespmem:v2+s18+$0x0], $0xffff  }
0x217: {  	s20 =	rddreg [dreg:$0x1f];
	[tilespmem:s30+$0xC20] =	vst.add.f32.msk $0xffff, v9  }
0x218: {  	s16 =	sadd.s32 s16, s26;
	v9 =	vld.idx.msk [tilespmem:v5+s20+$0x0], $0xffff  }
0x219: {  	s21 =	rddreg [dreg:$0xd];
	[tilespmem:s16+$0x0] =	vst.add.f32.msk $0xffff, v10  }
0x21a: {  	s18 =	sld [smem:$0x7E8];
	[tilespmem:s31+$0x400] =	vst.add.f32.msk $0xffff, v7  }
0x21b: {  	v7 =	vld.idx.msk [tilespmem:v4+s21+$0x0], $0xffff  }
0x21c: {  	s19 =	sld [smem:$0x7D6];
	[tilespmem:s29+$0x1450] =	vst.add.f32.msk $0xffff, v8  }
0x21d: {  	s20 =	sld [smem:$0x7FA];
	v8 =	vld.idx.msk [tilespmem:v2+s18+$0x0], $0xffff  }
0x21e: {  	[tilespmem:s30+$0xC30] =	vst.add.f32.msk $0xffff, v9  }
0x21f: {  	v9 =	vld.idx.msk [tilespmem:v5+s19+$0x0], $0xffff  }
0x220: {  	s17 =	sld [smem:$0x7E9];
	v10 =	vld.idx.msk [tilespmem:v1+s20+$0x0], $0xffff  }
0x221: {  	s21 =	rddreg [dreg:$0xe];
	[tilespmem:s31+$0x410] =	vst.add.f32.msk $0xffff, v7  }
0x222: {  	v7 =	vld.idx.msk [tilespmem:v4+s21+$0x0], $0xffff  }
0x223: {  	s19 =	sld [smem:$0x7D7];
	[tilespmem:s29+$0x1460] =	vst.add.f32.msk $0xffff, v8  }
0x224: {  	v8 =	vld.idx.msk [tilespmem:v2+s17+$0x0], $0xffff  }
0x225: {  	[tilespmem:s30+$0xC40] =	vst.add.f32.msk $0xffff, v9  }
0x226: {  	s15 =	sadd.s32 s15, s26;
	v9 =	vld.idx.msk [tilespmem:v5+s19+$0x0], $0xffff  }
0x227: {  	s20 =	rddreg [dreg:$0xf];
	[tilespmem:s15+$0x0] =	vst.add.f32.msk $0xffff, v10  }
0x228: {  	s21 =	sld [smem:$0x7EA];
	[tilespmem:s31+$0x420] =	vst.add.f32.msk $0xffff, v7  }
0x229: {  	v7 =	vld.idx.msk [tilespmem:v4+s20+$0x0], $0xffff  }
0x22a: {  	s17 =	sld [smem:$0x7D8];
	[tilespmem:s29+$0x1470] =	vst.add.f32.msk $0xffff, v8  }
0x22b: {  	s18 =	sld [smem:$0x7FB];
	v8 =	vld.idx.msk [tilespmem:v2+s21+$0x0], $0xffff  }
0x22c: {  	[tilespmem:s30+$0xC50] =	vst.add.f32.msk $0xffff, v9  }
0x22d: {  	v9 =	vld.idx.msk [tilespmem:v5+s17+$0x0], $0xffff  }
0x22e: {  	s19 =	rddreg [dreg:$0x10];
	v10 =	vld.idx.msk [tilespmem:v1+s18+$0x0], $0xffff  }
0x22f: {  	s20 =	sld [smem:$0x7EB];
	[tilespmem:s31+$0x430] =	vst.add.f32.msk $0xffff, v7  }
0x230: {  	v7 =	vld.idx.msk [tilespmem:v4+s19+$0x0], $0xffff  }
0x231: {  	s21 =	sld [smem:$0x7D9];
	[tilespmem:s29+$0x1800] =	vst.add.f32.msk $0xffff, v8  }
0x232: {  	v8 =	vld.idx.msk [tilespmem:v2+s20+$0x0], $0xffff  }
0x233: {  	[tilespmem:s30+$0xC60] =	vst.add.f32.msk $0xffff, v9  }
0x234: {  	s6 =	sadd.s32 s6, s26;
	v9 =	vld.idx.msk [tilespmem:v5+s21+$0x0], $0xffff  }
0x235: {  	s17 =	rddreg [dreg:$0x11];
	[tilespmem:s6+$0x0] =	vst.add.f32.msk $0xffff, v10  }
0x236: {  	s18 =	sld [smem:$0x7EC];
	[tilespmem:s31+$0x440] =	vst.add.f32.msk $0xffff, v7  }
0x237: {  	v7 =	vld.idx.msk [tilespmem:v4+s17+$0x0], $0xffff  }
0x238: {  	s19 =	sld [smem:$0x7DA];
	[tilespmem:s29+$0x1810] =	vst.add.f32.msk $0xffff, v8  }
0x239: {  	s20 =	sld [smem:$0x7FC];
	v8 =	vld.idx.msk [tilespmem:v2+s18+$0x0], $0xffff  }
0x23a: {  	[tilespmem:s30+$0xC70] =	vst.add.f32.msk $0xffff, v9  }
0x23b: {  	v9 =	vld.idx.msk [tilespmem:v5+s19+$0x0], $0xffff  }
0x23c: {  	s21 =	rddreg [dreg:$0x12];
	v10 =	vld.idx.msk [tilespmem:v1+s20+$0x0], $0xffff  }
0x23d: {  	s17 =	sld [smem:$0x7ED];
	[tilespmem:s31+$0x450] =	vst.add.f32.msk $0xffff, v7  }
0x23e: {  	v7 =	vld.idx.msk [tilespmem:v4+s21+$0x0], $0xffff  }
0x23f: {  	s18 =	sld [smem:$0x7DB];
	[tilespmem:s29+$0x1820] =	vst.add.f32.msk $0xffff, v8  }
0x240: {  	v8 =	vld.idx.msk [tilespmem:v2+s17+$0x0], $0xffff  }
0x241: {  	[tilespmem:s30+$0x1000] =	vst.add.f32.msk $0xffff, v9  }
0x242: {  	s10 =	sadd.s32 s10, s26;
	v11 =	vld.idx.msk [tilespmem:v5+s18+$0x0], $0xffff  }
0x243: {  	s19 =	rddreg [dreg:$0x13];
	[tilespmem:s10+$0x0] =	vst.add.f32.msk $0xffff, v10  }
0x244: {  	s20 =	sld [smem:$0x7EE];
	[tilespmem:s31+$0x460] =	vst.add.f32.msk $0xffff, v7  }
.Ltmp0:
0x245: {  	v9 =	vld.idx.msk [tilespmem:v4+s19+$0x0], $0xffff;
	(pc) =	sbr.rel @p0 .LBB2_3-.Ltmp0, $4  }
0x246: {  	s21 =	sld [smem:$0x7DC];
	[tilespmem:s29+$0x1830] =	vst.add.f32.msk $0xffff, v8  }
0x247: {  	v7 =	vld.idx.msk [tilespmem:v2+s20+$0x0], $0xffff  }
0x248: {  	s6 =	rddreg [dreg:$0x14];
	[tilespmem:s30+$0x1010] =	vst.add.f32.msk $0xffff, v11  }
0x249: {  	s7 =	sadd.s32 $0x1, s7;
	s15 =	smov.u32 s8;
	s10 =	sld [smem:$0x7FD];
	v8 =	vld.idx.msk [tilespmem:v5+s21+$0x0], $0xffff  }
0x24a: {  	_ =	sdelay $0x2  }
0x24b: {  	[tilespmem:s31+$0x470] =	vst.add.f32.msk $0xffff, v9  }
0x24c: {  	v9 =	vld.idx.msk [tilespmem:v4+s6+$0x0], $0xffff;
	_ =	sdelay $0x4  }
0x24d: {  	s17 =	rddreg [dreg:$0x15];
	[tilespmem:s31+$0x800] =	vst.add.f32.msk $0xffff, v9  }
0x24e: {  	v9 =	vld.idx.msk [tilespmem:v4+s17+$0x0], $0xffff;
	_ =	sdelay $0x4  }
0x24f: {  	s18 =	rddreg [dreg:$0x16];
	[tilespmem:s31+$0x810] =	vst.add.f32.msk $0xffff, v9  }
0x250: {  	v9 =	vld.idx.msk [tilespmem:v4+s18+$0x0], $0xffff;
	_ =	sdelay $0x4  }
0x251: {  	s19 =	rddreg [dreg:$0x17];
	[tilespmem:s31+$0x820] =	vst.add.f32.msk $0xffff, v9  }
0x252: {  	v9 =	vld.idx.msk [tilespmem:v4+s19+$0x0], $0xffff;
	_ =	sdelay $0x4  }
0x253: {  	s20 =	rddreg [dreg:$0x18];
	[tilespmem:s31+$0x830] =	vst.add.f32.msk $0xffff, v9  }
0x254: {  	v9 =	vld.idx.msk [tilespmem:v4+s20+$0x0], $0xffff;
	_ =	sdelay $0x4  }
0x255: {  	s21 =	rddreg [dreg:$0x19];
	[tilespmem:s31+$0x840] =	vst.add.f32.msk $0xffff, v9  }
0x256: {  	v9 =	vld.idx.msk [tilespmem:v4+s21+$0x0], $0xffff;
	_ =	sdelay $0x4  }
0x257: {  	s7 =	rddreg [dreg:$0x1a];
	[tilespmem:s31+$0x850] =	vst.add.f32.msk $0xffff, v9  }
0x258: {  	v9 =	vld.idx.msk [tilespmem:v4+s7+$0x0], $0xffff;
	_ =	sdelay $0x4  }
0x259: {  	s8 =	rddreg [dreg:$0x1b];
	[tilespmem:s31+$0x860] =	vst.add.f32.msk $0xffff, v9  }
0x25a: {  	v9 =	vld.idx.msk [tilespmem:v4+s8+$0x0], $0xffff;
	_ =	sdelay $0x4  }
0x25b: {  	s12 =	rddreg [dreg:$0x1c];
	[tilespmem:s31+$0x870] =	vst.add.f32.msk $0xffff, v9  }
0x25c: {  	v9 =	vld.idx.msk [tilespmem:v4+s12+$0x0], $0xffff;
	_ =	sdelay $0x4  }
0x25d: {  	s15 =	rddreg [dreg:$0x1d];
	[tilespmem:s31+$0xC00] =	vst.add.f32.msk $0xffff, v9  }
0x25e: {  	v9 =	vld.idx.msk [tilespmem:v4+s15+$0x0], $0xffff;
	_ =	sdelay $0x4  }
0x25f: {  	s16 =	rddreg [dreg:$0x1e];
	[tilespmem:s31+$0xC10] =	vst.add.f32.msk $0xffff, v9  }
0x260: {  	v9 =	vld.idx.msk [tilespmem:v4+s16+$0x0], $0xffff;
	_ =	sdelay $0x4  }
0x261: {  	s17 =	rddreg [dreg:$0x1f];
	[tilespmem:s31+$0xC20] =	vst.add.f32.msk $0xffff, v9  }
0x262: {  	v9 =	vld.idx.msk [tilespmem:v4+s17+$0x0], $0xffff;
	_ =	sdelay $0x2  }
0x263: {  	s18 =	sld [smem:$0x7D6];
	_ =	sdelay $0x1  }
0x264: {  	[tilespmem:s31+$0xC30] =	vst.add.f32.msk $0xffff, v9  }
0x265: {  	v9 =	vld.idx.msk [tilespmem:v4+s18+$0x0], $0xffff;
	_ =	sdelay $0x2  }
0x266: {  	s19 =	sld [smem:$0x7D7];
	_ =	sdelay $0x1  }
0x267: {  	[tilespmem:s31+$0xC40] =	vst.add.f32.msk $0xffff, v9  }
0x268: {  	v9 =	vld.idx.msk [tilespmem:v4+s19+$0x0], $0xffff;
	_ =	sdelay $0x2  }
0x269: {  	s20 =	sld [smem:$0x7D8];
	_ =	sdelay $0x1  }
0x26a: {  	[tilespmem:s31+$0xC50] =	vst.add.f32.msk $0xffff, v9  }
0x26b: {  	v9 =	vld.idx.msk [tilespmem:v4+s20+$0x0], $0xffff;
	_ =	sdelay $0x2  }
0x26c: {  	s21 =	sld [smem:$0x7D9];
	_ =	sdelay $0x1  }
0x26d: {  	[tilespmem:s31+$0xC60] =	vst.add.f32.msk $0xffff, v9  }
0x26e: {  	v9 =	vld.idx.msk [tilespmem:v4+s21+$0x0], $0xffff;
	_ =	sdelay $0x2  }
0x26f: {  	s7 =	sld [smem:$0x7DA];
	_ =	sdelay $0x1  }
0x270: {  	[tilespmem:s31+$0xC70] =	vst.add.f32.msk $0xffff, v9  }
0x271: {  	v9 =	vld.idx.msk [tilespmem:v4+s7+$0x0], $0xffff;
	_ =	sdelay $0x2  }
0x272: {  	s8 =	sld [smem:$0x7DB];
	_ =	sdelay $0x1  }
0x273: {  	[tilespmem:s31+$0x1000] =	vst.add.f32.msk $0xffff, v9  }
0x274: {  	v9 =	vld.idx.msk [tilespmem:v4+s8+$0x0], $0xffff;
	_ =	sdelay $0x2  }
0x275: {  	s12 =	sld [smem:$0x7DC];
	_ =	sdelay $0x1  }
0x276: {  	[tilespmem:s31+$0x1010] =	vst.add.f32.msk $0xffff, v9  }
0x277: {  	s15 =	sld [smem:$0x7DD];
	v9 =	vld.idx.msk [tilespmem:v4+s12+$0x0], $0xffff;
	_ =	sdelay $0x1  }
0x278: {  	[tilespmem:s30+$0x1020] =	vst.add.f32.msk $0xffff, v8  }
0x279: {  	v8 =	vld.idx.msk [tilespmem:v5+s15+$0x0], $0xffff;
	s7 =	sld [smem:$0x7DD];
	_ =	sdelay $0x1  }
0x27a: {  	[tilespmem:s31+$0x1020] =	vst.add.f32.msk $0xffff, v9  }
0x27b: {  	s16 =	sld [smem:$0x7DE];
	v9 =	vld.idx.msk [tilespmem:v4+s7+$0x0], $0xffff;
	_ =	sdelay $0x1  }
0x27c: {  	[tilespmem:s30+$0x1030] =	vst.add.f32.msk $0xffff, v8  }
0x27d: {  	v8 =	vld.idx.msk [tilespmem:v5+s16+$0x0], $0xffff;
	s17 =	sld [smem:$0x7DE];
	_ =	sdelay $0x1  }
0x27e: {  	[tilespmem:s31+$0x1030] =	vst.add.f32.msk $0xffff, v9  }
0x27f: {  	s18 =	sld [smem:$0x7DF];
	v9 =	vld.idx.msk [tilespmem:v4+s17+$0x0], $0xffff;
	_ =	sdelay $0x1  }
0x280: {  	[tilespmem:s30+$0x1040] =	vst.add.f32.msk $0xffff, v8  }
0x281: {  	v8 =	vld.idx.msk [tilespmem:v5+s18+$0x0], $0xffff;
	s19 =	sld [smem:$0x7DF];
	_ =	sdelay $0x1  }
0x282: {  	[tilespmem:s31+$0x1040] =	vst.add.f32.msk $0xffff, v9  }
0x283: {  	s20 =	sld [smem:$0x7E0];
	v9 =	vld.idx.msk [tilespmem:v4+s19+$0x0], $0xffff;
	_ =	sdelay $0x1  }
0x284: {  	[tilespmem:s30+$0x1050] =	vst.add.f32.msk $0xffff, v8  }
0x285: {  	v8 =	vld.idx.msk [tilespmem:v5+s20+$0x0], $0xffff;
	s21 =	sld [smem:$0x7E0];
	_ =	sdelay $0x1  }
0x286: {  	[tilespmem:s31+$0x1050] =	vst.add.f32.msk $0xffff, v9  }
0x287: {  	s7 =	sld [smem:$0x7E1];
	v9 =	vld.idx.msk [tilespmem:v4+s21+$0x0], $0xffff;
	_ =	sdelay $0x1  }
0x288: {  	[tilespmem:s30+$0x1060] =	vst.add.f32.msk $0xffff, v8  }
0x289: {  	v8 =	vld.idx.msk [tilespmem:v5+s7+$0x0], $0xffff;
	s8 =	sld [smem:$0x7E1];
	_ =	sdelay $0x1  }
0x28a: {  	[tilespmem:s31+$0x1060] =	vst.add.f32.msk $0xffff, v9  }
0x28b: {  	s12 =	sld [smem:$0x7E2];
	v9 =	vld.idx.msk [tilespmem:v4+s8+$0x0], $0xffff;
	_ =	sdelay $0x1  }
0x28c: {  	[tilespmem:s30+$0x1070] =	vst.add.f32.msk $0xffff, v8  }
0x28d: {  	v8 =	vld.idx.msk [tilespmem:v5+s12+$0x0], $0xffff;
	s15 =	sld [smem:$0x7E2];
	_ =	sdelay $0x1  }
0x28e: {  	[tilespmem:s31+$0x1070] =	vst.add.f32.msk $0xffff, v9  }
0x28f: {  	s16 =	sld [smem:$0x7E3];
	v9 =	vld.idx.msk [tilespmem:v4+s15+$0x0], $0xffff;
	_ =	sdelay $0x1  }
0x290: {  	[tilespmem:s30+$0x1400] =	vst.add.f32.msk $0xffff, v8  }
0x291: {  	v8 =	vld.idx.msk [tilespmem:v5+s16+$0x0], $0xffff;
	s17 =	sld [smem:$0x7E3];
	_ =	sdelay $0x1  }
0x292: {  	[tilespmem:s31+$0x1400] =	vst.add.f32.msk $0xffff, v9  }
0x293: {  	s18 =	sld [smem:$0x7E4];
	v9 =	vld.idx.msk [tilespmem:v4+s17+$0x0], $0xffff;
	_ =	sdelay $0x1  }
0x294: {  	[tilespmem:s30+$0x1410] =	vst.add.f32.msk $0xffff, v8  }
0x295: {  	v8 =	vld.idx.msk [tilespmem:v5+s18+$0x0], $0xffff;
	s19 =	sld [smem:$0x7E4];
	_ =	sdelay $0x1  }
0x296: {  	[tilespmem:s31+$0x1410] =	vst.add.f32.msk $0xffff, v9  }
0x297: {  	s20 =	sld [smem:$0x7E5];
	v9 =	vld.idx.msk [tilespmem:v4+s19+$0x0], $0xffff;
	_ =	sdelay $0x1  }
0x298: {  	[tilespmem:s30+$0x1420] =	vst.add.f32.msk $0xffff, v8  }
0x299: {  	v8 =	vld.idx.msk [tilespmem:v5+s20+$0x0], $0xffff;
	s21 =	sld [smem:$0x7E5];
	_ =	sdelay $0x1  }
0x29a: {  	[tilespmem:s31+$0x1420] =	vst.add.f32.msk $0xffff, v9  }
0x29b: {  	s7 =	sld [smem:$0x7E6];
	v9 =	vld.idx.msk [tilespmem:v4+s21+$0x0], $0xffff;
	_ =	sdelay $0x1  }
0x29c: {  	[tilespmem:s30+$0x1430] =	vst.add.f32.msk $0xffff, v8  }
0x29d: {  	v8 =	vld.idx.msk [tilespmem:v5+s7+$0x0], $0xffff;
	s8 =	sld [smem:$0x7E6];
	_ =	sdelay $0x1  }
0x29e: {  	[tilespmem:s31+$0x1430] =	vst.add.f32.msk $0xffff, v9  }
0x29f: {  	s12 =	sld [smem:$0x7E7];
	v9 =	vld.idx.msk [tilespmem:v4+s8+$0x0], $0xffff;
	_ =	sdelay $0x1  }
0x2a0: {  	[tilespmem:s30+$0x1440] =	vst.add.f32.msk $0xffff, v8  }
0x2a1: {  	v8 =	vld.idx.msk [tilespmem:v5+s12+$0x0], $0xffff;
	s15 =	sld [smem:$0x7E7];
	_ =	sdelay $0x1  }
0x2a2: {  	[tilespmem:s31+$0x1440] =	vst.add.f32.msk $0xffff, v9  }
0x2a3: {  	s16 =	sld [smem:$0x7E8];
	v9 =	vld.idx.msk [tilespmem:v4+s15+$0x0], $0xffff;
	_ =	sdelay $0x1  }
0x2a4: {  	[tilespmem:s30+$0x1450] =	vst.add.f32.msk $0xffff, v8  }
0x2a5: {  	v8 =	vld.idx.msk [tilespmem:v5+s16+$0x0], $0xffff;
	s17 =	sld [smem:$0x7E8];
	_ =	sdelay $0x1  }
0x2a6: {  	[tilespmem:s31+$0x1450] =	vst.add.f32.msk $0xffff, v9  }
0x2a7: {  	s18 =	sld [smem:$0x7E9];
	v9 =	vld.idx.msk [tilespmem:v4+s17+$0x0], $0xffff;
	_ =	sdelay $0x1  }
0x2a8: {  	[tilespmem:s30+$0x1460] =	vst.add.f32.msk $0xffff, v8  }
0x2a9: {  	v8 =	vld.idx.msk [tilespmem:v5+s18+$0x0], $0xffff;
	s19 =	sld [smem:$0x7E9];
	_ =	sdelay $0x1  }
0x2aa: {  	[tilespmem:s31+$0x1460] =	vst.add.f32.msk $0xffff, v9  }
0x2ab: {  	s20 =	sld [smem:$0x7EA];
	v9 =	vld.idx.msk [tilespmem:v4+s19+$0x0], $0xffff;
	_ =	sdelay $0x1  }
0x2ac: {  	[tilespmem:s30+$0x1470] =	vst.add.f32.msk $0xffff, v8  }
0x2ad: {  	v8 =	vld.idx.msk [tilespmem:v5+s20+$0x0], $0xffff;
	s21 =	sld [smem:$0x7EA];
	_ =	sdelay $0x1  }
0x2ae: {  	[tilespmem:s31+$0x1470] =	vst.add.f32.msk $0xffff, v9  }
0x2af: {  	s8 =	sld [smem:$0x7EB];
	v9 =	vld.idx.msk [tilespmem:v4+s21+$0x0], $0xffff;
	_ =	sdelay $0x1  }
0x2b0: {  	[tilespmem:s30+$0x1800] =	vst.add.f32.msk $0xffff, v8  }
0x2b1: {  	v8 =	vld.idx.msk [tilespmem:v5+s8+$0x0], $0xffff;
	s12 =	sld [smem:$0x7EB];
	_ =	sdelay $0x1  }
0x2b2: {  	[tilespmem:s31+$0x1800] =	vst.add.f32.msk $0xffff, v9  }
0x2b3: {  	s15 =	sld [smem:$0x7EC];
	v9 =	vld.idx.msk [tilespmem:v4+s12+$0x0], $0xffff;
	_ =	sdelay $0x1  }
0x2b4: {  	[tilespmem:s30+$0x1810] =	vst.add.f32.msk $0xffff, v8  }
0x2b5: {  	v8 =	vld.idx.msk [tilespmem:v5+s15+$0x0], $0xffff;
	s16 =	sld [smem:$0x7EC];
	_ =	sdelay $0x1  }
0x2b6: {  	[tilespmem:s31+$0x1810] =	vst.add.f32.msk $0xffff, v9  }
0x2b7: {  	s17 =	sld [smem:$0x7ED];
	v9 =	vld.idx.msk [tilespmem:v4+s16+$0x0], $0xffff;
	_ =	sdelay $0x1  }
0x2b8: {  	[tilespmem:s30+$0x1820] =	vst.add.f32.msk $0xffff, v8  }
0x2b9: {  	v8 =	vld.idx.msk [tilespmem:v5+s17+$0x0], $0xffff;
	s18 =	sld [smem:$0x7ED];
	_ =	sdelay $0x1  }
0x2ba: {  	[tilespmem:s31+$0x1820] =	vst.add.f32.msk $0xffff, v9  }
0x2bb: {  	s19 =	sld [smem:$0x7EE];
	v9 =	vld.idx.msk [tilespmem:v4+s18+$0x0], $0xffff  }
0x2bc: {  	s21 =	sld [smem:$0x7EF];
	[tilespmem:s29+$0x1840] =	vst.add.f32.msk $0xffff, v7  }
0x2bd: {  	[tilespmem:s30+$0x1830] =	vst.add.f32.msk $0xffff, v8  }
0x2be: {  	v8 =	vld.idx.msk [tilespmem:v5+s19+$0x0], $0xffff;
	s20 =	sld [smem:$0x7EE]  }
0x2bf: {  	v6 =	vld.idx.msk [tilespmem:v6+s21+$0x0], $0xffff  }
0x2c0: {  	[tilespmem:s31+$0x1830] =	vst.add.f32.msk $0xffff, v9  }
0x2c1: {  	s8 =	sld [smem:$0x7EF];
	v9 =	vld.idx.msk [tilespmem:v4+s20+$0x0], $0xffff;
	_ =	sdelay $0x1  }
0x2c2: {  	[tilespmem:s30+$0x1840] =	vst.add.f32.msk $0xffff, v8  }
0x2c3: {  	v3 =	vld.idx.msk [tilespmem:v3+s8+$0x0], $0xffff;
	s12 =	sld [smem:$0x7EF]  }
0x2c4: {  	s15 =	sld [smem:$0x7F1];
	[tilespmem:s29+$0x1850] =	vst.add.f32.msk $0xffff, v6  }
0x2c5: {  	[tilespmem:s31+$0x1840] =	vst.add.f32.msk $0xffff, v9  }
0x2c6: {  	s16 =	sld [smem:$0x7F1];
	v61 =	vld.idx.msk [tilespmem:v4+s12+$0x0], $0xffff  }
0x2c7: {  	v6 =	vld.idx.msk [tilespmem:v2+s15+$0x0], $0xffff  }
0x2c8: {  	[tilespmem:s30+$0x1850] =	vst.add.f32.msk $0xffff, v3  }
0x2c9: {  	v3 =	vld.idx.msk [tilespmem:v5+s16+$0x0], $0xffff;
	s17 =	sld [smem:$0x7F1];
	_ =	sdelay $0x1  }
0x2ca: {  	[tilespmem:s31+$0x1850] =	vst.add.f32.msk $0xffff, v61  }
0x2cb: {  	s18 =	sld [smem:$0x7F2];
	v7 =	vld.idx.msk [tilespmem:v4+s17+$0x0], $0xffff  }
0x2cc: {  	s19 =	sld [smem:$0x7F2];
	[tilespmem:s29+$0x1860] =	vst.add.f32.msk $0xffff, v6  }
0x2cd: {  	[tilespmem:s30+$0x1860] =	vst.add.f32.msk $0xffff, v3  }
0x2ce: {  	v6 =	vld.idx.msk [tilespmem:v2+s18+$0x0], $0xffff;
	s20 =	sld [smem:$0x7F2]  }
0x2cf: {  	v3 =	vld.idx.msk [tilespmem:v5+s19+$0x0], $0xffff  }
0x2d0: {  	[tilespmem:s31+$0x1860] =	vst.add.f32.msk $0xffff, v7  }
0x2d1: {  	v7 =	vld.idx.msk [tilespmem:v4+s20+$0x0], $0xffff;
	_ =	sdelay $0x2  }
0x2d2: {  	[tilespmem:s30+$0x1870] =	vst.add.f32.msk $0xffff, v3  }
0x2d3: {  	s21 =	sadd.s32 $0x1, s11;
	[tilespmem:s29+$0x1870] =	vst.add.f32.msk $0xffff, v6;
	s30 =	sld [smem:$0x7F4]  }
0x2d4: {  	s8 =	sand.u32 $0x7, s21;
	s29 =	sld [smem:$0x7F4];
	[tilespmem:s31+$0x1870] =	vst.add.f32.msk $0xffff, v7  }
0x2d5: {  	s7 =	sadd.s32 $0x1, s21;
	s8 =	sshll.u32 s8, $0x7;
	s15 =	sld [smem:$0x7F4]  }
0x2d6: {  	s16 =	sand.u32 $0x7, s7;
	s7 =	sadd.s32 $0x1, s7;
	s12 =	sadd.s32 $0x400, s28;
	v62 =	vld.idx.msk [tilespmem:v5+s30+$0x0], $0xffff  }
0x2d7: {  	s11 =	sshll.u32 s16, $0x7;
	v3 =	vld.idx.msk [tilespmem:v2+s29+$0x0], $0xffff;
	s6 =	sadd.s32 s8, s12;
	s12 =	sadd.s32 $0x400, s12  }
0x2d8: {  	s8 =	sor.u32 $0x1C00, s6;
	s17 =	sand.u32 $0x7, s7;
	s7 =	sadd.s32 s11, s12;
	v7 =	vld.idx.msk [tilespmem:v4+s15+$0x0], $0xffff  }
0x2d9: {  	s18 =	sadd.s32 $0x400, s12;
	s19 =	sshll.u32 s17, $0x7;
	s16 =	sor.u32 $0x1C00, s7  }
0x2da: {  	s21 =	sadd.s32 s16, s26;
	s20 =	sadd.s32 s8, s26;
	s8 =	sadd.s32 s19, s18  }
0x2db: {  	[tilespmem:s21+$0x0] =	vst.add.f32.msk $0xffff, v62;
	s12 =	sor.u32 $0x1C00, s8  }
0x2dc: {  	s29 =	sld [smem:$0x7F6];
	[tilespmem:s20+$0x0] =	vst.add.f32.msk $0xffff, v3;
	s28 =	sadd.s32 s12, s26  }
0x2dd: {  	s15 =	sld [smem:$0x7F6];
	[tilespmem:s28+$0x0] =	vst.add.f32.msk $0xffff, v7  }
0x2de: {  	s11 =	sld [smem:$0x7F6]  }
0x2df: {  	v6 =	vld.idx.msk [tilespmem:v5+s29+$0x0], $0xffff  }
0x2e0: {  	v3 =	vld.idx.msk [tilespmem:v2+s15+$0x0], $0xffff  }
0x2e1: {  	v7 =	vld.idx.msk [tilespmem:v4+s11+$0x0], $0xffff  }
0x2e2: {  	s31 =	sor.u32 $0x1C10, s7  }
0x2e3: {  	s30 =	sor.u32 $0x1C10, s6;
	s12 =	sadd.s32 s31, s26  }
0x2e4: {  	[tilespmem:s12+$0x0] =	vst.add.f32.msk $0xffff, v6;
	s15 =	sor.u32 $0x1C10, s8;
	s11 =	sadd.s32 s30, s26  }
0x2e5: {  	s18 =	sld [smem:$0x7F8];
	s17 =	sadd.s32 s15, s26;
	[tilespmem:s11+$0x0] =	vst.add.f32.msk $0xffff, v3  }
0x2e6: {  	s16 =	sld [smem:$0x7F8];
	[tilespmem:s17+$0x0] =	vst.add.f32.msk $0xffff, v7  }
0x2e7: {  	s11 =	sld [smem:$0x7F8]  }
0x2e8: {  	v6 =	vld.idx.msk [tilespmem:v5+s18+$0x0], $0xffff  }
0x2e9: {  	v3 =	vld.idx.msk [tilespmem:v2+s16+$0x0], $0xffff  }
0x2ea: {  	v7 =	vld.idx.msk [tilespmem:v4+s11+$0x0], $0xffff  }
0x2eb: {  	s20 =	sor.u32 $0x1C20, s7  }
0x2ec: {  	s19 =	sor.u32 $0x1C20, s6;
	s21 =	sadd.s32 s20, s26  }
0x2ed: {  	s28 =	sor.u32 $0x1C20, s8;
	[tilespmem:s21+$0x0] =	vst.add.f32.msk $0xffff, v6;
	s11 =	sadd.s32 s19, s26  }
0x2ee: {  	s31 =	sld [smem:$0x7F9];
	s30 =	sadd.s32 s28, s26;
	[tilespmem:s11+$0x0] =	vst.add.f32.msk $0xffff, v3  }
0x2ef: {  	s29 =	sld [smem:$0x7F9];
	[tilespmem:s30+$0x0] =	vst.add.f32.msk $0xffff, v7  }
0x2f0: {  	s11 =	sld [smem:$0x7F9]  }
0x2f1: {  	v6 =	vld.idx.msk [tilespmem:v5+s31+$0x0], $0xffff  }
0x2f2: {  	v3 =	vld.idx.msk [tilespmem:v2+s29+$0x0], $0xffff  }
0x2f3: {  	v7 =	vld.idx.msk [tilespmem:v4+s11+$0x0], $0xffff  }
0x2f4: {  	s15 =	sor.u32 $0x1C30, s7  }
0x2f5: {  	s12 =	sor.u32 $0x1C30, s6;
	s16 =	sadd.s32 s15, s26  }
0x2f6: {  	s17 =	sor.u32 $0x1C30, s8;
	[tilespmem:s16+$0x0] =	vst.add.f32.msk $0xffff, v6;
	s11 =	sadd.s32 s12, s26  }
0x2f7: {  	s20 =	sld [smem:$0x7FA];
	s19 =	sadd.s32 s17, s26;
	[tilespmem:s11+$0x0] =	vst.add.f32.msk $0xffff, v3  }
0x2f8: {  	s18 =	sld [smem:$0x7FA];
	[tilespmem:s19+$0x0] =	vst.add.f32.msk $0xffff, v7  }
0x2f9: {  	s11 =	sld [smem:$0x7FA]  }
0x2fa: {  	v6 =	vld.idx.msk [tilespmem:v5+s20+$0x0], $0xffff  }
0x2fb: {  	v3 =	vld.idx.msk [tilespmem:v2+s18+$0x0], $0xffff  }
0x2fc: {  	v7 =	vld.idx.msk [tilespmem:v4+s11+$0x0], $0xffff  }
0x2fd: {  	s28 =	sor.u32 $0x1C40, s7  }
0x2fe: {  	s21 =	sor.u32 $0x1C40, s6;
	s29 =	sadd.s32 s28, s26  }
0x2ff: {  	s30 =	sor.u32 $0x1C40, s8;
	[tilespmem:s29+$0x0] =	vst.add.f32.msk $0xffff, v6;
	s11 =	sadd.s32 s21, s26  }
0x300: {  	s16 =	sld [smem:$0x7FB];
	s12 =	sadd.s32 s30, s26;
	[tilespmem:s11+$0x0] =	vst.add.f32.msk $0xffff, v3  }
0x301: {  	s31 =	sld [smem:$0x7FB];
	[tilespmem:s12+$0x0] =	vst.add.f32.msk $0xffff, v7  }
0x302: {  	s11 =	sld [smem:$0x7FB]  }
0x303: {  	v6 =	vld.idx.msk [tilespmem:v5+s16+$0x0], $0xffff  }
0x304: {  	v3 =	vld.idx.msk [tilespmem:v2+s31+$0x0], $0xffff  }
0x305: {  	v7 =	vld.idx.msk [tilespmem:v4+s11+$0x0], $0xffff  }
0x306: {  	s18 =	sor.u32 $0x1C50, s7  }
0x307: {  	s17 =	sor.u32 $0x1C50, s6;
	s19 =	sadd.s32 s18, s26  }
0x308: {  	s20 =	sor.u32 $0x1C50, s8;
	[tilespmem:s19+$0x0] =	vst.add.f32.msk $0xffff, v6;
	s11 =	sadd.s32 s17, s26  }
0x309: {  	s28 =	sadd.s32 s20, s26;
	s29 =	sld [smem:$0x7FC];
	[tilespmem:s11+$0x0] =	vst.add.f32.msk $0xffff, v3  }
0x30a: {  	s21 =	sld [smem:$0x7FC];
	[tilespmem:s28+$0x0] =	vst.add.f32.msk $0xffff, v7  }
0x30b: {  	s11 =	sld [smem:$0x7FC]  }
0x30c: {  	v6 =	vld.idx.msk [tilespmem:v5+s29+$0x0], $0xffff  }
0x30d: {  	v3 =	vld.idx.msk [tilespmem:v2+s21+$0x0], $0xffff  }
0x30e: {  	v7 =	vld.idx.msk [tilespmem:v4+s11+$0x0], $0xffff  }
0x30f: {  	s31 =	sor.u32 $0x1C60, s7  }
0x310: {  	s30 =	sor.u32 $0x1C60, s6;
	s12 =	sadd.s32 s31, s26  }
0x311: {  	s15 =	sor.u32 $0x1C60, s8;
	[tilespmem:s12+$0x0] =	vst.add.f32.msk $0xffff, v6;
	s11 =	sadd.s32 s30, s26  }
0x312: {  	s18 =	sld [smem:$0x7FD];
	s17 =	sadd.s32 s15, s26;
	[tilespmem:s11+$0x0] =	vst.add.f32.msk $0xffff, v3  }
0x313: {  	s16 =	sld [smem:$0x7FD];
	[tilespmem:s17+$0x0] =	vst.add.f32.msk $0xffff, v7  }
0x314: {  	v1 =	vld.idx.msk [tilespmem:v1+s10+$0x0], $0xffff;
	s19 =	sld [smem:$0x7FD]  }
0x315: {  	v3 =	vld.idx.msk [tilespmem:v5+s18+$0x0], $0xffff  }
0x316: {  	v2 =	vld.idx.msk [tilespmem:v2+s16+$0x0], $0xffff  }
0x317: {  	s24 =	sadd.s32 $0x1, s24;
	v63 =	vld.idx.msk [tilespmem:v4+s19+$0x0], $0xffff  }
0x318: {  	s1 =	sadd.s32 s1, s26;
	p0 =	sne.s32 s24, $0x20;
	s21 =	sor.u32 $0x1C70, s7  }
.Ltmp1:
0x319: {  	[tilespmem:s1+$0x0] =	vst.add.f32.msk $0xffff, v1;
	s6 =	sor.u32 $0x1C70, s6;
	s28 =	sadd.s32 s21, s26;
	(pc) =	sbr.rel @p0 .LBB2_2-.Ltmp1, $4  }
0x31a: {  	s4 =	sadd.s32 s5, s4;
	s20 =	sadd.s32 s6, s26;
	s29 =	sor.u32 $0x1C70, s8;
	[tilespmem:s28+$0x0] =	vst.add.f32.msk $0xffff, v3  }
0x31b: {  	s23 =	sadd.s32 $0x10, s23;
	s4 =	sshll.u32 s4, $0x7;
	s30 =	sadd.s32 s29, s26;
	[tilespmem:s20+$0x0] =	vst.add.f32.msk $0xffff, v2  }
0x31c: {  	s4 =	sadd.s32 s2, s4;
	s31 =	sadd.s32 $0x8, s25;
	s25 =	smov.u32 s0;
	[tilespmem:s30+$0x0] =	vst.add.f32.msk $0xffff, v63  }
0x31d: {  	[hbm4b:s4+s3] =	stream.linear.scatter [tilespmem:s26], [sflag:s31], $0x4000, $0x38;
	[tilespmem:$0x1DA00] =	vst v63  }
0x31e: {  	s0 =	simm.s32 $0xC  }
0x31f: {  	_ =	swait.ge [sflag:s0], $0x4000  }
0x320: {  	[sflag:s0] =	ssyncset.done $0x0  }
0x321: {  	s25 =	simm.s32 $0xD;
	[sflag:s0] =	ssyncadd.s32 $0xFFFFC000  }
0x322: {  	_ =	swait.ge [sflag:s25], $0x4000  }
0x323: {  	[sflag:s25] =	ssyncset.done $0x0  }
0x324: {  	s26 =	simm.s32 $0xE;
	[sflag:s25] =	ssyncadd.s32 $0xFFFFC000  }
0x325: {  	_ =	swait.ge [sflag:s26], $0x4000  }
0x326: {  	[sflag:s26] =	ssyncset.done $0x0  }
0x327: {  	s28 =	simm.s32 $0x8;
	[sflag:s26] =	ssyncadd.s32 $0xFFFFC000  }
0x328: {  	_ =	swait.ge [sflag:s28], $0x4000  }
0x329: {  	[sflag:s28] =	ssyncset.done $0x0  }
0x32a: {  	s29 =	simm.s32 $0x9;
	[sflag:s28] =	ssyncadd.s32 $0xFFFFC000  }
0x32b: {  	_ =	swait.ge [sflag:s29], $0x4000  }
0x32c: {  	[sflag:s29] =	ssyncset.done $0x0  }
0x32d: {  	s30 =	simm.s32 $0xA;
	[sflag:s29] =	ssyncadd.s32 $0xFFFFC000  }
0x32e: {  	_ =	swait.ge [sflag:s30], $0x4000  }
0x32f: {  	[sflag:s30] =	ssyncset.done $0x0  }
0x330: {  	s1 =	simm.s32 $0xB;
	[sflag:s30] =	ssyncadd.s32 $0xFFFFC000  }
0x331: {  	_ =	swait.ge [sflag:s1], $0x4000  }
0x332: {  	s31 =	sld [smem:$0x7F7];
	_ =	sdelay $0x1  }
0x333: {  	s22 =	sadd.s32 $0x1, s22  }
0x334: {  	p0 =	sne.s32 s22, s31  }
.Ltmp2:
0x335: {  	_ = 	snop;
	(pc) =	sbr.rel @p0 .LBB2_1-.Ltmp2, $3  }
0x336: {  	_ =	sdelay $0x1  }
0x337: {  	[sflag:s1] =	ssyncset.done $0x0  }
0x338: {  	[sflag:s1] =	ssyncadd.s32 $0xFFFFC000  }
0x339: {  	_ =	sfence.sel $0x180000  }
0x33a: {  	[bflag:$0x0] =	sbarrier.arrive $0xFFFF  }
0x33b: {  	_ =	strace $0x90000047  }
0x33c: {  	s0 =	stileid.u32;
	[bflag:$0x2] =	sbarrier.arrive $0xFFFF  }
0x33d: {  	p0 =	sne.s32 s0, $0x0;
	s0 =	rddreg [dreg:$0x4]  }
0x33e: {  	s0 =	sadd.s32 @!p0 $0x100000, s0  }
0x33f: {  	[sflag:s0] =	ssyncadd.tile.s32 @!p0 $0x1;
	_ =	shalt  }
.Lfunc_end2:
_tile_overlayer_lowered:
.L_overlay_start_2:
0x340: {  	(tag) =	ssettag $0x2  }
0x341: {  	s0 =	rddreg [dreg:$0x0];
	s2 =	stileid.u32  }
0x342: {  	s1 =	rddreg [dreg:$0x1];
	p0 =	sne.s32 s2, $0x0  }
0x343: {  	s3 =	rddreg [dreg:$0x2];
	[bflag:$0x3] =	sbarrier.arrive $0xFFFF;
	s2 =	simm.s32 @!p0 $0x1C0F  }
0x344: {  	[timem:s3], [sflag:s2] =	dma.local @!p0 [hbm:s0], s1  }
0x345: {  	s0 =	simm.s32 @!p0 $0xF  }
0x346: {  	_ =	swait.ge @!p0 [sflag:s0], s1  }
0x347: {  	s1 =	ssub.s32 @!p0 $0x0, s1;
	[sflag:s0] =	ssyncset.done @!p0 $0x0  }
0x348: {  	[sflag:s0] =	ssyncadd.s32 @!p0 s1  }
0x349: {  	[bflag:$0x3] =	sbarrier.arrive $0xFFFF  }
0x34a: {  	_ =	shalt  }

</sc_bundles>
